<compile_context>
chip_gen: v7x
topology: tpu7x:2x2x1
jax: 0.10.2.dev20260603
libtpu: 0.0.44.dev20260713+nightly
codegen_flags: <defaults>
</compile_context>

<pallas_src>
import functools

import jax
import jax.numpy as jnp
from jax import lax
from jax.experimental import pallas as pl
from jax.experimental.pallas import tpu as pltpu
from jax.experimental.pallas import tpu_sc as plsc

B = 16384
D = 32
NROWS = 1000000
NC = 2
NS = 16
NW = NC * NS
B_PER_W = B // NW
WAVE = 8
NWAVE = B_PER_W // WAVE
NBAND = 4
CLEAN = (NROWS // 128) * 128
NTAIL = NROWS - CLEAN
MAXTC = CLEAN // 128 - 1


def _tile_block_gather():
    mesh = plsc.VectorSubcoreMesh(core_axis_name="c", subcore_axis_name="s")

    @functools.partial(
        pl.kernel,
        mesh=mesh,
        out_type=jax.ShapeDtypeStruct((D, B), jnp.float32),
        scratch_types=[
            pltpu.VMEM((B_PER_W,), jnp.int32),
            pltpu.VMEM((2 * WAVE, D, 128), jnp.float32),
            pltpu.VMEM((D, B_PER_W), jnp.float32),
            pltpu.VMEM((NTAIL * D,), jnp.float32),
            pltpu.SemaphoreType.DMA,
            pltpu.SemaphoreType.DMA,
        ],
        compiler_params=pltpu.CompilerParams(
            use_tc_tiling_on_sc=True, needs_layout_passes=False
        ),
    )
    def k(table_hbm, idx_hbm, tail_hbm, out_hbm, idx_v, staged, slab, tailv,
          sem0, sem1):
        wid = lax.axis_index("s") * NC + lax.axis_index("c")
        base = wid * B_PER_W
        pltpu.sync_copy(idx_hbm.at[pl.ds(base, B_PER_W)], idx_v)
        pltpu.sync_copy(tail_hbm, tailv)

        iota = lax.iota(jnp.int32, 16)

        NB = B_PER_W // 16

        def batch_vec(b):
            return idx_v[pl.ds(b * 16, 16)]

        def wave_scalars(ivec, h):
            return [ivec[h * WAVE + t] for t in range(WAVE)]

        table_3d = table_hbm.reshape(NBAND, 8, 1000000)

        def fire(ivec, h, p, sem):
            for t, i in enumerate(wave_scalars(ivec, h)):
                tc = jnp.minimum(i >> 7, MAXTC)
                tcoff = pl.multiple_of(tc << 7, 128)
                pltpu.async_copy(
                    table_3d.at[:, :, pl.ds(tcoff, 128)],
                    staged.at[p * WAVE + t].reshape(NBAND, 8, 128),
                    sem,
                )

        def drain(sem):
            for _ in range(WAVE):
                pltpu.make_async_copy(
                    table_3d.at[:, :, pl.ds(0, 128)],
                    staged.at[0].reshape(NBAND, 8, 128),
                    sem,
                ).wait()

        def extract(ivec, h, p, col0):
            for t, i in enumerate(wave_scalars(ivec, h)):
                slot = jnp.full((16,), p * WAVE + t, jnp.int32)
                lane = jnp.full((16,), i & 127, jnp.int32)
                lo = plsc.load_gather(staged, [slot, iota, lane])
                hi = plsc.load_gather(staged, [slot, iota + 16, lane])
                tpos = jnp.clip(i - CLEAN, 0, NTAIL - 1) * D + iota
                tlo = plsc.load_gather(tailv, [tpos])
                thi = plsc.load_gather(tailv, [tpos + 16])
                is_tail = jnp.full((16,), i, jnp.int32) >= CLEAN
                lo = jnp.where(is_tail, tlo, lo)
                hi = jnp.where(is_tail, thi, hi)
                colv = jnp.full((16,), col0 + t, jnp.int32)
                plsc.store_scatter(slab, [iota, colv], lo)
                plsc.store_scatter(slab, [iota + 16, colv], hi)

        fire(batch_vec(0), 0, 0, sem0)

        def body(b, _):
            ivec = batch_vec(b)
            ivec_next = idx_v[pl.ds(jnp.minimum(b + 1, NB - 1) * 16, 16)]

            drain(sem0)
            fire(ivec, 1, 1, sem1)
            extract(ivec, 0, 0, b * 16)

            drain(sem1)

            @pl.when(b + 1 < NB)
            def _():
                fire(ivec_next, 0, 0, sem0)

            extract(ivec, 1, 1, b * 16 + WAVE)
            return ()

        lax.fori_loop(0, NB, body, (), unroll=False)
        pltpu.sync_copy(slab, out_hbm.at[:, pl.ds(base, B_PER_W)])

    return k


def kernel(dataset, indices):
    table_t = dataset.T
    idx = indices.astype(jnp.int32)
    tail = lax.slice(dataset, (CLEAN, 0), (NROWS, D)).reshape(-1)
    out_t = _tile_block_gather()(table_t, idx, tail)
    return out_t.T

# --- scband reference (transcript-rebuilt; emitter-appended) ---
"""Pipeline reference for scband-net-76948634075653 (READ-ONLY COPY).

The authoritative reference and input builder live on the scoring server;
editing this copy changes nothing except your own understanding.
"""

import jax, jax.numpy as jnp
import numpy as np

def setup_inputs(seed: int = 0) -> dict:
    key = jax.random.key(seed)
    k1, k2 = jax.random.split(key)
    dataset = jax.random.normal(k1, (1000000, 32), dtype=jnp.float32)
    indices = jax.random.randint(k2, (16384,), 0, 1000000, dtype=jnp.int64 if jax.config.jax_enable_x64 else jnp.int32)
    return {"dataset": dataset, "indices": indices}

def reference(dataset, indices):
    # Faithful translation: dataset[indices] as a float tensor (gather along axis 0)
    return jnp.take(dataset, indices, axis=0).astype(jnp.float32)

if __name__ == "__main__":
    import jax
    _d = setup_inputs()
    print(jax.jit(kernel)(*tuple(_d.values())))

</pallas_src>

<mosaic_0001>
#map = affine_map<(d0, d1) -> (0, 0)>
#map1 = affine_map<(d0, d1) -> (0)>
module attributes {stable_mosaic.version = 14 : i64} {
  func.func @k(%arg0: i32, %arg1: i32, %arg2: memref<32x1000000xf32, #tpu.memory_space<hbm>>, %arg3: memref<16384xi32, #tpu.memory_space<hbm>>, %arg4: memref<2048xf32, #tpu.memory_space<hbm>>, %arg5: memref<32x16384xf32, #tpu.memory_space<hbm>>, %arg6: memref<512xi32, #tpu.memory_space<vmem>>, %arg7: memref<16x32x128xf32, #tpu.memory_space<vmem>>, %arg8: memref<32x512xf32, #tpu.memory_space<vmem>>, %arg9: memref<2048xf32, #tpu.memory_space<vmem>>, %arg10: memref<!tpu.dma_semaphore, #tpu.memory_space<semaphore_mem>>, %arg11: memref<!tpu.dma_semaphore, #tpu.memory_space<semaphore_mem>>) attributes {dimension_semantics = [#tpu.dimension_semantics<core_parallel>, #tpu.dimension_semantics<subcore_parallel>], iteration_bounds = array<i64: 2, 16>, scalar_prefetch = 0 : i64, scratch_operands = 6 : i64, tpu.core_type = #tpu.core_type<sc_vector_subcore>, window_params = [{transform_indices = #map}, {transform_indices = #map1}, {transform_indices = #map1}, {transform_indices = #map}]} {
    %mul3A = arith.constant 2 : i32
    %mul3A_0 = arith.muli %arg1, %mul3A : i32
    %add3A = arith.addi %mul3A_0, %arg0 : i32
    %mul3A_1 = arith.constant 512 : i32
    %mul3A_2 = arith.muli %add3A, %mul3A_1 : i32
    "tpu.region"() ({
      %run_scoped3A = tpu.sem_alloc : memref<!tpu.dma_semaphore, #tpu.memory_space<semaphore_mem>>
      %dma_start3A_225 = tpu.memref_slice %arg3[%mul3A_2] : memref<16384xi32, #tpu.memory_space<hbm>> -> memref<512xi32, #tpu.memory_space<hbm>>
      %dma_start3A_226 = tpu.memref_slice %arg3[%mul3A_2] : memref<16384xi32, #tpu.memory_space<hbm>> -> memref<512xi32, #tpu.memory_space<hbm>>
      tpu.enqueue_dma source(%dma_start3A_226 : memref<512xi32, #tpu.memory_space<hbm>>) target(%arg6 : memref<512xi32, #tpu.memory_space<vmem>>) target_semaphore(%run_scoped3A : memref<!tpu.dma_semaphore, #tpu.memory_space<semaphore_mem>>)
      %dma_wait3A = tpu.memref_slice %arg3[%mul3A_2] : memref<16384xi32, #tpu.memory_space<hbm>> -> memref<512xi32, #tpu.memory_space<hbm>>
      %dma_wait3A_227 = tpu.memref_slice %arg3[%mul3A_2] : memref<16384xi32, #tpu.memory_space<hbm>> -> memref<512xi32, #tpu.memory_space<hbm>>
      tpu.wait_dma2 semaphore(%run_scoped3A : memref<!tpu.dma_semaphore, #tpu.memory_space<semaphore_mem>>) src(%dma_wait3A_227 : memref<512xi32, #tpu.memory_space<hbm>>) dst(%arg6 : memref<512xi32, #tpu.memory_space<vmem>>)
      tpu.yield
    }) : () -> ()
    "tpu.region"() ({
      %run_scoped3A = tpu.sem_alloc : memref<!tpu.dma_semaphore, #tpu.memory_space<semaphore_mem>>
      tpu.enqueue_dma source(%arg4 : memref<2048xf32, #tpu.memory_space<hbm>>) target(%arg9 : memref<2048xf32, #tpu.memory_space<vmem>>) target_semaphore(%run_scoped3A : memref<!tpu.dma_semaphore, #tpu.memory_space<semaphore_mem>>)
      tpu.wait_dma2 semaphore(%run_scoped3A : memref<!tpu.dma_semaphore, #tpu.memory_space<semaphore_mem>>) src(%arg4 : memref<2048xf32, #tpu.memory_space<hbm>>) dst(%arg9 : memref<2048xf32, #tpu.memory_space<vmem>>)
      tpu.yield
    }) : () -> ()
    %iota3A = tpu.iota {dimensions = array<i32: 0>} : vector<16xi32>
    %get3A = arith.constant 0 : index
    %get3A_3 = tpu.vector_load %arg6[%get3A] {strides = array<i32>} : memref<512xi32, #tpu.memory_space<vmem>>, vector<16xi32>,
    %slice3A = vector.extract_strided_slice %get3A_3 {offsets = [0], sizes = [1], strides = [1]} : vector<16xi32> to vector<1xi32>
    %squeeze3A = vector.extract %slice3A[0] : i32 from vector<1xi32>
    %slice3A_4 = vector.extract_strided_slice %get3A_3 {offsets = [1], sizes = [1], strides = [1]} : vector<16xi32> to vector<1xi32>
    %squeeze3A_5 = vector.extract %slice3A_4[0] : i32 from vector<1xi32>
    %slice3A_6 = vector.extract_strided_slice %get3A_3 {offsets = [2], sizes = [1], strides = [1]} : vector<16xi32> to vector<1xi32>
    %squeeze3A_7 = vector.extract %slice3A_6[0] : i32 from vector<1xi32>
    %slice3A_8 = vector.extract_strided_slice %get3A_3 {offsets = [3], sizes = [1], strides = [1]} : vector<16xi32> to vector<1xi32>
    %squeeze3A_9 = vector.extract %slice3A_8[0] : i32 from vector<1xi32>
    %slice3A_10 = vector.extract_strided_slice %get3A_3 {offsets = [4], sizes = [1], strides = [1]} : vector<16xi32> to vector<1xi32>
    %squeeze3A_11 = vector.extract %slice3A_10[0] : i32 from vector<1xi32>
    %slice3A_12 = vector.extract_strided_slice %get3A_3 {offsets = [5], sizes = [1], strides = [1]} : vector<16xi32> to vector<1xi32>
    %squeeze3A_13 = vector.extract %slice3A_12[0] : i32 from vector<1xi32>
    %slice3A_14 = vector.extract_strided_slice %get3A_3 {offsets = [6], sizes = [1], strides = [1]} : vector<16xi32> to vector<1xi32>
    %squeeze3A_15 = vector.extract %slice3A_14[0] : i32 from vector<1xi32>
    %slice3A_16 = vector.extract_strided_slice %get3A_3 {offsets = [7], sizes = [1], strides = [1]} : vector<16xi32> to vector<1xi32>
    %squeeze3A_17 = vector.extract %slice3A_16[0] : i32 from vector<1xi32>
    %shift_right_arithmetic3A = arith.constant 7 : i32
    %shift_right_arithmetic3A_18 = arith.shrsi %squeeze3A, %shift_right_arithmetic3A : i32
    %min3A = arith.constant 7811 : i32
    %min3A_19 = arith.minsi %shift_right_arithmetic3A_18, %min3A : i32
    %shift_left3A = arith.constant 7 : i32
    %shift_left3A_20 = arith.shli %min3A_19, %shift_left3A : i32
    %multiple_of3A = tpu.assume_multiple %shift_left3A_20, 128 : i32
    %dma_start3A = arith.constant 0 : i32
    %dma_start3A_21 = arith.constant 0 : i32
    %dma_start3A_22 = arith.constant 0 : i32
    %dma_start3A_23 = tpu.memref_slice %arg7[%dma_start3A, %dma_start3A_21, %dma_start3A_22] : memref<16x32x128xf32, #tpu.memory_space<vmem>> -> memref<1x32x128xf32, #tpu.memory_space<vmem>>
    %dma_start3A_24 = tpu.memref_squeeze %dma_start3A_23 : memref<1x32x128xf32, #tpu.memory_space<vmem>> -> memref<32x128xf32, #tpu.memory_space<vmem>>
    %dma_start3A_25 = tpu.memref_reshape %dma_start3A_24 : memref<32x128xf32, #tpu.memory_space<vmem>> -> memref<4x8x128xf32, #tpu.memory_space<vmem>>
    %dma_start3A_26 = tpu.memref_reshape %arg2 : memref<32x1000000xf32, #tpu.memory_space<hbm>> -> memref<4x8x1000000xf32, #tpu.memory_space<hbm>>
    %dma_start3A_27 = arith.constant 0 : i32
    %dma_start3A_28 = arith.constant 0 : i32
    %dma_start3A_29 = tpu.memref_slice %dma_start3A_26[%dma_start3A_27, %dma_start3A_28, %multiple_of3A] : memref<4x8x1000000xf32, #tpu.memory_space<hbm>> -> memref<4x8x128xf32, #tpu.memory_space<hbm>>
    %dma_start3A_30 = arith.constant 0 : i32
    %dma_start3A_31 = arith.constant 0 : i32
    %dma_start3A_32 = tpu.memref_slice %arg7[%dma_start3A, %dma_start3A_30, %dma_start3A_31] : memref<16x32x128xf32, #tpu.memory_space<vmem>> -> memref<1x32x128xf32, #tpu.memory_space<vmem>>
    %dma_start3A_33 = tpu.memref_squeeze %dma_start3A_32 : memref<1x32x128xf32, #tpu.memory_space<vmem>> -> memref<32x128xf32, #tpu.memory_space<vmem>>
    %dma_start3A_34 = tpu.memref_reshape %dma_start3A_33 : memref<32x128xf32, #tpu.memory_space<vmem>> -> memref<4x8x128xf32, #tpu.memory_space<vmem>>
    %dma_start3A_35 = tpu.memref_reshape %arg2 : memref<32x1000000xf32, #tpu.memory_space<hbm>> -> memref<4x8x1000000xf32, #tpu.memory_space<hbm>>
    %dma_start3A_36 = arith.constant 0 : i32
    %dma_start3A_37 = arith.constant 0 : i32
    %dma_start3A_38 = tpu.memref_slice %dma_start3A_35[%dma_start3A_36, %dma_start3A_37, %multiple_of3A] : memref<4x8x1000000xf32, #tpu.memory_space<hbm>> -> memref<4x8x128xf32, #tpu.memory_space<hbm>>
    tpu.enqueue_dma source(%dma_start3A_38 : memref<4x8x128xf32, #tpu.memory_space<hbm>>) target(%dma_start3A_34 : memref<4x8x128xf32, #tpu.memory_space<vmem>>) target_semaphore(%arg10 : memref<!tpu.dma_semaphore, #tpu.memory_space<semaphore_mem>>)
    %shift_right_arithmetic3A_39 = arith.constant 7 : i32
    %shift_right_arithmetic3A_40 = arith.shrsi %squeeze3A_5, %shift_right_arithmetic3A_39 : i32
    %min3A_41 = arith.constant 7811 : i32
    %min3A_42 = arith.minsi %shift_right_arithmetic3A_40, %min3A_41 : i32
    %shift_left3A_43 = arith.constant 7 : i32
    %shift_left3A_44 = arith.shli %min3A_42, %shift_left3A_43 : i32
    %multiple_of3A_45 = tpu.assume_multiple %shift_left3A_44, 128 : i32
    %dma_start3A_46 = arith.constant 1 : i32
    %dma_start3A_47 = arith.constant 0 : i32
    %dma_start3A_48 = arith.constant 0 : i32
    %dma_start3A_49 = tpu.memref_slice %arg7[%dma_start3A_46, %dma_start3A_47, %dma_start3A_48] : memref<16x32x128xf32, #tpu.memory_space<vmem>> -> memref<1x32x128xf32, #tpu.memory_space<vmem>>
    %dma_start3A_50 = tpu.memref_squeeze %dma_start3A_49 : memref<1x32x128xf32, #tpu.memory_space<vmem>> -> memref<32x128xf32, #tpu.memory_space<vmem>>
    %dma_start3A_51 = tpu.memref_reshape %dma_start3A_50 : memref<32x128xf32, #tpu.memory_space<vmem>> -> memref<4x8x128xf32, #tpu.memory_space<vmem>>
    %dma_start3A_52 = tpu.memref_reshape %arg2 : memref<32x1000000xf32, #tpu.memory_space<hbm>> -> memref<4x8x1000000xf32, #tpu.memory_space<hbm>>
    %dma_start3A_53 = arith.constant 0 : i32
    %dma_start3A_54 = arith.constant 0 : i32
    %dma_start3A_55 = tpu.memref_slice %dma_start3A_52[%dma_start3A_53, %dma_start3A_54, %multiple_of3A_45] : memref<4x8x1000000xf32, #tpu.memory_space<hbm>> -> memref<4x8x128xf32, #tpu.memory_space<hbm>>
    %dma_start3A_56 = arith.constant 0 : i32
    %dma_start3A_57 = arith.constant 0 : i32
    %dma_start3A_58 = tpu.memref_slice %arg7[%dma_start3A_46, %dma_start3A_56, %dma_start3A_57] : memref<16x32x128xf32, #tpu.memory_space<vmem>> -> memref<1x32x128xf32, #tpu.memory_space<vmem>>
    %dma_start3A_59 = tpu.memref_squeeze %dma_start3A_58 : memref<1x32x128xf32, #tpu.memory_space<vmem>> -> memref<32x128xf32, #tpu.memory_space<vmem>>
    %dma_start3A_60 = tpu.memref_reshape %dma_start3A_59 : memref<32x128xf32, #tpu.memory_space<vmem>> -> memref<4x8x128xf32, #tpu.memory_space<vmem>>
    %dma_start3A_61 = tpu.memref_reshape %arg2 : memref<32x1000000xf32, #tpu.memory_space<hbm>> -> memref<4x8x1000000xf32, #tpu.memory_space<hbm>>
    %dma_start3A_62 = arith.constant 0 : i32
    %dma_start3A_63 = arith.constant 0 : i32
    %dma_start3A_64 = tpu.memref_slice %dma_start3A_61[%dma_start3A_62, %dma_start3A_63, %multiple_of3A_45] : memref<4x8x1000000xf32, #tpu.memory_space<hbm>> -> memref<4x8x128xf32, #tpu.memory_space<hbm>>
    tpu.enqueue_dma source(%dma_start3A_64 : memref<4x8x128xf32, #tpu.memory_space<hbm>>) target(%dma_start3A_60 : memref<4x8x128xf32, #tpu.memory_space<vmem>>) target_semaphore(%arg10 : memref<!tpu.dma_semaphore, #tpu.memory_space<semaphore_mem>>)
    %shift_right_arithmetic3A_65 = arith.constant 7 : i32
    %shift_right_arithmetic3A_66 = arith.shrsi %squeeze3A_7, %shift_right_arithmetic3A_65 : i32
    %min3A_67 = arith.constant 7811 : i32
    %min3A_68 = arith.minsi %shift_right_arithmetic3A_66, %min3A_67 : i32
    %shift_left3A_69 = arith.constant 7 : i32
    %shift_left3A_70 = arith.shli %min3A_68, %shift_left3A_69 : i32
    %multiple_of3A_71 = tpu.assume_multiple %shift_left3A_70, 128 : i32
    %dma_start3A_72 = arith.constant 2 : i32
    %dma_start3A_73 = arith.constant 0 : i32
    %dma_start3A_74 = arith.constant 0 : i32
    %dma_start3A_75 = tpu.memref_slice %arg7[%dma_start3A_72, %dma_start3A_73, %dma_start3A_74] : memref<16x32x128xf32, #tpu.memory_space<vmem>> -> memref<1x32x128xf32, #tpu.memory_space<vmem>>
    %dma_start3A_76 = tpu.memref_squeeze %dma_start3A_75 : memref<1x32x128xf32, #tpu.memory_space<vmem>> -> memref<32x128xf32, #tpu.memory_space<vmem>>
    %dma_start3A_77 = tpu.memref_reshape %dma_start3A_76 : memref<32x128xf32, #tpu.memory_space<vmem>> -> memref<4x8x128xf32, #tpu.memory_space<vmem>>
    %dma_start3A_78 = tpu.memref_reshape %arg2 : memref<32x1000000xf32, #tpu.memory_space<hbm>> -> memref<4x8x1000000xf32, #tpu.memory_space<hbm>>
    %dma_start3A_79 = arith.constant 0 : i32
    %dma_start3A_80 = arith.constant 0 : i32
    %dma_start3A_81 = tpu.memref_slice %dma_start3A_78[%dma_start3A_79, %dma_start3A_80, %multiple_of3A_71] : memref<4x8x1000000xf32, #tpu.memory_space<hbm>> -> memref<4x8x128xf32, #tpu.memory_space<hbm>>
    %dma_start3A_82 = arith.constant 0 : i32
    %dma_start3A_83 = arith.constant 0 : i32
    %dma_start3A_84 = tpu.memref_slice %arg7[%dma_start3A_72, %dma_start3A_82, %dma_start3A_83] : memref<16x32x128xf32, #tpu.memory_space<vmem>> -> memref<1x32x128xf32, #tpu.memory_space<vmem>>
    %dma_start3A_85 = tpu.memref_squeeze %dma_start3A_84 : memref<1x32x128xf32, #tpu.memory_space<vmem>> -> memref<32x128xf32, #tpu.memory_space<vmem>>
    %dma_start3A_86 = tpu.memref_reshape %dma_start3A_85 : memref<32x128xf32, #tpu.memory_space<vmem>> -> memref<4x8x128xf32, #tpu.memory_space<vmem>>
    %dma_start3A_87 = tpu.memref_reshape %arg2 : memref<32x1000000xf32, #tpu.memory_space<hbm>> -> memref<4x8x1000000xf32, #tpu.memory_space<hbm>>
    %dma_start3A_88 = arith.constant 0 : i32
    %dma_start3A_89 = arith.constant 0 : i32
    %dma_start3A_90 = tpu.memref_slice %dma_start3A_87[%dma_start3A_88, %dma_start3A_89, %multiple_of3A_71] : memref<4x8x1000000xf32, #tpu.memory_space<hbm>> -> memref<4x8x128xf32, #tpu.memory_space<hbm>>
    tpu.enqueue_dma source(%dma_start3A_90 : memref<4x8x128xf32, #tpu.memory_space<hbm>>) target(%dma_start3A_86 : memref<4x8x128xf32, #tpu.memory_space<vmem>>) target_semaphore(%arg10 : memref<!tpu.dma_semaphore, #tpu.memory_space<semaphore_mem>>)
    %shift_right_arithmetic3A_91 = arith.constant 7 : i32
    %shift_right_arithmetic3A_92 = arith.shrsi %squeeze3A_9, %shift_right_arithmetic3A_91 : i32
    %min3A_93 = arith.constant 7811 : i32
    %min3A_94 = arith.minsi %shift_right_arithmetic3A_92, %min3A_93 : i32
    %shift_left3A_95 = arith.constant 7 : i32
    %shift_left3A_96 = arith.shli %min3A_94, %shift_left3A_95 : i32
    %multiple_of3A_97 = tpu.assume_multiple %shift_left3A_96, 128 : i32
    %dma_start3A_98 = arith.constant 3 : i32
    %dma_start3A_99 = arith.constant 0 : i32
    %dma_start3A_100 = arith.constant 0 : i32
    %dma_start3A_101 = tpu.memref_slice %arg7[%dma_start3A_98, %dma_start3A_99, %dma_start3A_100] : memref<16x32x128xf32, #tpu.memory_space<vmem>> -> memref<1x32x128xf32, #tpu.memory_space<vmem>>
    %dma_start3A_102 = tpu.memref_squeeze %dma_start3A_101 : memref<1x32x128xf32, #tpu.memory_space<vmem>> -> memref<32x128xf32, #tpu.memory_space<vmem>>
    %dma_start3A_103 = tpu.memref_reshape %dma_start3A_102 : memref<32x128xf32, #tpu.memory_space<vmem>> -> memref<4x8x128xf32, #tpu.memory_space<vmem>>
    %dma_start3A_104 = tpu.memref_reshape %arg2 : memref<32x1000000xf32, #tpu.memory_space<hbm>> -> memref<4x8x1000000xf32, #tpu.memory_space<hbm>>
    %dma_start3A_105 = arith.constant 0 : i32
    %dma_start3A_106 = arith.constant 0 : i32
    %dma_start3A_107 = tpu.memref_slice %dma_start3A_104[%dma_start3A_105, %dma_start3A_106, %multiple_of3A_97] : memref<4x8x1000000xf32, #tpu.memory_space<hbm>> -> memref<4x8x128xf32, #tpu.memory_space<hbm>>
    %dma_start3A_108 = arith.constant 0 : i32
    %dma_start3A_109 = arith.constant 0 : i32
    %dma_start3A_110 = tpu.memref_slice %arg7[%dma_start3A_98, %dma_start3A_108, %dma_start3A_109] : memref<16x32x128xf32, #tpu.memory_space<vmem>> -> memref<1x32x128xf32, #tpu.memory_space<vmem>>
    %dma_start3A_111 = tpu.memref_squeeze %dma_start3A_110 : memref<1x32x128xf32, #tpu.memory_space<vmem>> -> memref<32x128xf32, #tpu.memory_space<vmem>>
    %dma_start3A_112 = tpu.memref_reshape %dma_start3A_111 : memref<32x128xf32, #tpu.memory_space<vmem>> -> memref<4x8x128xf32, #tpu.memory_space<vmem>>
    %dma_start3A_113 = tpu.memref_reshape %arg2 : memref<32x1000000xf32, #tpu.memory_space<hbm>> -> memref<4x8x1000000xf32, #tpu.memory_space<hbm>>
    %dma_start3A_114 = arith.constant 0 : i32
    %dma_start3A_115 = arith.constant 0 : i32
    %dma_start3A_116 = tpu.memref_slice %dma_start3A_113[%dma_start3A_114, %dma_start3A_115, %multiple_of3A_97] : memref<4x8x1000000xf32, #tpu.memory_space<hbm>> -> memref<4x8x128xf32, #tpu.memory_space<hbm>>
    tpu.enqueue_dma source(%dma_start3A_116 : memref<4x8x128xf32, #tpu.memory_space<hbm>>) target(%dma_start3A_112 : memref<4x8x128xf32, #tpu.memory_space<vmem>>) target_semaphore(%arg10 : memref<!tpu.dma_semaphore, #tpu.memory_space<semaphore_mem>>)
    %shift_right_arithmetic3A_117 = arith.constant 7 : i32
    %shift_right_arithmetic3A_118 = arith.shrsi %squeeze3A_11, %shift_right_arithmetic3A_117 : i32
    %min3A_119 = arith.constant 7811 : i32
    %min3A_120 = arith.minsi %shift_right_arithmetic3A_118, %min3A_119 : i32
    %shift_left3A_121 = arith.constant 7 : i32
    %shift_left3A_122 = arith.shli %min3A_120, %shift_left3A_121 : i32
    %multiple_of3A_123 = tpu.assume_multiple %shift_left3A_122, 128 : i32
    %dma_start3A_124 = arith.constant 4 : i32
    %dma_start3A_125 = arith.constant 0 : i32
    %dma_start3A_126 = arith.constant 0 : i32
    %dma_start3A_127 = tpu.memref_slice %arg7[%dma_start3A_124, %dma_start3A_125, %dma_start3A_126] : memref<16x32x128xf32, #tpu.memory_space<vmem>> -> memref<1x32x128xf32, #tpu.memory_space<vmem>>
    %dma_start3A_128 = tpu.memref_squeeze %dma_start3A_127 : memref<1x32x128xf32, #tpu.memory_space<vmem>> -> memref<32x128xf32, #tpu.memory_space<vmem>>
    %dma_start3A_129 = tpu.memref_reshape %dma_start3A_128 : memref<32x128xf32, #tpu.memory_space<vmem>> -> memref<4x8x128xf32, #tpu.memory_space<vmem>>
    %dma_start3A_130 = tpu.memref_reshape %arg2 : memref<32x1000000xf32, #tpu.memory_space<hbm>> -> memref<4x8x1000000xf32, #tpu.memory_space<hbm>>
    %dma_start3A_131 = arith.constant 0 : i32
    %dma_start3A_132 = arith.constant 0 : i32
    %dma_start3A_133 = tpu.memref_slice %dma_start3A_130[%dma_start3A_131, %dma_start3A_132, %multiple_of3A_123] : memref<4x8x1000000xf32, #tpu.memory_space<hbm>> -> memref<4x8x128xf32, #tpu.memory_space<hbm>>
    %dma_start3A_134 = arith.constant 0 : i32
    %dma_start3A_135 = arith.constant 0 : i32
    %dma_start3A_136 = tpu.memref_slice %arg7[%dma_start3A_124, %dma_start3A_134, %dma_start3A_135] : memref<16x32x128xf32, #tpu.memory_space<vmem>> -> memref<1x32x128xf32, #tpu.memory_space<vmem>>
    %dma_start3A_137 = tpu.memref_squeeze %dma_start3A_136 : memref<1x32x128xf32, #tpu.memory_space<vmem>> -> memref<32x128xf32, #tpu.memory_space<vmem>>
    %dma_start3A_138 = tpu.memref_reshape %dma_start3A_137 : memref<32x128xf32, #tpu.memory_space<vmem>> -> memref<4x8x128xf32, #tpu.memory_space<vmem>>
    %dma_start3A_139 = tpu.memref_reshape %arg2 : memref<32x1000000xf32, #tpu.memory_space<hbm>> -> memref<4x8x1000000xf32, #tpu.memory_space<hbm>>
    %dma_start3A_140 = arith.constant 0 : i32
    %dma_start3A_141 = arith.constant 0 : i32
    %dma_start3A_142 = tpu.memref_slice %dma_start3A_139[%dma_start3A_140, %dma_start3A_141, %multiple_of3A_123] : memref<4x8x1000000xf32, #tpu.memory_space<hbm>> -> memref<4x8x128xf32, #tpu.memory_space<hbm>>
    tpu.enqueue_dma source(%dma_start3A_142 : memref<4x8x128xf32, #tpu.memory_space<hbm>>) target(%dma_start3A_138 : memref<4x8x128xf32, #tpu.memory_space<vmem>>) target_semaphore(%arg10 : memref<!tpu.dma_semaphore, #tpu.memory_space<semaphore_mem>>)
    %shift_right_arithmetic3A_143 = arith.constant 7 : i32
    %shift_right_arithmetic3A_144 = arith.shrsi %squeeze3A_13, %shift_right_arithmetic3A_143 : i32
    %min3A_145 = arith.constant 7811 : i32
    %min3A_146 = arith.minsi %shift_right_arithmetic3A_144, %min3A_145 : i32
    %shift_left3A_147 = arith.constant 7 : i32
    %shift_left3A_148 = arith.shli %min3A_146, %shift_left3A_147 : i32
    %multiple_of3A_149 = tpu.assume_multiple %shift_left3A_148, 128 : i32
    %dma_start3A_150 = arith.constant 5 : i32
    %dma_start3A_151 = arith.constant 0 : i32
    %dma_start3A_152 = arith.constant 0 : i32
    %dma_start3A_153 = tpu.memref_slice %arg7[%dma_start3A_150, %dma_start3A_151, %dma_start3A_152] : memref<16x32x128xf32, #tpu.memory_space<vmem>> -> memref<1x32x128xf32, #tpu.memory_space<vmem>>
    %dma_start3A_154 = tpu.memref_squeeze %dma_start3A_153 : memref<1x32x128xf32, #tpu.memory_space<vmem>> -> memref<32x128xf32, #tpu.memory_space<vmem>>
    %dma_start3A_155 = tpu.memref_reshape %dma_start3A_154 : memref<32x128xf32, #tpu.memory_space<vmem>> -> memref<4x8x128xf32, #tpu.memory_space<vmem>>
    %dma_start3A_156 = tpu.memref_reshape %arg2 : memref<32x1000000xf32, #tpu.memory_space<hbm>> -> memref<4x8x1000000xf32, #tpu.memory_space<hbm>>
    %dma_start3A_157 = arith.constant 0 : i32
    %dma_start3A_158 = arith.constant 0 : i32
    %dma_start3A_159 = tpu.memref_slice %dma_start3A_156[%dma_start3A_157, %dma_start3A_158, %multiple_of3A_149] : memref<4x8x1000000xf32, #tpu.memory_space<hbm>> -> memref<4x8x128xf32, #tpu.memory_space<hbm>>
    %dma_start3A_160 = arith.constant 0 : i32
    %dma_start3A_161 = arith.constant 0 : i32
    %dma_start3A_162 = tpu.memref_slice %arg7[%dma_start3A_150, %dma_start3A_160, %dma_start3A_161] : memref<16x32x128xf32, #tpu.memory_space<vmem>> -> memref<1x32x128xf32, #tpu.memory_space<vmem>>
    %dma_start3A_163 = tpu.memref_squeeze %dma_start3A_162 : memref<1x32x128xf32, #tpu.memory_space<vmem>> -> memref<32x128xf32, #tpu.memory_space<vmem>>
    %dma_start3A_164 = tpu.memref_reshape %dma_start3A_163 : memref<32x128xf32, #tpu.memory_space<vmem>> -> memref<4x8x128xf32, #tpu.memory_space<vmem>>
    %dma_start3A_165 = tpu.memref_reshape %arg2 : memref<32x1000000xf32, #tpu.memory_space<hbm>> -> memref<4x8x1000000xf32, #tpu.memory_space<hbm>>
    %dma_start3A_166 = arith.constant 0 : i32
    %dma_start3A_167 = arith.constant 0 : i32
    %dma_start3A_168 = tpu.memref_slice %dma_start3A_165[%dma_start3A_166, %dma_start3A_167, %multiple_of3A_149] : memref<4x8x1000000xf32, #tpu.memory_space<hbm>> -> memref<4x8x128xf32, #tpu.memory_space<hbm>>
    tpu.enqueue_dma source(%dma_start3A_168 : memref<4x8x128xf32, #tpu.memory_space<hbm>>) target(%dma_start3A_164 : memref<4x8x128xf32, #tpu.memory_space<vmem>>) target_semaphore(%arg10 : memref<!tpu.dma_semaphore, #tpu.memory_space<semaphore_mem>>)
    %shift_right_arithmetic3A_169 = arith.constant 7 : i32
    %shift_right_arithmetic3A_170 = arith.shrsi %squeeze3A_15, %shift_right_arithmetic3A_169 : i32
    %min3A_171 = arith.constant 7811 : i32
    %min3A_172 = arith.minsi %shift_right_arithmetic3A_170, %min3A_171 : i32
    %shift_left3A_173 = arith.constant 7 : i32
    %shift_left3A_174 = arith.shli %min3A_172, %shift_left3A_173 : i32
    %multiple_of3A_175 = tpu.assume_multiple %shift_left3A_174, 128 : i32
    %dma_start3A_176 = arith.constant 6 : i32
    %dma_start3A_177 = arith.constant 0 : i32
    %dma_start3A_178 = arith.constant 0 : i32
    %dma_start3A_179 = tpu.memref_slice %arg7[%dma_start3A_176, %dma_start3A_177, %dma_start3A_178] : memref<16x32x128xf32, #tpu.memory_space<vmem>> -> memref<1x32x128xf32, #tpu.memory_space<vmem>>
    %dma_start3A_180 = tpu.memref_squeeze %dma_start3A_179 : memref<1x32x128xf32, #tpu.memory_space<vmem>> -> memref<32x128xf32, #tpu.memory_space<vmem>>
    %dma_start3A_181 = tpu.memref_reshape %dma_start3A_180 : memref<32x128xf32, #tpu.memory_space<vmem>> -> memref<4x8x128xf32, #tpu.memory_space<vmem>>
    %dma_start3A_182 = tpu.memref_reshape %arg2 : memref<32x1000000xf32, #tpu.memory_space<hbm>> -> memref<4x8x1000000xf32, #tpu.memory_space<hbm>>
    %dma_start3A_183 = arith.constant 0 : i32
    %dma_start3A_184 = arith.constant 0 : i32
    %dma_start3A_185 = tpu.memref_slice %dma_start3A_182[%dma_start3A_183, %dma_start3A_184, %multiple_of3A_175] : memref<4x8x1000000xf32, #tpu.memory_space<hbm>> -> memref<4x8x128xf32, #tpu.memory_space<hbm>>
    %dma_start3A_186 = arith.constant 0 : i32
    %dma_start3A_187 = arith.constant 0 : i32
    %dma_start3A_188 = tpu.memref_slice %arg7[%dma_start3A_176, %dma_start3A_186, %dma_start3A_187] : memref<16x32x128xf32, #tpu.memory_space<vmem>> -> memref<1x32x128xf32, #tpu.memory_space<vmem>>
    %dma_start3A_189 = tpu.memref_squeeze %dma_start3A_188 : memref<1x32x128xf32, #tpu.memory_space<vmem>> -> memref<32x128xf32, #tpu.memory_space<vmem>>
    %dma_start3A_190 = tpu.memref_reshape %dma_start3A_189 : memref<32x128xf32, #tpu.memory_space<vmem>> -> memref<4x8x128xf32, #tpu.memory_space<vmem>>
    %dma_start3A_191 = tpu.memref_reshape %arg2 : memref<32x1000000xf32, #tpu.memory_space<hbm>> -> memref<4x8x1000000xf32, #tpu.memory_space<hbm>>
    %dma_start3A_192 = arith.constant 0 : i32
    %dma_start3A_193 = arith.constant 0 : i32
    %dma_start3A_194 = tpu.memref_slice %dma_start3A_191[%dma_start3A_192, %dma_start3A_193, %multiple_of3A_175] : memref<4x8x1000000xf32, #tpu.memory_space<hbm>> -> memref<4x8x128xf32, #tpu.memory_space<hbm>>
    tpu.enqueue_dma source(%dma_start3A_194 : memref<4x8x128xf32, #tpu.memory_space<hbm>>) target(%dma_start3A_190 : memref<4x8x128xf32, #tpu.memory_space<vmem>>) target_semaphore(%arg10 : memref<!tpu.dma_semaphore, #tpu.memory_space<semaphore_mem>>)
    %shift_right_arithmetic3A_195 = arith.constant 7 : i32
    %shift_right_arithmetic3A_196 = arith.shrsi %squeeze3A_17, %shift_right_arithmetic3A_195 : i32
    %min3A_197 = arith.constant 7811 : i32
    %min3A_198 = arith.minsi %shift_right_arithmetic3A_196, %min3A_197 : i32
    %shift_left3A_199 = arith.constant 7 : i32
    %shift_left3A_200 = arith.shli %min3A_198, %shift_left3A_199 : i32
    %multiple_of3A_201 = tpu.assume_multiple %shift_left3A_200, 128 : i32
    %dma_start3A_202 = arith.constant 7 : i32
    %dma_start3A_203 = arith.constant 0 : i32
    %dma_start3A_204 = arith.constant 0 : i32
    %dma_start3A_205 = tpu.memref_slice %arg7[%dma_start3A_202, %dma_start3A_203, %dma_start3A_204] : memref<16x32x128xf32, #tpu.memory_space<vmem>> -> memref<1x32x128xf32, #tpu.memory_space<vmem>>
    %dma_start3A_206 = tpu.memref_squeeze %dma_start3A_205 : memref<1x32x128xf32, #tpu.memory_space<vmem>> -> memref<32x128xf32, #tpu.memory_space<vmem>>
    %dma_start3A_207 = tpu.memref_reshape %dma_start3A_206 : memref<32x128xf32, #tpu.memory_space<vmem>> -> memref<4x8x128xf32, #tpu.memory_space<vmem>>
    %dma_start3A_208 = tpu.memref_reshape %arg2 : memref<32x1000000xf32, #tpu.memory_space<hbm>> -> memref<4x8x1000000xf32, #tpu.memory_space<hbm>>
    %dma_start3A_209 = arith.constant 0 : i32
    %dma_start3A_210 = arith.constant 0 : i32
    %dma_start3A_211 = tpu.memref_slice %dma_start3A_208[%dma_start3A_209, %dma_start3A_210, %multiple_of3A_201] : memref<4x8x1000000xf32, #tpu.memory_space<hbm>> -> memref<4x8x128xf32, #tpu.memory_space<hbm>>
    %dma_start3A_212 = arith.constant 0 : i32
    %dma_start3A_213 = arith.constant 0 : i32
    %dma_start3A_214 = tpu.memref_slice %arg7[%dma_start3A_202, %dma_start3A_212, %dma_start3A_213] : memref<16x32x128xf32, #tpu.memory_space<vmem>> -> memref<1x32x128xf32, #tpu.memory_space<vmem>>
    %dma_start3A_215 = tpu.memref_squeeze %dma_start3A_214 : memref<1x32x128xf32, #tpu.memory_space<vmem>> -> memref<32x128xf32, #tpu.memory_space<vmem>>
    %dma_start3A_216 = tpu.memref_reshape %dma_start3A_215 : memref<32x128xf32, #tpu.memory_space<vmem>> -> memref<4x8x128xf32, #tpu.memory_space<vmem>>
    %dma_start3A_217 = tpu.memref_reshape %arg2 : memref<32x1000000xf32, #tpu.memory_space<hbm>> -> memref<4x8x1000000xf32, #tpu.memory_space<hbm>>
    %dma_start3A_218 = arith.constant 0 : i32
    %dma_start3A_219 = arith.constant 0 : i32
    %dma_start3A_220 = tpu.memref_slice %dma_start3A_217[%dma_start3A_218, %dma_start3A_219, %multiple_of3A_201] : memref<4x8x1000000xf32, #tpu.memory_space<hbm>> -> memref<4x8x128xf32, #tpu.memory_space<hbm>>
    tpu.enqueue_dma source(%dma_start3A_220 : memref<4x8x128xf32, #tpu.memory_space<hbm>>) target(%dma_start3A_216 : memref<4x8x128xf32, #tpu.memory_space<vmem>>) target_semaphore(%arg10 : memref<!tpu.dma_semaphore, #tpu.memory_space<semaphore_mem>>)
    %scan3A = arith.constant 0 : i32
    %scan3A_221 = arith.constant 32 : i32
    %scan3A_222 = arith.addi %scan3A, %scan3A_221 : i32
    %scan3A_223 = arith.constant 1 : i32
    scf.for %scan3A_225 = %scan3A to %scan3A_222 step %scan3A_223  : i32 {
      %mul3A_226 = arith.constant 16 : i32
      %mul3A_227 = arith.muli %scan3A_225, %mul3A_226 : i32
      %get3A_228 = arith.index_cast %mul3A_227 : i32 to index
      %get3A_229 = tpu.vector_load %arg6[%get3A_228] {strides = array<i32>} : memref<512xi32, #tpu.memory_space<vmem>>, vector<16xi32>,
      %add3A_230 = arith.constant 1 : i32
      %add3A_231 = arith.addi %scan3A_225, %add3A_230 : i32
      %min3A_232 = arith.constant 31 : i32
      %min3A_233 = arith.minsi %add3A_231, %min3A_232 : i32
      %mul3A_234 = arith.constant 16 : i32
      %mul3A_235 = arith.muli %min3A_233, %mul3A_234 : i32
      %get3A_236 = arith.index_cast %mul3A_235 : i32 to index
      %get3A_237 = tpu.vector_load %arg6[%get3A_236] {strides = array<i32>} : memref<512xi32, #tpu.memory_space<vmem>>, vector<16xi32>,
      %dma_wait3A = arith.constant 0 : i32
      %dma_wait3A_238 = arith.constant 0 : i32
      %dma_wait3A_239 = arith.constant 0 : i32
      %dma_wait3A_240 = tpu.memref_slice %arg7[%dma_wait3A, %dma_wait3A_238, %dma_wait3A_239] : memref<16x32x128xf32, #tpu.memory_space<vmem>> -> memref<1x32x128xf32, #tpu.memory_space<vmem>>
      %dma_wait3A_241 = tpu.memref_squeeze %dma_wait3A_240 : memref<1x32x128xf32, #tpu.memory_space<vmem>> -> memref<32x128xf32, #tpu.memory_space<vmem>>
      %dma_wait3A_242 = tpu.memref_reshape %dma_wait3A_241 : memref<32x128xf32, #tpu.memory_space<vmem>> -> memref<4x8x128xf32, #tpu.memory_space<vmem>>
      %dma_wait3A_243 = tpu.memref_reshape %arg2 : memref<32x1000000xf32, #tpu.memory_space<hbm>> -> memref<4x8x1000000xf32, #tpu.memory_space<hbm>>
      %dma_wait3A_244 = arith.constant 0 : i32
      %dma_wait3A_245 = arith.constant 0 : i32
      %dma_wait3A_246 = arith.constant 0 : i32
      %dma_wait3A_247 = tpu.memref_slice %dma_wait3A_243[%dma_wait3A_244, %dma_wait3A_245, %dma_wait3A_246] : memref<4x8x1000000xf32, #tpu.memory_space<hbm>> -> memref<4x8x128xf32, #tpu.memory_space<hbm>>
      %dma_wait3A_248 = arith.constant 0 : i32
      %dma_wait3A_249 = arith.constant 0 : i32
      %dma_wait3A_250 = tpu.memref_slice %arg7[%dma_wait3A, %dma_wait3A_248, %dma_wait3A_249] : memref<16x32x128xf32, #tpu.memory_space<vmem>> -> memref<1x32x128xf32, #tpu.memory_space<vmem>>
      %dma_wait3A_251 = tpu.memref_squeeze %dma_wait3A_250 : memref<1x32x128xf32, #tpu.memory_space<vmem>> -> memref<32x128xf32, #tpu.memory_space<vmem>>
      %dma_wait3A_252 = tpu.memref_reshape %dma_wait3A_251 : memref<32x128xf32, #tpu.memory_space<vmem>> -> memref<4x8x128xf32, #tpu.memory_space<vmem>>
      %dma_wait3A_253 = tpu.memref_reshape %arg2 : memref<32x1000000xf32, #tpu.memory_space<hbm>> -> memref<4x8x1000000xf32, #tpu.memory_space<hbm>>
      %dma_wait3A_254 = arith.constant 0 : i32
      %dma_wait3A_255 = arith.constant 0 : i32
      %dma_wait3A_256 = arith.constant 0 : i32
      %dma_wait3A_257 = tpu.memref_slice %dma_wait3A_253[%dma_wait3A_254, %dma_wait3A_255, %dma_wait3A_256] : memref<4x8x1000000xf32, #tpu.memory_space<hbm>> -> memref<4x8x128xf32, #tpu.memory_space<hbm>>
      tpu.wait_dma2 semaphore(%arg10 : memref<!tpu.dma_semaphore, #tpu.memory_space<semaphore_mem>>) src(%dma_wait3A_257 : memref<4x8x128xf32, #tpu.memory_space<hbm>>) dst(%dma_wait3A_252 : memref<4x8x128xf32, #tpu.memory_space<vmem>>)
      %dma_wait3A_258 = arith.constant 0 : i32
      %dma_wait3A_259 = arith.constant 0 : i32
      %dma_wait3A_260 = arith.constant 0 : i32
      %dma_wait3A_261 = tpu.memref_slice %arg7[%dma_wait3A_258, %dma_wait3A_259, %dma_wait3A_260] : memref<16x32x128xf32, #tpu.memory_space<vmem>> -> memref<1x32x128xf32, #tpu.memory_space<vmem>>
      %dma_wait3A_262 = tpu.memref_squeeze %dma_wait3A_261 : memref<1x32x128xf32, #tpu.memory_space<vmem>> -> memref<32x128xf32, #tpu.memory_space<vmem>>
      %dma_wait3A_263 = tpu.memref_reshape %dma_wait3A_262 : memref<32x128xf32, #tpu.memory_space<vmem>> -> memref<4x8x128xf32, #tpu.memory_space<vmem>>
      %dma_wait3A_264 = tpu.memref_reshape %arg2 : memref<32x1000000xf32, #tpu.memory_space<hbm>> -> memref<4x8x1000000xf32, #tpu.memory_space<hbm>>
      %dma_wait3A_265 = arith.constant 0 : i32
      %dma_wait3A_266 = arith.constant 0 : i32
      %dma_wait3A_267 = arith.constant 0 : i32
      %dma_wait3A_268 = tpu.memref_slice %dma_wait3A_264[%dma_wait3A_265, %dma_wait3A_266, %dma_wait3A_267] : memref<4x8x1000000xf32, #tpu.memory_space<hbm>> -> memref<4x8x128xf32, #tpu.memory_space<hbm>>
      %dma_wait3A_269 = arith.constant 0 : i32
      %dma_wait3A_270 = arith.constant 0 : i32
      %dma_wait3A_271 = tpu.memref_slice %arg7[%dma_wait3A_258, %dma_wait3A_269, %dma_wait3A_270] : memref<16x32x128xf32, #tpu.memory_space<vmem>> -> memref<1x32x128xf32, #tpu.memory_space<vmem>>
      %dma_wait3A_272 = tpu.memref_squeeze %dma_wait3A_271 : memref<1x32x128xf32, #tpu.memory_space<vmem>> -> memref<32x128xf32, #tpu.memory_space<vmem>>
      %dma_wait3A_273 = tpu.memref_reshape %dma_wait3A_272 : memref<32x128xf32, #tpu.memory_space<vmem>> -> memref<4x8x128xf32, #tpu.memory_space<vmem>>
      %dma_wait3A_274 = tpu.memref_reshape %arg2 : memref<32x1000000xf32, #tpu.memory_space<hbm>> -> memref<4x8x1000000xf32, #tpu.memory_space<hbm>>
      %dma_wait3A_275 = arith.constant 0 : i32
      %dma_wait3A_276 = arith.constant 0 : i32
      %dma_wait3A_277 = arith.constant 0 : i32
      %dma_wait3A_278 = tpu.memref_slice %dma_wait3A_274[%dma_wait3A_275, %dma_wait3A_276, %dma_wait3A_277] : memref<4x8x1000000xf32, #tpu.memory_space<hbm>> -> memref<4x8x128xf32, #tpu.memory_space<hbm>>
      tpu.wait_dma2 semaphore(%arg10 : memref<!tpu.dma_semaphore, #tpu.memory_space<semaphore_mem>>) src(%dma_wait3A_278 : memref<4x8x128xf32, #tpu.memory_space<hbm>>) dst(%dma_wait3A_273 : memref<4x8x128xf32, #tpu.memory_space<vmem>>)
      %dma_wait3A_279 = arith.constant 0 : i32
      %dma_wait3A_280 = arith.constant 0 : i32
      %dma_wait3A_281 = arith.constant 0 : i32
      %dma_wait3A_282 = tpu.memref_slice %arg7[%dma_wait3A_279, %dma_wait3A_280, %dma_wait3A_281] : memref<16x32x128xf32, #tpu.memory_space<vmem>> -> memref<1x32x128xf32, #tpu.memory_space<vmem>>
      %dma_wait3A_283 = tpu.memref_squeeze %dma_wait3A_282 : memref<1x32x128xf32, #tpu.memory_space<vmem>> -> memref<32x128xf32, #tpu.memory_space<vmem>>
      %dma_wait3A_284 = tpu.memref_reshape %dma_wait3A_283 : memref<32x128xf32, #tpu.memory_space<vmem>> -> memref<4x8x128xf32, #tpu.memory_space<vmem>>
      %dma_wait3A_285 = tpu.memref_reshape %arg2 : memref<32x1000000xf32, #tpu.memory_space<hbm>> -> memref<4x8x1000000xf32, #tpu.memory_space<hbm>>
      %dma_wait3A_286 = arith.constant 0 : i32
      %dma_wait3A_287 = arith.constant 0 : i32
      %dma_wait3A_288 = arith.constant 0 : i32
      %dma_wait3A_289 = tpu.memref_slice %dma_wait3A_285[%dma_wait3A_286, %dma_wait3A_287, %dma_wait3A_288] : memref<4x8x1000000xf32, #tpu.memory_space<hbm>> -> memref<4x8x128xf32, #tpu.memory_space<hbm>>
      %dma_wait3A_290 = arith.constant 0 : i32
      %dma_wait3A_291 = arith.constant 0 : i32
      %dma_wait3A_292 = tpu.memref_slice %arg7[%dma_wait3A_279, %dma_wait3A_290, %dma_wait3A_291] : memref<16x32x128xf32, #tpu.memory_space<vmem>> -> memref<1x32x128xf32, #tpu.memory_space<vmem>>
      %dma_wait3A_293 = tpu.memref_squeeze %dma_wait3A_292 : memref<1x32x128xf32, #tpu.memory_space<vmem>> -> memref<32x128xf32, #tpu.memory_space<vmem>>
      %dma_wait3A_294 = tpu.memref_reshape %dma_wait3A_293 : memref<32x128xf32, #tpu.memory_space<vmem>> -> memref<4x8x128xf32, #tpu.memory_space<vmem>>
      %dma_wait3A_295 = tpu.memref_reshape %arg2 : memref<32x1000000xf32, #tpu.memory_space<hbm>> -> memref<4x8x1000000xf32, #tpu.memory_space<hbm>>
      %dma_wait3A_296 = arith.constant 0 : i32
      %dma_wait3A_297 = arith.constant 0 : i32
      %dma_wait3A_298 = arith.constant 0 : i32
      %dma_wait3A_299 = tpu.memref_slice %dma_wait3A_295[%dma_wait3A_296, %dma_wait3A_297, %dma_wait3A_298] : memref<4x8x1000000xf32, #tpu.memory_space<hbm>> -> memref<4x8x128xf32, #tpu.memory_space<hbm>>
      tpu.wait_dma2 semaphore(%arg10 : memref<!tpu.dma_semaphore, #tpu.memory_space<semaphore_mem>>) src(%dma_wait3A_299 : memref<4x8x128xf32, #tpu.memory_space<hbm>>) dst(%dma_wait3A_294 : memref<4x8x128xf32, #tpu.memory_space<vmem>>)
      %dma_wait3A_300 = arith.constant 0 : i32
      %dma_wait3A_301 = arith.constant 0 : i32
      %dma_wait3A_302 = arith.constant 0 : i32
      %dma_wait3A_303 = tpu.memref_slice %arg7[%dma_wait3A_300, %dma_wait3A_301, %dma_wait3A_302] : memref<16x32x128xf32, #tpu.memory_space<vmem>> -> memref<1x32x128xf32, #tpu.memory_space<vmem>>
      %dma_wait3A_304 = tpu.memref_squeeze %dma_wait3A_303 : memref<1x32x128xf32, #tpu.memory_space<vmem>> -> memref<32x128xf32, #tpu.memory_space<vmem>>
      %dma_wait3A_305 = tpu.memref_reshape %dma_wait3A_304 : memref<32x128xf32, #tpu.memory_space<vmem>> -> memref<4x8x128xf32, #tpu.memory_space<vmem>>
      %dma_wait3A_306 = tpu.memref_reshape %arg2 : memref<32x1000000xf32, #tpu.memory_space<hbm>> -> memref<4x8x1000000xf32, #tpu.memory_space<hbm>>
      %dma_wait3A_307 = arith.constant 0 : i32
      %dma_wait3A_308 = arith.constant 0 : i32
      %dma_wait3A_309 = arith.constant 0 : i32
      %dma_wait3A_310 = tpu.memref_slice %dma_wait3A_306[%dma_wait3A_307, %dma_wait3A_308, %dma_wait3A_309] : memref<4x8x1000000xf32, #tpu.memory_space<hbm>> -> memref<4x8x128xf32, #tpu.memory_space<hbm>>
      %dma_wait3A_311 = arith.constant 0 : i32
      %dma_wait3A_312 = arith.constant 0 : i32
      %dma_wait3A_313 = tpu.memref_slice %arg7[%dma_wait3A_300, %dma_wait3A_311, %dma_wait3A_312] : memref<16x32x128xf32, #tpu.memory_space<vmem>> -> memref<1x32x128xf32, #tpu.memory_space<vmem>>
      %dma_wait3A_314 = tpu.memref_squeeze %dma_wait3A_313 : memref<1x32x128xf32, #tpu.memory_space<vmem>> -> memref<32x128xf32, #tpu.memory_space<vmem>>
      %dma_wait3A_315 = tpu.memref_reshape %dma_wait3A_314 : memref<32x128xf32, #tpu.memory_space<vmem>> -> memref<4x8x128xf32, #tpu.memory_space<vmem>>
      %dma_wait3A_316 = tpu.memref_reshape %arg2 : memref<32x1000000xf32, #tpu.memory_space<hbm>> -> memref<4x8x1000000xf32, #tpu.memory_space<hbm>>
      %dma_wait3A_317 = arith.constant 0 : i32
      %dma_wait3A_318 = arith.constant 0 : i32
      %dma_wait3A_319 = arith.constant 0 : i32
      %dma_wait3A_320 = tpu.memref_slice %dma_wait3A_316[%dma_wait3A_317, %dma_wait3A_318, %dma_wait3A_319] : memref<4x8x1000000xf32, #tpu.memory_space<hbm>> -> memref<4x8x128xf32, #tpu.memory_space<hbm>>
      tpu.wait_dma2 semaphore(%arg10 : memref<!tpu.dma_semaphore, #tpu.memory_space<semaphore_mem>>) src(%dma_wait3A_320 : memref<4x8x128xf32, #tpu.memory_space<hbm>>) dst(%dma_wait3A_315 : memref<4x8x128xf32, #tpu.memory_space<vmem>>)
      %dma_wait3A_321 = arith.constant 0 : i32
      %dma_wait3A_322 = arith.constant 0 : i32
      %dma_wait3A_323 = arith.constant 0 : i32
      %dma_wait3A_324 = tpu.memref_slice %arg7[%dma_wait3A_321, %dma_wait3A_322, %dma_wait3A_323] : memref<16x32x128xf32, #tpu.memory_space<vmem>> -> memref<1x32x128xf32, #tpu.memory_space<vmem>>
      %dma_wait3A_325 = tpu.memref_squeeze %dma_wait3A_324 : memref<1x32x128xf32, #tpu.memory_space<vmem>> -> memref<32x128xf32, #tpu.memory_space<vmem>>
      %dma_wait3A_326 = tpu.memref_reshape %dma_wait3A_325 : memref<32x128xf32, #tpu.memory_space<vmem>> -> memref<4x8x128xf32, #tpu.memory_space<vmem>>
      %dma_wait3A_327 = tpu.memref_reshape %arg2 : memref<32x1000000xf32, #tpu.memory_space<hbm>> -> memref<4x8x1000000xf32, #tpu.memory_space<hbm>>
      %dma_wait3A_328 = arith.constant 0 : i32
      %dma_wait3A_329 = arith.constant 0 : i32
      %dma_wait3A_330 = arith.constant 0 : i32
      %dma_wait3A_331 = tpu.memref_slice %dma_wait3A_327[%dma_wait3A_328, %dma_wait3A_329, %dma_wait3A_330] : memref<4x8x1000000xf32, #tpu.memory_space<hbm>> -> memref<4x8x128xf32, #tpu.memory_space<hbm>>
      %dma_wait3A_332 = arith.constant 0 : i32
      %dma_wait3A_333 = arith.constant 0 : i32
      %dma_wait3A_334 = tpu.memref_slice %arg7[%dma_wait3A_321, %dma_wait3A_332, %dma_wait3A_333] : memref<16x32x128xf32, #tpu.memory_space<vmem>> -> memref<1x32x128xf32, #tpu.memory_space<vmem>>
      %dma_wait3A_335 = tpu.memref_squeeze %dma_wait3A_334 : memref<1x32x128xf32, #tpu.memory_space<vmem>> -> memref<32x128xf32, #tpu.memory_space<vmem>>
      %dma_wait3A_336 = tpu.memref_reshape %dma_wait3A_335 : memref<32x128xf32, #tpu.memory_space<vmem>> -> memref<4x8x128xf32, #tpu.memory_space<vmem>>
      %dma_wait3A_337 = tpu.memref_reshape %arg2 : memref<32x1000000xf32, #tpu.memory_space<hbm>> -> memref<4x8x1000000xf32, #tpu.memory_space<hbm>>
      %dma_wait3A_338 = arith.constant 0 : i32
      %dma_wait3A_339 = arith.constant 0 : i32
      %dma_wait3A_340 = arith.constant 0 : i32
      %dma_wait3A_341 = tpu.memref_slice %dma_wait3A_337[%dma_wait3A_338, %dma_wait3A_339, %dma_wait3A_340] : memref<4x8x1000000xf32, #tpu.memory_space<hbm>> -> memref<4x8x128xf32, #tpu.memory_space<hbm>>
      tpu.wait_dma2 semaphore(%arg10 : memref<!tpu.dma_semaphore, #tpu.memory_space<semaphore_mem>>) src(%dma_wait3A_341 : memref<4x8x128xf32, #tpu.memory_space<hbm>>) dst(%dma_wait3A_336 : memref<4x8x128xf32, #tpu.memory_space<vmem>>)
      %dma_wait3A_342 = arith.constant 0 : i32
      %dma_wait3A_343 = arith.constant 0 : i32
      %dma_wait3A_344 = arith.constant 0 : i32
      %dma_wait3A_345 = tpu.memref_slice %arg7[%dma_wait3A_342, %dma_wait3A_343, %dma_wait3A_344] : memref<16x32x128xf32, #tpu.memory_space<vmem>> -> memref<1x32x128xf32, #tpu.memory_space<vmem>>
      %dma_wait3A_346 = tpu.memref_squeeze %dma_wait3A_345 : memref<1x32x128xf32, #tpu.memory_space<vmem>> -> memref<32x128xf32, #tpu.memory_space<vmem>>
      %dma_wait3A_347 = tpu.memref_reshape %dma_wait3A_346 : memref<32x128xf32, #tpu.memory_space<vmem>> -> memref<4x8x128xf32, #tpu.memory_space<vmem>>
      %dma_wait3A_348 = tpu.memref_reshape %arg2 : memref<32x1000000xf32, #tpu.memory_space<hbm>> -> memref<4x8x1000000xf32, #tpu.memory_space<hbm>>
      %dma_wait3A_349 = arith.constant 0 : i32
      %dma_wait3A_350 = arith.constant 0 : i32
      %dma_wait3A_351 = arith.constant 0 : i32
      %dma_wait3A_352 = tpu.memref_slice %dma_wait3A_348[%dma_wait3A_349, %dma_wait3A_350, %dma_wait3A_351] : memref<4x8x1000000xf32, #tpu.memory_space<hbm>> -> memref<4x8x128xf32, #tpu.memory_space<hbm>>
      %dma_wait3A_353 = arith.constant 0 : i32
      %dma_wait3A_354 = arith.constant 0 : i32
      %dma_wait3A_355 = tpu.memref_slice %arg7[%dma_wait3A_342, %dma_wait3A_353, %dma_wait3A_354] : memref<16x32x128xf32, #tpu.memory_space<vmem>> -> memref<1x32x128xf32, #tpu.memory_space<vmem>>
      %dma_wait3A_356 = tpu.memref_squeeze %dma_wait3A_355 : memref<1x32x128xf32, #tpu.memory_space<vmem>> -> memref<32x128xf32, #tpu.memory_space<vmem>>
      %dma_wait3A_357 = tpu.memref_reshape %dma_wait3A_356 : memref<32x128xf32, #tpu.memory_space<vmem>> -> memref<4x8x128xf32, #tpu.memory_space<vmem>>
      %dma_wait3A_358 = tpu.memref_reshape %arg2 : memref<32x1000000xf32, #tpu.memory_space<hbm>> -> memref<4x8x1000000xf32, #tpu.memory_space<hbm>>
      %dma_wait3A_359 = arith.constant 0 : i32
      %dma_wait3A_360 = arith.constant 0 : i32
      %dma_wait3A_361 = arith.constant 0 : i32
      %dma_wait3A_362 = tpu.memref_slice %dma_wait3A_358[%dma_wait3A_359, %dma_wait3A_360, %dma_wait3A_361] : memref<4x8x1000000xf32, #tpu.memory_space<hbm>> -> memref<4x8x128xf32, #tpu.memory_space<hbm>>
      tpu.wait_dma2 semaphore(%arg10 : memref<!tpu.dma_semaphore, #tpu.memory_space<semaphore_mem>>) src(%dma_wait3A_362 : memref<4x8x128xf32, #tpu.memory_space<hbm>>) dst(%dma_wait3A_357 : memref<4x8x128xf32, #tpu.memory_space<vmem>>)
      %dma_wait3A_363 = arith.constant 0 : i32
      %dma_wait3A_364 = arith.constant 0 : i32
      %dma_wait3A_365 = arith.constant 0 : i32
      %dma_wait3A_366 = tpu.memref_slice %arg7[%dma_wait3A_363, %dma_wait3A_364, %dma_wait3A_365] : memref<16x32x128xf32, #tpu.memory_space<vmem>> -> memref<1x32x128xf32, #tpu.memory_space<vmem>>
      %dma_wait3A_367 = tpu.memref_squeeze %dma_wait3A_366 : memref<1x32x128xf32, #tpu.memory_space<vmem>> -> memref<32x128xf32, #tpu.memory_space<vmem>>
      %dma_wait3A_368 = tpu.memref_reshape %dma_wait3A_367 : memref<32x128xf32, #tpu.memory_space<vmem>> -> memref<4x8x128xf32, #tpu.memory_space<vmem>>
      %dma_wait3A_369 = tpu.memref_reshape %arg2 : memref<32x1000000xf32, #tpu.memory_space<hbm>> -> memref<4x8x1000000xf32, #tpu.memory_space<hbm>>
      %dma_wait3A_370 = arith.constant 0 : i32
      %dma_wait3A_371 = arith.constant 0 : i32
      %dma_wait3A_372 = arith.constant 0 : i32
      %dma_wait3A_373 = tpu.memref_slice %dma_wait3A_369[%dma_wait3A_370, %dma_wait3A_371, %dma_wait3A_372] : memref<4x8x1000000xf32, #tpu.memory_space<hbm>> -> memref<4x8x128xf32, #tpu.memory_space<hbm>>
      %dma_wait3A_374 = arith.constant 0 : i32
      %dma_wait3A_375 = arith.constant 0 : i32
      %dma_wait3A_376 = tpu.memref_slice %arg7[%dma_wait3A_363, %dma_wait3A_374, %dma_wait3A_375] : memref<16x32x128xf32, #tpu.memory_space<vmem>> -> memref<1x32x128xf32, #tpu.memory_space<vmem>>
      %dma_wait3A_377 = tpu.memref_squeeze %dma_wait3A_376 : memref<1x32x128xf32, #tpu.memory_space<vmem>> -> memref<32x128xf32, #tpu.memory_space<vmem>>
      %dma_wait3A_378 = tpu.memref_reshape %dma_wait3A_377 : memref<32x128xf32, #tpu.memory_space<vmem>> -> memref<4x8x128xf32, #tpu.memory_space<vmem>>
      %dma_wait3A_379 = tpu.memref_reshape %arg2 : memref<32x1000000xf32, #tpu.memory_space<hbm>> -> memref<4x8x1000000xf32, #tpu.memory_space<hbm>>
      %dma_wait3A_380 = arith.constant 0 : i32
      %dma_wait3A_381 = arith.constant 0 : i32
      %dma_wait3A_382 = arith.constant 0 : i32
      %dma_wait3A_383 = tpu.memref_slice %dma_wait3A_379[%dma_wait3A_380, %dma_wait3A_381, %dma_wait3A_382] : memref<4x8x1000000xf32, #tpu.memory_space<hbm>> -> memref<4x8x128xf32, #tpu.memory_space<hbm>>
      tpu.wait_dma2 semaphore(%arg10 : memref<!tpu.dma_semaphore, #tpu.memory_space<semaphore_mem>>) src(%dma_wait3A_383 : memref<4x8x128xf32, #tpu.memory_space<hbm>>) dst(%dma_wait3A_378 : memref<4x8x128xf32, #tpu.memory_space<vmem>>)
      %dma_wait3A_384 = arith.constant 0 : i32
      %dma_wait3A_385 = arith.constant 0 : i32
      %dma_wait3A_386 = arith.constant 0 : i32
      %dma_wait3A_387 = tpu.memref_slice %arg7[%dma_wait3A_384, %dma_wait3A_385, %dma_wait3A_386] : memref<16x32x128xf32, #tpu.memory_space<vmem>> -> memref<1x32x128xf32, #tpu.memory_space<vmem>>
      %dma_wait3A_388 = tpu.memref_squeeze %dma_wait3A_387 : memref<1x32x128xf32, #tpu.memory_space<vmem>> -> memref<32x128xf32, #tpu.memory_space<vmem>>
      %dma_wait3A_389 = tpu.memref_reshape %dma_wait3A_388 : memref<32x128xf32, #tpu.memory_space<vmem>> -> memref<4x8x128xf32, #tpu.memory_space<vmem>>
      %dma_wait3A_390 = tpu.memref_reshape %arg2 : memref<32x1000000xf32, #tpu.memory_space<hbm>> -> memref<4x8x1000000xf32, #tpu.memory_space<hbm>>
      %dma_wait3A_391 = arith.constant 0 : i32
      %dma_wait3A_392 = arith.constant 0 : i32
      %dma_wait3A_393 = arith.constant 0 : i32
      %dma_wait3A_394 = tpu.memref_slice %dma_wait3A_390[%dma_wait3A_391, %dma_wait3A_392, %dma_wait3A_393] : memref<4x8x1000000xf32, #tpu.memory_space<hbm>> -> memref<4x8x128xf32, #tpu.memory_space<hbm>>
      %dma_wait3A_395 = arith.constant 0 : i32
      %dma_wait3A_396 = arith.constant 0 : i32
      %dma_wait3A_397 = tpu.memref_slice %arg7[%dma_wait3A_384, %dma_wait3A_395, %dma_wait3A_396] : memref<16x32x128xf32, #tpu.memory_space<vmem>> -> memref<1x32x128xf32, #tpu.memory_space<vmem>>
      %dma_wait3A_398 = tpu.memref_squeeze %dma_wait3A_397 : memref<1x32x128xf32, #tpu.memory_space<vmem>> -> memref<32x128xf32, #tpu.memory_space<vmem>>
      %dma_wait3A_399 = tpu.memref_reshape %dma_wait3A_398 : memref<32x128xf32, #tpu.memory_space<vmem>> -> memref<4x8x128xf32, #tpu.memory_space<vmem>>
      %dma_wait3A_400 = tpu.memref_reshape %arg2 : memref<32x1000000xf32, #tpu.memory_space<hbm>> -> memref<4x8x1000000xf32, #tpu.memory_space<hbm>>
      %dma_wait3A_401 = arith.constant 0 : i32
      %dma_wait3A_402 = arith.constant 0 : i32
      %dma_wait3A_403 = arith.constant 0 : i32
      %dma_wait3A_404 = tpu.memref_slice %dma_wait3A_400[%dma_wait3A_401, %dma_wait3A_402, %dma_wait3A_403] : memref<4x8x1000000xf32, #tpu.memory_space<hbm>> -> memref<4x8x128xf32, #tpu.memory_space<hbm>>
      tpu.wait_dma2 semaphore(%arg10 : memref<!tpu.dma_semaphore, #tpu.memory_space<semaphore_mem>>) src(%dma_wait3A_404 : memref<4x8x128xf32, #tpu.memory_space<hbm>>) dst(%dma_wait3A_399 : memref<4x8x128xf32, #tpu.memory_space<vmem>>)
      %slice3A_405 = vector.extract_strided_slice %get3A_229 {offsets = [8], sizes = [1], strides = [1]} : vector<16xi32> to vector<1xi32>
      %squeeze3A_406 = vector.extract %slice3A_405[0] : i32 from vector<1xi32>
      %slice3A_407 = vector.extract_strided_slice %get3A_229 {offsets = [9], sizes = [1], strides = [1]} : vector<16xi32> to vector<1xi32>
      %squeeze3A_408 = vector.extract %slice3A_407[0] : i32 from vector<1xi32>
      %slice3A_409 = vector.extract_strided_slice %get3A_229 {offsets = [10], sizes = [1], strides = [1]} : vector<16xi32> to vector<1xi32>
      %squeeze3A_410 = vector.extract %slice3A_409[0] : i32 from vector<1xi32>
      %slice3A_411 = vector.extract_strided_slice %get3A_229 {offsets = [11], sizes = [1], strides = [1]} : vector<16xi32> to vector<1xi32>
      %squeeze3A_412 = vector.extract %slice3A_411[0] : i32 from vector<1xi32>
      %slice3A_413 = vector.extract_strided_slice %get3A_229 {offsets = [12], sizes = [1], strides = [1]} : vector<16xi32> to vector<1xi32>
      %squeeze3A_414 = vector.extract %slice3A_413[0] : i32 from vector<1xi32>
      %slice3A_415 = vector.extract_strided_slice %get3A_229 {offsets = [13], sizes = [1], strides = [1]} : vector<16xi32> to vector<1xi32>
      %squeeze3A_416 = vector.extract %slice3A_415[0] : i32 from vector<1xi32>
      %slice3A_417 = vector.extract_strided_slice %get3A_229 {offsets = [14], sizes = [1], strides = [1]} : vector<16xi32> to vector<1xi32>
      %squeeze3A_418 = vector.extract %slice3A_417[0] : i32 from vector<1xi32>
      %slice3A_419 = vector.extract_strided_slice %get3A_229 {offsets = [15], sizes = [1], strides = [1]} : vector<16xi32> to vector<1xi32>
      %squeeze3A_420 = vector.extract %slice3A_419[0] : i32 from vector<1xi32>
      %shift_right_arithmetic3A_421 = arith.constant 7 : i32
      %shift_right_arithmetic3A_422 = arith.shrsi %squeeze3A_406, %shift_right_arithmetic3A_421 : i32
      %min3A_423 = arith.constant 7811 : i32
      %min3A_424 = arith.minsi %shift_right_arithmetic3A_422, %min3A_423 : i32
      %shift_left3A_425 = arith.constant 7 : i32
      %shift_left3A_426 = arith.shli %min3A_424, %shift_left3A_425 : i32
      %multiple_of3A_427 = tpu.assume_multiple %shift_left3A_426, 128 : i32
      %dma_start3A_428 = arith.constant 8 : i32
      %dma_start3A_429 = arith.constant 0 : i32
      %dma_start3A_430 = arith.constant 0 : i32
      %dma_start3A_431 = tpu.memref_slice %arg7[%dma_start3A_428, %dma_start3A_429, %dma_start3A_430] : memref<16x32x128xf32, #tpu.memory_space<vmem>> -> memref<1x32x128xf32, #tpu.memory_space<vmem>>
      %dma_start3A_432 = tpu.memref_squeeze %dma_start3A_431 : memref<1x32x128xf32, #tpu.memory_space<vmem>> -> memref<32x128xf32, #tpu.memory_space<vmem>>
      %dma_start3A_433 = tpu.memref_reshape %dma_start3A_432 : memref<32x128xf32, #tpu.memory_space<vmem>> -> memref<4x8x128xf32, #tpu.memory_space<vmem>>
      %dma_start3A_434 = tpu.memref_reshape %arg2 : memref<32x1000000xf32, #tpu.memory_space<hbm>> -> memref<4x8x1000000xf32, #tpu.memory_space<hbm>>
      %dma_start3A_435 = arith.constant 0 : i32
      %dma_start3A_436 = arith.constant 0 : i32
      %dma_start3A_437 = tpu.memref_slice %dma_start3A_434[%dma_start3A_435, %dma_start3A_436, %multiple_of3A_427] : memref<4x8x1000000xf32, #tpu.memory_space<hbm>> -> memref<4x8x128xf32, #tpu.memory_space<hbm>>
      %dma_start3A_438 = arith.constant 0 : i32
      %dma_start3A_439 = arith.constant 0 : i32
      %dma_start3A_440 = tpu.memref_slice %arg7[%dma_start3A_428, %dma_start3A_438, %dma_start3A_439] : memref<16x32x128xf32, #tpu.memory_space<vmem>> -> memref<1x32x128xf32, #tpu.memory_space<vmem>>
      %dma_start3A_441 = tpu.memref_squeeze %dma_start3A_440 : memref<1x32x128xf32, #tpu.memory_space<vmem>> -> memref<32x128xf32, #tpu.memory_space<vmem>>
      %dma_start3A_442 = tpu.memref_reshape %dma_start3A_441 : memref<32x128xf32, #tpu.memory_space<vmem>> -> memref<4x8x128xf32, #tpu.memory_space<vmem>>
      %dma_start3A_443 = tpu.memref_reshape %arg2 : memref<32x1000000xf32, #tpu.memory_space<hbm>> -> memref<4x8x1000000xf32, #tpu.memory_space<hbm>>
      %dma_start3A_444 = arith.constant 0 : i32
      %dma_start3A_445 = arith.constant 0 : i32
      %dma_start3A_446 = tpu.memref_slice %dma_start3A_443[%dma_start3A_444, %dma_start3A_445, %multiple_of3A_427] : memref<4x8x1000000xf32, #tpu.memory_space<hbm>> -> memref<4x8x128xf32, #tpu.memory_space<hbm>>
      tpu.enqueue_dma source(%dma_start3A_446 : memref<4x8x128xf32, #tpu.memory_space<hbm>>) target(%dma_start3A_442 : memref<4x8x128xf32, #tpu.memory_space<vmem>>) target_semaphore(%arg11 : memref<!tpu.dma_semaphore, #tpu.memory_space<semaphore_mem>>)
      %shift_right_arithmetic3A_447 = arith.constant 7 : i32
      %shift_right_arithmetic3A_448 = arith.shrsi %squeeze3A_408, %shift_right_arithmetic3A_447 : i32
      %min3A_449 = arith.constant 7811 : i32
      %min3A_450 = arith.minsi %shift_right_arithmetic3A_448, %min3A_449 : i32
      %shift_left3A_451 = arith.constant 7 : i32
      %shift_left3A_452 = arith.shli %min3A_450, %shift_left3A_451 : i32
      %multiple_of3A_453 = tpu.assume_multiple %shift_left3A_452, 128 : i32
      %dma_start3A_454 = arith.constant 9 : i32
      %dma_start3A_455 = arith.constant 0 : i32
      %dma_start3A_456 = arith.constant 0 : i32
      %dma_start3A_457 = tpu.memref_slice %arg7[%dma_start3A_454, %dma_start3A_455, %dma_start3A_456] : memref<16x32x128xf32, #tpu.memory_space<vmem>> -> memref<1x32x128xf32, #tpu.memory_space<vmem>>
      %dma_start3A_458 = tpu.memref_squeeze %dma_start3A_457 : memref<1x32x128xf32, #tpu.memory_space<vmem>> -> memref<32x128xf32, #tpu.memory_space<vmem>>
      %dma_start3A_459 = tpu.memref_reshape %dma_start3A_458 : memref<32x128xf32, #tpu.memory_space<vmem>> -> memref<4x8x128xf32, #tpu.memory_space<vmem>>
      %dma_start3A_460 = tpu.memref_reshape %arg2 : memref<32x1000000xf32, #tpu.memory_space<hbm>> -> memref<4x8x1000000xf32, #tpu.memory_space<hbm>>
      %dma_start3A_461 = arith.constant 0 : i32
      %dma_start3A_462 = arith.constant 0 : i32
      %dma_start3A_463 = tpu.memref_slice %dma_start3A_460[%dma_start3A_461, %dma_start3A_462, %multiple_of3A_453] : memref<4x8x1000000xf32, #tpu.memory_space<hbm>> -> memref<4x8x128xf32, #tpu.memory_space<hbm>>
      %dma_start3A_464 = arith.constant 0 : i32
      %dma_start3A_465 = arith.constant 0 : i32
      %dma_start3A_466 = tpu.memref_slice %arg7[%dma_start3A_454, %dma_start3A_464, %dma_start3A_465] : memref<16x32x128xf32, #tpu.memory_space<vmem>> -> memref<1x32x128xf32, #tpu.memory_space<vmem>>
      %dma_start3A_467 = tpu.memref_squeeze %dma_start3A_466 : memref<1x32x128xf32, #tpu.memory_space<vmem>> -> memref<32x128xf32, #tpu.memory_space<vmem>>
      %dma_start3A_468 = tpu.memref_reshape %dma_start3A_467 : memref<32x128xf32, #tpu.memory_space<vmem>> -> memref<4x8x128xf32, #tpu.memory_space<vmem>>
      %dma_start3A_469 = tpu.memref_reshape %arg2 : memref<32x1000000xf32, #tpu.memory_space<hbm>> -> memref<4x8x1000000xf32, #tpu.memory_space<hbm>>
      %dma_start3A_470 = arith.constant 0 : i32
      %dma_start3A_471 = arith.constant 0 : i32
      %dma_start3A_472 = tpu.memref_slice %dma_start3A_469[%dma_start3A_470, %dma_start3A_471, %multiple_of3A_453] : memref<4x8x1000000xf32, #tpu.memory_space<hbm>> -> memref<4x8x128xf32, #tpu.memory_space<hbm>>
      tpu.enqueue_dma source(%dma_start3A_472 : memref<4x8x128xf32, #tpu.memory_space<hbm>>) target(%dma_start3A_468 : memref<4x8x128xf32, #tpu.memory_space<vmem>>) target_semaphore(%arg11 : memref<!tpu.dma_semaphore, #tpu.memory_space<semaphore_mem>>)
      %shift_right_arithmetic3A_473 = arith.constant 7 : i32
      %shift_right_arithmetic3A_474 = arith.shrsi %squeeze3A_410, %shift_right_arithmetic3A_473 : i32
      %min3A_475 = arith.constant 7811 : i32
      %min3A_476 = arith.minsi %shift_right_arithmetic3A_474, %min3A_475 : i32
      %shift_left3A_477 = arith.constant 7 : i32
      %shift_left3A_478 = arith.shli %min3A_476, %shift_left3A_477 : i32
      %multiple_of3A_479 = tpu.assume_multiple %shift_left3A_478, 128 : i32
      %dma_start3A_480 = arith.constant 10 : i32
      %dma_start3A_481 = arith.constant 0 : i32
      %dma_start3A_482 = arith.constant 0 : i32
      %dma_start3A_483 = tpu.memref_slice %arg7[%dma_start3A_480, %dma_start3A_481, %dma_start3A_482] : memref<16x32x128xf32, #tpu.memory_space<vmem>> -> memref<1x32x128xf32, #tpu.memory_space<vmem>>
      %dma_start3A_484 = tpu.memref_squeeze %dma_start3A_483 : memref<1x32x128xf32, #tpu.memory_space<vmem>> -> memref<32x128xf32, #tpu.memory_space<vmem>>
      %dma_start3A_485 = tpu.memref_reshape %dma_start3A_484 : memref<32x128xf32, #tpu.memory_space<vmem>> -> memref<4x8x128xf32, #tpu.memory_space<vmem>>
      %dma_start3A_486 = tpu.memref_reshape %arg2 : memref<32x1000000xf32, #tpu.memory_space<hbm>> -> memref<4x8x1000000xf32, #tpu.memory_space<hbm>>
      %dma_start3A_487 = arith.constant 0 : i32
      %dma_start3A_488 = arith.constant 0 : i32
      %dma_start3A_489 = tpu.memref_slice %dma_start3A_486[%dma_start3A_487, %dma_start3A_488, %multiple_of3A_479] : memref<4x8x1000000xf32, #tpu.memory_space<hbm>> -> memref<4x8x128xf32, #tpu.memory_space<hbm>>
      %dma_start3A_490 = arith.constant 0 : i32
      %dma_start3A_491 = arith.constant 0 : i32
      %dma_start3A_492 = tpu.memref_slice %arg7[%dma_start3A_480, %dma_start3A_490, %dma_start3A_491] : memref<16x32x128xf32, #tpu.memory_space<vmem>> -> memref<1x32x128xf32, #tpu.memory_space<vmem>>
      %dma_start3A_493 = tpu.memref_squeeze %dma_start3A_492 : memref<1x32x128xf32, #tpu.memory_space<vmem>> -> memref<32x128xf32, #tpu.memory_space<vmem>>
      %dma_start3A_494 = tpu.memref_reshape %dma_start3A_493 : memref<32x128xf32, #tpu.memory_space<vmem>> -> memref<4x8x128xf32, #tpu.memory_space<vmem>>
      %dma_start3A_495 = tpu.memref_reshape %arg2 : memref<32x1000000xf32, #tpu.memory_space<hbm>> -> memref<4x8x1000000xf32, #tpu.memory_space<hbm>>
      %dma_start3A_496 = arith.constant 0 : i32
      %dma_start3A_497 = arith.constant 0 : i32
      %dma_start3A_498 = tpu.memref_slice %dma_start3A_495[%dma_start3A_496, %dma_start3A_497, %multiple_of3A_479] : memref<4x8x1000000xf32, #tpu.memory_space<hbm>> -> memref<4x8x128xf32, #tpu.memory_space<hbm>>
      tpu.enqueue_dma source(%dma_start3A_498 : memref<4x8x128xf32, #tpu.memory_space<hbm>>) target(%dma_start3A_494 : memref<4x8x128xf32, #tpu.memory_space<vmem>>) target_semaphore(%arg11 : memref<!tpu.dma_semaphore, #tpu.memory_space<semaphore_mem>>)
      %shift_right_arithmetic3A_499 = arith.constant 7 : i32
      %shift_right_arithmetic3A_500 = arith.shrsi %squeeze3A_412, %shift_right_arithmetic3A_499 : i32
      %min3A_501 = arith.constant 7811 : i32
      %min3A_502 = arith.minsi %shift_right_arithmetic3A_500, %min3A_501 : i32
      %shift_left3A_503 = arith.constant 7 : i32
      %shift_left3A_504 = arith.shli %min3A_502, %shift_left3A_503 : i32
      %multiple_of3A_505 = tpu.assume_multiple %shift_left3A_504, 128 : i32
      %dma_start3A_506 = arith.constant 11 : i32
      %dma_start3A_507 = arith.constant 0 : i32
      %dma_start3A_508 = arith.constant 0 : i32
      %dma_start3A_509 = tpu.memref_slice %arg7[%dma_start3A_506, %dma_start3A_507, %dma_start3A_508] : memref<16x32x128xf32, #tpu.memory_space<vmem>> -> memref<1x32x128xf32, #tpu.memory_space<vmem>>
      %dma_start3A_510 = tpu.memref_squeeze %dma_start3A_509 : memref<1x32x128xf32, #tpu.memory_space<vmem>> -> memref<32x128xf32, #tpu.memory_space<vmem>>
      %dma_start3A_511 = tpu.memref_reshape %dma_start3A_510 : memref<32x128xf32, #tpu.memory_space<vmem>> -> memref<4x8x128xf32, #tpu.memory_space<vmem>>
      %dma_start3A_512 = tpu.memref_reshape %arg2 : memref<32x1000000xf32, #tpu.memory_space<hbm>> -> memref<4x8x1000000xf32, #tpu.memory_space<hbm>>
      %dma_start3A_513 = arith.constant 0 : i32
      %dma_start3A_514 = arith.constant 0 : i32
      %dma_start3A_515 = tpu.memref_slice %dma_start3A_512[%dma_start3A_513, %dma_start3A_514, %multiple_of3A_505] : memref<4x8x1000000xf32, #tpu.memory_space<hbm>> -> memref<4x8x128xf32, #tpu.memory_space<hbm>>
      %dma_start3A_516 = arith.constant 0 : i32
      %dma_start3A_517 = arith.constant 0 : i32
      %dma_start3A_518 = tpu.memref_slice %arg7[%dma_start3A_506, %dma_start3A_516, %dma_start3A_517] : memref<16x32x128xf32, #tpu.memory_space<vmem>> -> memref<1x32x128xf32, #tpu.memory_space<vmem>>
      %dma_start3A_519 = tpu.memref_squeeze %dma_start3A_518 : memref<1x32x128xf32, #tpu.memory_space<vmem>> -> memref<32x128xf32, #tpu.memory_space<vmem>>
      %dma_start3A_520 = tpu.memref_reshape %dma_start3A_519 : memref<32x128xf32, #tpu.memory_space<vmem>> -> memref<4x8x128xf32, #tpu.memory_space<vmem>>
      %dma_start3A_521 = tpu.memref_reshape %arg2 : memref<32x1000000xf32, #tpu.memory_space<hbm>> -> memref<4x8x1000000xf32, #tpu.memory_space<hbm>>
      %dma_start3A_522 = arith.constant 0 : i32
      %dma_start3A_523 = arith.constant 0 : i32
      %dma_start3A_524 = tpu.memref_slice %dma_start3A_521[%dma_start3A_522, %dma_start3A_523, %multiple_of3A_505] : memref<4x8x1000000xf32, #tpu.memory_space<hbm>> -> memref<4x8x128xf32, #tpu.memory_space<hbm>>
      tpu.enqueue_dma source(%dma_start3A_524 : memref<4x8x128xf32, #tpu.memory_space<hbm>>) target(%dma_start3A_520 : memref<4x8x128xf32, #tpu.memory_space<vmem>>) target_semaphore(%arg11 : memref<!tpu.dma_semaphore, #tpu.memory_space<semaphore_mem>>)
      %shift_right_arithmetic3A_525 = arith.constant 7 : i32
      %shift_right_arithmetic3A_526 = arith.shrsi %squeeze3A_414, %shift_right_arithmetic3A_525 : i32
      %min3A_527 = arith.constant 7811 : i32
      %min3A_528 = arith.minsi %shift_right_arithmetic3A_526, %min3A_527 : i32
      %shift_left3A_529 = arith.constant 7 : i32
      %shift_left3A_530 = arith.shli %min3A_528, %shift_left3A_529 : i32
      %multiple_of3A_531 = tpu.assume_multiple %shift_left3A_530, 128 : i32
      %dma_start3A_532 = arith.constant 12 : i32
      %dma_start3A_533 = arith.constant 0 : i32
      %dma_start3A_534 = arith.constant 0 : i32
      %dma_start3A_535 = tpu.memref_slice %arg7[%dma_start3A_532, %dma_start3A_533, %dma_start3A_534] : memref<16x32x128xf32, #tpu.memory_space<vmem>> -> memref<1x32x128xf32, #tpu.memory_space<vmem>>
      %dma_start3A_536 = tpu.memref_squeeze %dma_start3A_535 : memref<1x32x128xf32, #tpu.memory_space<vmem>> -> memref<32x128xf32, #tpu.memory_space<vmem>>
      %dma_start3A_537 = tpu.memref_reshape %dma_start3A_536 : memref<32x128xf32, #tpu.memory_space<vmem>> -> memref<4x8x128xf32, #tpu.memory_space<vmem>>
      %dma_start3A_538 = tpu.memref_reshape %arg2 : memref<32x1000000xf32, #tpu.memory_space<hbm>> -> memref<4x8x1000000xf32, #tpu.memory_space<hbm>>
      %dma_start3A_539 = arith.constant 0 : i32
      %dma_start3A_540 = arith.constant 0 : i32
      %dma_start3A_541 = tpu.memref_slice %dma_start3A_538[%dma_start3A_539, %dma_start3A_540, %multiple_of3A_531] : memref<4x8x1000000xf32, #tpu.memory_space<hbm>> -> memref<4x8x128xf32, #tpu.memory_space<hbm>>
      %dma_start3A_542 = arith.constant 0 : i32
      %dma_start3A_543 = arith.constant 0 : i32
      %dma_start3A_544 = tpu.memref_slice %arg7[%dma_start3A_532, %dma_start3A_542, %dma_start3A_543] : memref<16x32x128xf32, #tpu.memory_space<vmem>> -> memref<1x32x128xf32, #tpu.memory_space<vmem>>
      %dma_start3A_545 = tpu.memref_squeeze %dma_start3A_544 : memref<1x32x128xf32, #tpu.memory_space<vmem>> -> memref<32x128xf32, #tpu.memory_space<vmem>>
      %dma_start3A_546 = tpu.memref_reshape %dma_start3A_545 : memref<32x128xf32, #tpu.memory_space<vmem>> -> memref<4x8x128xf32, #tpu.memory_space<vmem>>
      %dma_start3A_547 = tpu.memref_reshape %arg2 : memref<32x1000000xf32, #tpu.memory_space<hbm>> -> memref<4x8x1000000xf32, #tpu.memory_space<hbm>>
      %dma_start3A_548 = arith.constant 0 : i32
      %dma_start3A_549 = arith.constant 0 : i32
      %dma_start3A_550 = tpu.memref_slice %dma_start3A_547[%dma_start3A_548, %dma_start3A_549, %multiple_of3A_531] : memref<4x8x1000000xf32, #tpu.memory_space<hbm>> -> memref<4x8x128xf32, #tpu.memory_space<hbm>>
      tpu.enqueue_dma source(%dma_start3A_550 : memref<4x8x128xf32, #tpu.memory_space<hbm>>) target(%dma_start3A_546 : memref<4x8x128xf32, #tpu.memory_space<vmem>>) target_semaphore(%arg11 : memref<!tpu.dma_semaphore, #tpu.memory_space<semaphore_mem>>)
      %shift_right_arithmetic3A_551 = arith.constant 7 : i32
      %shift_right_arithmetic3A_552 = arith.shrsi %squeeze3A_416, %shift_right_arithmetic3A_551 : i32
      %min3A_553 = arith.constant 7811 : i32
      %min3A_554 = arith.minsi %shift_right_arithmetic3A_552, %min3A_553 : i32
      %shift_left3A_555 = arith.constant 7 : i32
      %shift_left3A_556 = arith.shli %min3A_554, %shift_left3A_555 : i32
      %multiple_of3A_557 = tpu.assume_multiple %shift_left3A_556, 128 : i32
      %dma_start3A_558 = arith.constant 13 : i32
      %dma_start3A_559 = arith.constant 0 : i32
      %dma_start3A_560 = arith.constant 0 : i32
      %dma_start3A_561 = tpu.memref_slice %arg7[%dma_start3A_558, %dma_start3A_559, %dma_start3A_560] : memref<16x32x128xf32, #tpu.memory_space<vmem>> -> memref<1x32x128xf32, #tpu.memory_space<vmem>>
      %dma_start3A_562 = tpu.memref_squeeze %dma_start3A_561 : memref<1x32x128xf32, #tpu.memory_space<vmem>> -> memref<32x128xf32, #tpu.memory_space<vmem>>
      %dma_start3A_563 = tpu.memref_reshape %dma_start3A_562 : memref<32x128xf32, #tpu.memory_space<vmem>> -> memref<4x8x128xf32, #tpu.memory_space<vmem>>
      %dma_start3A_564 = tpu.memref_reshape %arg2 : memref<32x1000000xf32, #tpu.memory_space<hbm>> -> memref<4x8x1000000xf32, #tpu.memory_space<hbm>>
      %dma_start3A_565 = arith.constant 0 : i32
      %dma_start3A_566 = arith.constant 0 : i32
      %dma_start3A_567 = tpu.memref_slice %dma_start3A_564[%dma_start3A_565, %dma_start3A_566, %multiple_of3A_557] : memref<4x8x1000000xf32, #tpu.memory_space<hbm>> -> memref<4x8x128xf32, #tpu.memory_space<hbm>>
      %dma_start3A_568 = arith.constant 0 : i32
      %dma_start3A_569 = arith.constant 0 : i32
      %dma_start3A_570 = tpu.memref_slice %arg7[%dma_start3A_558, %dma_start3A_568, %dma_start3A_569] : memref<16x32x128xf32, #tpu.memory_space<vmem>> -> memref<1x32x128xf32, #tpu.memory_space<vmem>>
      %dma_start3A_571 = tpu.memref_squeeze %dma_start3A_570 : memref<1x32x128xf32, #tpu.memory_space<vmem>> -> memref<32x128xf32, #tpu.memory_space<vmem>>
      %dma_start3A_572 = tpu.memref_reshape %dma_start3A_571 : memref<32x128xf32, #tpu.memory_space<vmem>> -> memref<4x8x128xf32, #tpu.memory_space<vmem>>
      %dma_start3A_573 = tpu.memref_reshape %arg2 : memref<32x1000000xf32, #tpu.memory_space<hbm>> -> memref<4x8x1000000xf32, #tpu.memory_space<hbm>>
      %dma_start3A_574 = arith.constant 0 : i32
      %dma_start3A_575 = arith.constant 0 : i32
      %dma_start3A_576 = tpu.memref_slice %dma_start3A_573[%dma_start3A_574, %dma_start3A_575, %multiple_of3A_557] : memref<4x8x1000000xf32, #tpu.memory_space<hbm>> -> memref<4x8x128xf32, #tpu.memory_space<hbm>>
      tpu.enqueue_dma source(%dma_start3A_576 : memref<4x8x128xf32, #tpu.memory_space<hbm>>) target(%dma_start3A_572 : memref<4x8x128xf32, #tpu.memory_space<vmem>>) target_semaphore(%arg11 : memref<!tpu.dma_semaphore, #tpu.memory_space<semaphore_mem>>)
      %shift_right_arithmetic3A_577 = arith.constant 7 : i32
      %shift_right_arithmetic3A_578 = arith.shrsi %squeeze3A_418, %shift_right_arithmetic3A_577 : i32
      %min3A_579 = arith.constant 7811 : i32
      %min3A_580 = arith.minsi %shift_right_arithmetic3A_578, %min3A_579 : i32
      %shift_left3A_581 = arith.constant 7 : i32
      %shift_left3A_582 = arith.shli %min3A_580, %shift_left3A_581 : i32
      %multiple_of3A_583 = tpu.assume_multiple %shift_left3A_582, 128 : i32
      %dma_start3A_584 = arith.constant 14 : i32
      %dma_start3A_585 = arith.constant 0 : i32
      %dma_start3A_586 = arith.constant 0 : i32
      %dma_start3A_587 = tpu.memref_slice %arg7[%dma_start3A_584, %dma_start3A_585, %dma_start3A_586] : memref<16x32x128xf32, #tpu.memory_space<vmem>> -> memref<1x32x128xf32, #tpu.memory_space<vmem>>
      %dma_start3A_588 = tpu.memref_squeeze %dma_start3A_587 : memref<1x32x128xf32, #tpu.memory_space<vmem>> -> memref<32x128xf32, #tpu.memory_space<vmem>>
      %dma_start3A_589 = tpu.memref_reshape %dma_start3A_588 : memref<32x128xf32, #tpu.memory_space<vmem>> -> memref<4x8x128xf32, #tpu.memory_space<vmem>>
      %dma_start3A_590 = tpu.memref_reshape %arg2 : memref<32x1000000xf32, #tpu.memory_space<hbm>> -> memref<4x8x1000000xf32, #tpu.memory_space<hbm>>
      %dma_start3A_591 = arith.constant 0 : i32
      %dma_start3A_592 = arith.constant 0 : i32
      %dma_start3A_593 = tpu.memref_slice %dma_start3A_590[%dma_start3A_591, %dma_start3A_592, %multiple_of3A_583] : memref<4x8x1000000xf32, #tpu.memory_space<hbm>> -> memref<4x8x128xf32, #tpu.memory_space<hbm>>
      %dma_start3A_594 = arith.constant 0 : i32
      %dma_start3A_595 = arith.constant 0 : i32
      %dma_start3A_596 = tpu.memref_slice %arg7[%dma_start3A_584, %dma_start3A_594, %dma_start3A_595] : memref<16x32x128xf32, #tpu.memory_space<vmem>> -> memref<1x32x128xf32, #tpu.memory_space<vmem>>
      %dma_start3A_597 = tpu.memref_squeeze %dma_start3A_596 : memref<1x32x128xf32, #tpu.memory_space<vmem>> -> memref<32x128xf32, #tpu.memory_space<vmem>>
      %dma_start3A_598 = tpu.memref_reshape %dma_start3A_597 : memref<32x128xf32, #tpu.memory_space<vmem>> -> memref<4x8x128xf32, #tpu.memory_space<vmem>>
      %dma_start3A_599 = tpu.memref_reshape %arg2 : memref<32x1000000xf32, #tpu.memory_space<hbm>> -> memref<4x8x1000000xf32, #tpu.memory_space<hbm>>
      %dma_start3A_600 = arith.constant 0 : i32
      %dma_start3A_601 = arith.constant 0 : i32
      %dma_start3A_602 = tpu.memref_slice %dma_start3A_599[%dma_start3A_600, %dma_start3A_601, %multiple_of3A_583] : memref<4x8x1000000xf32, #tpu.memory_space<hbm>> -> memref<4x8x128xf32, #tpu.memory_space<hbm>>
      tpu.enqueue_dma source(%dma_start3A_602 : memref<4x8x128xf32, #tpu.memory_space<hbm>>) target(%dma_start3A_598 : memref<4x8x128xf32, #tpu.memory_space<vmem>>) target_semaphore(%arg11 : memref<!tpu.dma_semaphore, #tpu.memory_space<semaphore_mem>>)
      %shift_right_arithmetic3A_603 = arith.constant 7 : i32
      %shift_right_arithmetic3A_604 = arith.shrsi %squeeze3A_420, %shift_right_arithmetic3A_603 : i32
      %min3A_605 = arith.constant 7811 : i32
      %min3A_606 = arith.minsi %shift_right_arithmetic3A_604, %min3A_605 : i32
      %shift_left3A_607 = arith.constant 7 : i32
      %shift_left3A_608 = arith.shli %min3A_606, %shift_left3A_607 : i32
      %multiple_of3A_609 = tpu.assume_multiple %shift_left3A_608, 128 : i32
      %dma_start3A_610 = arith.constant 15 : i32
      %dma_start3A_611 = arith.constant 0 : i32
      %dma_start3A_612 = arith.constant 0 : i32
      %dma_start3A_613 = tpu.memref_slice %arg7[%dma_start3A_610, %dma_start3A_611, %dma_start3A_612] : memref<16x32x128xf32, #tpu.memory_space<vmem>> -> memref<1x32x128xf32, #tpu.memory_space<vmem>>
      %dma_start3A_614 = tpu.memref_squeeze %dma_start3A_613 : memref<1x32x128xf32, #tpu.memory_space<vmem>> -> memref<32x128xf32, #tpu.memory_space<vmem>>
      %dma_start3A_615 = tpu.memref_reshape %dma_start3A_614 : memref<32x128xf32, #tpu.memory_space<vmem>> -> memref<4x8x128xf32, #tpu.memory_space<vmem>>
      %dma_start3A_616 = tpu.memref_reshape %arg2 : memref<32x1000000xf32, #tpu.memory_space<hbm>> -> memref<4x8x1000000xf32, #tpu.memory_space<hbm>>
      %dma_start3A_617 = arith.constant 0 : i32
      %dma_start3A_618 = arith.constant 0 : i32
      %dma_start3A_619 = tpu.memref_slice %dma_start3A_616[%dma_start3A_617, %dma_start3A_618, %multiple_of3A_609] : memref<4x8x1000000xf32, #tpu.memory_space<hbm>> -> memref<4x8x128xf32, #tpu.memory_space<hbm>>
      %dma_start3A_620 = arith.constant 0 : i32
      %dma_start3A_621 = arith.constant 0 : i32
      %dma_start3A_622 = tpu.memref_slice %arg7[%dma_start3A_610, %dma_start3A_620, %dma_start3A_621] : memref<16x32x128xf32, #tpu.memory_space<vmem>> -> memref<1x32x128xf32, #tpu.memory_space<vmem>>
      %dma_start3A_623 = tpu.memref_squeeze %dma_start3A_622 : memref<1x32x128xf32, #tpu.memory_space<vmem>> -> memref<32x128xf32, #tpu.memory_space<vmem>>
      %dma_start3A_624 = tpu.memref_reshape %dma_start3A_623 : memref<32x128xf32, #tpu.memory_space<vmem>> -> memref<4x8x128xf32, #tpu.memory_space<vmem>>
      %dma_start3A_625 = tpu.memref_reshape %arg2 : memref<32x1000000xf32, #tpu.memory_space<hbm>> -> memref<4x8x1000000xf32, #tpu.memory_space<hbm>>
      %dma_start3A_626 = arith.constant 0 : i32
      %dma_start3A_627 = arith.constant 0 : i32
      %dma_start3A_628 = tpu.memref_slice %dma_start3A_625[%dma_start3A_626, %dma_start3A_627, %multiple_of3A_609] : memref<4x8x1000000xf32, #tpu.memory_space<hbm>> -> memref<4x8x128xf32, #tpu.memory_space<hbm>>
      tpu.enqueue_dma source(%dma_start3A_628 : memref<4x8x128xf32, #tpu.memory_space<hbm>>) target(%dma_start3A_624 : memref<4x8x128xf32, #tpu.memory_space<vmem>>) target_semaphore(%arg11 : memref<!tpu.dma_semaphore, #tpu.memory_space<semaphore_mem>>)
      %mul3A_629 = arith.constant 16 : i32
      %mul3A_630 = arith.muli %scan3A_225, %mul3A_629 : i32
      %slice3A_631 = vector.extract_strided_slice %get3A_229 {offsets = [0], sizes = [1], strides = [1]} : vector<16xi32> to vector<1xi32>
      %squeeze3A_632 = vector.extract %slice3A_631[0] : i32 from vector<1xi32>
      %slice3A_633 = vector.extract_strided_slice %get3A_229 {offsets = [1], sizes = [1], strides = [1]} : vector<16xi32> to vector<1xi32>
      %squeeze3A_634 = vector.extract %slice3A_633[0] : i32 from vector<1xi32>
      %slice3A_635 = vector.extract_strided_slice %get3A_229 {offsets = [2], sizes = [1], strides = [1]} : vector<16xi32> to vector<1xi32>
      %squeeze3A_636 = vector.extract %slice3A_635[0] : i32 from vector<1xi32>
      %slice3A_637 = vector.extract_strided_slice %get3A_229 {offsets = [3], sizes = [1], strides = [1]} : vector<16xi32> to vector<1xi32>
      %squeeze3A_638 = vector.extract %slice3A_637[0] : i32 from vector<1xi32>
      %slice3A_639 = vector.extract_strided_slice %get3A_229 {offsets = [4], sizes = [1], strides = [1]} : vector<16xi32> to vector<1xi32>
      %squeeze3A_640 = vector.extract %slice3A_639[0] : i32 from vector<1xi32>
      %slice3A_641 = vector.extract_strided_slice %get3A_229 {offsets = [5], sizes = [1], strides = [1]} : vector<16xi32> to vector<1xi32>
      %squeeze3A_642 = vector.extract %slice3A_641[0] : i32 from vector<1xi32>
      %slice3A_643 = vector.extract_strided_slice %get3A_229 {offsets = [6], sizes = [1], strides = [1]} : vector<16xi32> to vector<1xi32>
      %squeeze3A_644 = vector.extract %slice3A_643[0] : i32 from vector<1xi32>
      %slice3A_645 = vector.extract_strided_slice %get3A_229 {offsets = [7], sizes = [1], strides = [1]} : vector<16xi32> to vector<1xi32>
      %squeeze3A_646 = vector.extract %slice3A_645[0] : i32 from vector<1xi32>
      %broadcast_in_dim3A = arith.constant 0 : i32
      %broadcast_in_dim3A_647 = vector.broadcast %broadcast_in_dim3A : i32 to vector<16xi32>
      %and3A = arith.constant 127 : i32
      %and3A_648 = arith.andi %squeeze3A_632, %and3A : i32
      %broadcast_in_dim3A_649 = vector.broadcast %and3A_648 : i32 to vector<16xi32>
      %gather3A = tpu.vector_load_idx %arg7[%broadcast_in_dim3A_647, %iota3A, %broadcast_in_dim3A_649] : memref<16x32x128xf32, #tpu.memory_space<vmem>>[vector<16xi32>, vector<16xi32>, vector<16xi32>], vector<16xf32>,
      %add3A_650 = arith.constant 16 : i32
      %add3A_651 = vector.broadcast %add3A_650 : i32 to vector<16xi32>
      %add3A_652 = arith.addi %iota3A, %add3A_651 : vector<16xi32>
      %gather3A_653 = tpu.vector_load_idx %arg7[%broadcast_in_dim3A_647, %add3A_652, %broadcast_in_dim3A_649] : memref<16x32x128xf32, #tpu.memory_space<vmem>>[vector<16xi32>, vector<16xi32>, vector<16xi32>], vector<16xf32>,
      %sub3A = arith.constant 999936 : i32
      %sub3A_654 = arith.subi %squeeze3A_632, %sub3A : i32
      %jit3A = arith.constant 0 : i32
      %jit3A_655 = arith.constant 63 : i32
      %max3A = arith.maxsi %jit3A, %sub3A_654 : i32
      %min3A_656 = arith.minsi %jit3A_655, %max3A : i32
      %mul3A_657 = arith.constant 32 : i32
      %mul3A_658 = arith.muli %min3A_656, %mul3A_657 : i32
      %add3A_659 = vector.broadcast %mul3A_658 : i32 to vector<16xi32>
      %add3A_660 = arith.addi %add3A_659, %iota3A : vector<16xi32>
      %gather3A_661 = tpu.vector_load_idx %arg9[%add3A_660] : memref<2048xf32, #tpu.memory_space<vmem>>[vector<16xi32>], vector<16xf32>,
      %add3A_662 = arith.constant 16 : i32
      %add3A_663 = vector.broadcast %add3A_662 : i32 to vector<16xi32>
      %add3A_664 = arith.addi %add3A_660, %add3A_663 : vector<16xi32>
      %gather3A_665 = tpu.vector_load_idx %arg9[%add3A_664] : memref<2048xf32, #tpu.memory_space<vmem>>[vector<16xi32>], vector<16xf32>,
      %broadcast_in_dim3A_666 = vector.broadcast %squeeze3A_632 : i32 to vector<16xi32>
      %ge3A = arith.constant 999936 : i32
      %ge3A_667 = vector.broadcast %ge3A : i32 to vector<16xi32>
      %ge3A_668 = arith.cmpi sge, %broadcast_in_dim3A_666, %ge3A_667 : vector<16xi32>
      %select_n3A = arith.select %ge3A_668, %gather3A_661, %gather3A : vector<16xi1>, vector<16xf32>
      %select_n3A_669 = arith.select %ge3A_668, %gather3A_665, %gather3A_653 : vector<16xi1>, vector<16xf32>
      %add3A_670 = arith.constant 0 : i32
      %add3A_671 = arith.addi %mul3A_630, %add3A_670 : i32
      %broadcast_in_dim3A_672 = vector.broadcast %add3A_671 : i32 to vector<16xi32>
      tpu.vector_store_idx %arg8[%iota3A, %broadcast_in_dim3A_672], %select_n3A : memref<32x512xf32, #tpu.memory_space<vmem>>[vector<16xi32>, vector<16xi32>], vector<16xf32>,
      %add3A_673 = arith.constant 16 : i32
      %add3A_674 = vector.broadcast %add3A_673 : i32 to vector<16xi32>
      %add3A_675 = arith.addi %iota3A, %add3A_674 : vector<16xi32>
      tpu.vector_store_idx %arg8[%add3A_675, %broadcast_in_dim3A_672], %select_n3A_669 : memref<32x512xf32, #tpu.memory_space<vmem>>[vector<16xi32>, vector<16xi32>], vector<16xf32>,
      %broadcast_in_dim3A_676 = arith.constant 1 : i32
      %broadcast_in_dim3A_677 = vector.broadcast %broadcast_in_dim3A_676 : i32 to vector<16xi32>
      %and3A_678 = arith.constant 127 : i32
      %and3A_679 = arith.andi %squeeze3A_634, %and3A_678 : i32
      %broadcast_in_dim3A_680 = vector.broadcast %and3A_679 : i32 to vector<16xi32>
      %gather3A_681 = tpu.vector_load_idx %arg7[%broadcast_in_dim3A_677, %iota3A, %broadcast_in_dim3A_680] : memref<16x32x128xf32, #tpu.memory_space<vmem>>[vector<16xi32>, vector<16xi32>, vector<16xi32>], vector<16xf32>,
      %add3A_682 = arith.constant 16 : i32
      %add3A_683 = vector.broadcast %add3A_682 : i32 to vector<16xi32>
      %add3A_684 = arith.addi %iota3A, %add3A_683 : vector<16xi32>
      %gather3A_685 = tpu.vector_load_idx %arg7[%broadcast_in_dim3A_677, %add3A_684, %broadcast_in_dim3A_680] : memref<16x32x128xf32, #tpu.memory_space<vmem>>[vector<16xi32>, vector<16xi32>, vector<16xi32>], vector<16xf32>,
      %sub3A_686 = arith.constant 999936 : i32
      %sub3A_687 = arith.subi %squeeze3A_634, %sub3A_686 : i32
      %jit3A_688 = arith.constant 0 : i32
      %jit3A_689 = arith.constant 63 : i32
      %max3A_690 = arith.maxsi %jit3A_688, %sub3A_687 : i32
      %min3A_691 = arith.minsi %jit3A_689, %max3A_690 : i32
      %mul3A_692 = arith.constant 32 : i32
      %mul3A_693 = arith.muli %min3A_691, %mul3A_692 : i32
      %add3A_694 = vector.broadcast %mul3A_693 : i32 to vector<16xi32>
      %add3A_695 = arith.addi %add3A_694, %iota3A : vector<16xi32>
      %gather3A_696 = tpu.vector_load_idx %arg9[%add3A_695] : memref<2048xf32, #tpu.memory_space<vmem>>[vector<16xi32>], vector<16xf32>,
      %add3A_697 = arith.constant 16 : i32
      %add3A_698 = vector.broadcast %add3A_697 : i32 to vector<16xi32>
      %add3A_699 = arith.addi %add3A_695, %add3A_698 : vector<16xi32>
      %gather3A_700 = tpu.vector_load_idx %arg9[%add3A_699] : memref<2048xf32, #tpu.memory_space<vmem>>[vector<16xi32>], vector<16xf32>,
      %broadcast_in_dim3A_701 = vector.broadcast %squeeze3A_634 : i32 to vector<16xi32>
      %ge3A_702 = arith.constant 999936 : i32
      %ge3A_703 = vector.broadcast %ge3A_702 : i32 to vector<16xi32>
      %ge3A_704 = arith.cmpi sge, %broadcast_in_dim3A_701, %ge3A_703 : vector<16xi32>
      %select_n3A_705 = arith.select %ge3A_704, %gather3A_696, %gather3A_681 : vector<16xi1>, vector<16xf32>
      %select_n3A_706 = arith.select %ge3A_704, %gather3A_700, %gather3A_685 : vector<16xi1>, vector<16xf32>
      %add3A_707 = arith.constant 1 : i32
      %add3A_708 = arith.addi %mul3A_630, %add3A_707 : i32
      %broadcast_in_dim3A_709 = vector.broadcast %add3A_708 : i32 to vector<16xi32>
      tpu.vector_store_idx %arg8[%iota3A, %broadcast_in_dim3A_709], %select_n3A_705 : memref<32x512xf32, #tpu.memory_space<vmem>>[vector<16xi32>, vector<16xi32>], vector<16xf32>,
      %add3A_710 = arith.constant 16 : i32
      %add3A_711 = vector.broadcast %add3A_710 : i32 to vector<16xi32>
      %add3A_712 = arith.addi %iota3A, %add3A_711 : vector<16xi32>
      tpu.vector_store_idx %arg8[%add3A_712, %broadcast_in_dim3A_709], %select_n3A_706 : memref<32x512xf32, #tpu.memory_space<vmem>>[vector<16xi32>, vector<16xi32>], vector<16xf32>,
      %broadcast_in_dim3A_713 = arith.constant 2 : i32
      %broadcast_in_dim3A_714 = vector.broadcast %broadcast_in_dim3A_713 : i32 to vector<16xi32>
      %and3A_715 = arith.constant 127 : i32
      %and3A_716 = arith.andi %squeeze3A_636, %and3A_715 : i32
      %broadcast_in_dim3A_717 = vector.broadcast %and3A_716 : i32 to vector<16xi32>
      %gather3A_718 = tpu.vector_load_idx %arg7[%broadcast_in_dim3A_714, %iota3A, %broadcast_in_dim3A_717] : memref<16x32x128xf32, #tpu.memory_space<vmem>>[vector<16xi32>, vector<16xi32>, vector<16xi32>], vector<16xf32>,
      %add3A_719 = arith.constant 16 : i32
      %add3A_720 = vector.broadcast %add3A_719 : i32 to vector<16xi32>
      %add3A_721 = arith.addi %iota3A, %add3A_720 : vector<16xi32>
      %gather3A_722 = tpu.vector_load_idx %arg7[%broadcast_in_dim3A_714, %add3A_721, %broadcast_in_dim3A_717] : memref<16x32x128xf32, #tpu.memory_space<vmem>>[vector<16xi32>, vector<16xi32>, vector<16xi32>], vector<16xf32>,
      %sub3A_723 = arith.constant 999936 : i32
      %sub3A_724 = arith.subi %squeeze3A_636, %sub3A_723 : i32
      %jit3A_725 = arith.constant 0 : i32
      %jit3A_726 = arith.constant 63 : i32
      %max3A_727 = arith.maxsi %jit3A_725, %sub3A_724 : i32
      %min3A_728 = arith.minsi %jit3A_726, %max3A_727 : i32
      %mul3A_729 = arith.constant 32 : i32
      %mul3A_730 = arith.muli %min3A_728, %mul3A_729 : i32
      %add3A_731 = vector.broadcast %mul3A_730 : i32 to vector<16xi32>
      %add3A_732 = arith.addi %add3A_731, %iota3A : vector<16xi32>
      %gather3A_733 = tpu.vector_load_idx %arg9[%add3A_732] : memref<2048xf32, #tpu.memory_space<vmem>>[vector<16xi32>], vector<16xf32>,
      %add3A_734 = arith.constant 16 : i32
      %add3A_735 = vector.broadcast %add3A_734 : i32 to vector<16xi32>
      %add3A_736 = arith.addi %add3A_732, %add3A_735 : vector<16xi32>
      %gather3A_737 = tpu.vector_load_idx %arg9[%add3A_736] : memref<2048xf32, #tpu.memory_space<vmem>>[vector<16xi32>], vector<16xf32>,
      %broadcast_in_dim3A_738 = vector.broadcast %squeeze3A_636 : i32 to vector<16xi32>
      %ge3A_739 = arith.constant 999936 : i32
      %ge3A_740 = vector.broadcast %ge3A_739 : i32 to vector<16xi32>
      %ge3A_741 = arith.cmpi sge, %broadcast_in_dim3A_738, %ge3A_740 : vector<16xi32>
      %select_n3A_742 = arith.select %ge3A_741, %gather3A_733, %gather3A_718 : vector<16xi1>, vector<16xf32>
      %select_n3A_743 = arith.select %ge3A_741, %gather3A_737, %gather3A_722 : vector<16xi1>, vector<16xf32>
      %add3A_744 = arith.constant 2 : i32
      %add3A_745 = arith.addi %mul3A_630, %add3A_744 : i32
      %broadcast_in_dim3A_746 = vector.broadcast %add3A_745 : i32 to vector<16xi32>
      tpu.vector_store_idx %arg8[%iota3A, %broadcast_in_dim3A_746], %select_n3A_742 : memref<32x512xf32, #tpu.memory_space<vmem>>[vector<16xi32>, vector<16xi32>], vector<16xf32>,
      %add3A_747 = arith.constant 16 : i32
      %add3A_748 = vector.broadcast %add3A_747 : i32 to vector<16xi32>
      %add3A_749 = arith.addi %iota3A, %add3A_748 : vector<16xi32>
      tpu.vector_store_idx %arg8[%add3A_749, %broadcast_in_dim3A_746], %select_n3A_743 : memref<32x512xf32, #tpu.memory_space<vmem>>[vector<16xi32>, vector<16xi32>], vector<16xf32>,
      %broadcast_in_dim3A_750 = arith.constant 3 : i32
      %broadcast_in_dim3A_751 = vector.broadcast %broadcast_in_dim3A_750 : i32 to vector<16xi32>
      %and3A_752 = arith.constant 127 : i32
      %and3A_753 = arith.andi %squeeze3A_638, %and3A_752 : i32
      %broadcast_in_dim3A_754 = vector.broadcast %and3A_753 : i32 to vector<16xi32>
      %gather3A_755 = tpu.vector_load_idx %arg7[%broadcast_in_dim3A_751, %iota3A, %broadcast_in_dim3A_754] : memref<16x32x128xf32, #tpu.memory_space<vmem>>[vector<16xi32>, vector<16xi32>, vector<16xi32>], vector<16xf32>,
      %add3A_756 = arith.constant 16 : i32
      %add3A_757 = vector.broadcast %add3A_756 : i32 to vector<16xi32>
      %add3A_758 = arith.addi %iota3A, %add3A_757 : vector<16xi32>
      %gather3A_759 = tpu.vector_load_idx %arg7[%broadcast_in_dim3A_751, %add3A_758, %broadcast_in_dim3A_754] : memref<16x32x128xf32, #tpu.memory_space<vmem>>[vector<16xi32>, vector<16xi32>, vector<16xi32>], vector<16xf32>,
      %sub3A_760 = arith.constant 999936 : i32
      %sub3A_761 = arith.subi %squeeze3A_638, %sub3A_760 : i32
      %jit3A_762 = arith.constant 0 : i32
      %jit3A_763 = arith.constant 63 : i32
      %max3A_764 = arith.maxsi %jit3A_762, %sub3A_761 : i32
      %min3A_765 = arith.minsi %jit3A_763, %max3A_764 : i32
      %mul3A_766 = arith.constant 32 : i32
      %mul3A_767 = arith.muli %min3A_765, %mul3A_766 : i32
      %add3A_768 = vector.broadcast %mul3A_767 : i32 to vector<16xi32>
      %add3A_769 = arith.addi %add3A_768, %iota3A : vector<16xi32>
      %gather3A_770 = tpu.vector_load_idx %arg9[%add3A_769] : memref<2048xf32, #tpu.memory_space<vmem>>[vector<16xi32>], vector<16xf32>,
      %add3A_771 = arith.constant 16 : i32
      %add3A_772 = vector.broadcast %add3A_771 : i32 to vector<16xi32>
      %add3A_773 = arith.addi %add3A_769, %add3A_772 : vector<16xi32>
      %gather3A_774 = tpu.vector_load_idx %arg9[%add3A_773] : memref<2048xf32, #tpu.memory_space<vmem>>[vector<16xi32>], vector<16xf32>,
      %broadcast_in_dim3A_775 = vector.broadcast %squeeze3A_638 : i32 to vector<16xi32>
      %ge3A_776 = arith.constant 999936 : i32
      %ge3A_777 = vector.broadcast %ge3A_776 : i32 to vector<16xi32>
      %ge3A_778 = arith.cmpi sge, %broadcast_in_dim3A_775, %ge3A_777 : vector<16xi32>
      %select_n3A_779 = arith.select %ge3A_778, %gather3A_770, %gather3A_755 : vector<16xi1>, vector<16xf32>
      %select_n3A_780 = arith.select %ge3A_778, %gather3A_774, %gather3A_759 : vector<16xi1>, vector<16xf32>
      %add3A_781 = arith.constant 3 : i32
      %add3A_782 = arith.addi %mul3A_630, %add3A_781 : i32
      %broadcast_in_dim3A_783 = vector.broadcast %add3A_782 : i32 to vector<16xi32>
      tpu.vector_store_idx %arg8[%iota3A, %broadcast_in_dim3A_783], %select_n3A_779 : memref<32x512xf32, #tpu.memory_space<vmem>>[vector<16xi32>, vector<16xi32>], vector<16xf32>,
      %add3A_784 = arith.constant 16 : i32
      %add3A_785 = vector.broadcast %add3A_784 : i32 to vector<16xi32>
      %add3A_786 = arith.addi %iota3A, %add3A_785 : vector<16xi32>
      tpu.vector_store_idx %arg8[%add3A_786, %broadcast_in_dim3A_783], %select_n3A_780 : memref<32x512xf32, #tpu.memory_space<vmem>>[vector<16xi32>, vector<16xi32>], vector<16xf32>,
      %broadcast_in_dim3A_787 = arith.constant 4 : i32
      %broadcast_in_dim3A_788 = vector.broadcast %broadcast_in_dim3A_787 : i32 to vector<16xi32>
      %and3A_789 = arith.constant 127 : i32
      %and3A_790 = arith.andi %squeeze3A_640, %and3A_789 : i32
      %broadcast_in_dim3A_791 = vector.broadcast %and3A_790 : i32 to vector<16xi32>
      %gather3A_792 = tpu.vector_load_idx %arg7[%broadcast_in_dim3A_788, %iota3A, %broadcast_in_dim3A_791] : memref<16x32x128xf32, #tpu.memory_space<vmem>>[vector<16xi32>, vector<16xi32>, vector<16xi32>], vector<16xf32>,
      %add3A_793 = arith.constant 16 : i32
      %add3A_794 = vector.broadcast %add3A_793 : i32 to vector<16xi32>
      %add3A_795 = arith.addi %iota3A, %add3A_794 : vector<16xi32>
      %gather3A_796 = tpu.vector_load_idx %arg7[%broadcast_in_dim3A_788, %add3A_795, %broadcast_in_dim3A_791] : memref<16x32x128xf32, #tpu.memory_space<vmem>>[vector<16xi32>, vector<16xi32>, vector<16xi32>], vector<16xf32>,
      %sub3A_797 = arith.constant 999936 : i32
      %sub3A_798 = arith.subi %squeeze3A_640, %sub3A_797 : i32
      %jit3A_799 = arith.constant 0 : i32
      %jit3A_800 = arith.constant 63 : i32
      %max3A_801 = arith.maxsi %jit3A_799, %sub3A_798 : i32
      %min3A_802 = arith.minsi %jit3A_800, %max3A_801 : i32
      %mul3A_803 = arith.constant 32 : i32
      %mul3A_804 = arith.muli %min3A_802, %mul3A_803 : i32
      %add3A_805 = vector.broadcast %mul3A_804 : i32 to vector<16xi32>
      %add3A_806 = arith.addi %add3A_805, %iota3A : vector<16xi32>
      %gather3A_807 = tpu.vector_load_idx %arg9[%add3A_806] : memref<2048xf32, #tpu.memory_space<vmem>>[vector<16xi32>], vector<16xf32>,
      %add3A_808 = arith.constant 16 : i32
      %add3A_809 = vector.broadcast %add3A_808 : i32 to vector<16xi32>
      %add3A_810 = arith.addi %add3A_806, %add3A_809 : vector<16xi32>
      %gather3A_811 = tpu.vector_load_idx %arg9[%add3A_810] : memref<2048xf32, #tpu.memory_space<vmem>>[vector<16xi32>], vector<16xf32>,
      %broadcast_in_dim3A_812 = vector.broadcast %squeeze3A_640 : i32 to vector<16xi32>
      %ge3A_813 = arith.constant 999936 : i32
      %ge3A_814 = vector.broadcast %ge3A_813 : i32 to vector<16xi32>
      %ge3A_815 = arith.cmpi sge, %broadcast_in_dim3A_812, %ge3A_814 : vector<16xi32>
      %select_n3A_816 = arith.select %ge3A_815, %gather3A_807, %gather3A_792 : vector<16xi1>, vector<16xf32>
      %select_n3A_817 = arith.select %ge3A_815, %gather3A_811, %gather3A_796 : vector<16xi1>, vector<16xf32>
      %add3A_818 = arith.constant 4 : i32
      %add3A_819 = arith.addi %mul3A_630, %add3A_818 : i32
      %broadcast_in_dim3A_820 = vector.broadcast %add3A_819 : i32 to vector<16xi32>
      tpu.vector_store_idx %arg8[%iota3A, %broadcast_in_dim3A_820], %select_n3A_816 : memref<32x512xf32, #tpu.memory_space<vmem>>[vector<16xi32>, vector<16xi32>], vector<16xf32>,
      %add3A_821 = arith.constant 16 : i32
      %add3A_822 = vector.broadcast %add3A_821 : i32 to vector<16xi32>
      %add3A_823 = arith.addi %iota3A, %add3A_822 : vector<16xi32>
      tpu.vector_store_idx %arg8[%add3A_823, %broadcast_in_dim3A_820], %select_n3A_817 : memref<32x512xf32, #tpu.memory_space<vmem>>[vector<16xi32>, vector<16xi32>], vector<16xf32>,
      %broadcast_in_dim3A_824 = arith.constant 5 : i32
      %broadcast_in_dim3A_825 = vector.broadcast %broadcast_in_dim3A_824 : i32 to vector<16xi32>
      %and3A_826 = arith.constant 127 : i32
      %and3A_827 = arith.andi %squeeze3A_642, %and3A_826 : i32
      %broadcast_in_dim3A_828 = vector.broadcast %and3A_827 : i32 to vector<16xi32>
      %gather3A_829 = tpu.vector_load_idx %arg7[%broadcast_in_dim3A_825, %iota3A, %broadcast_in_dim3A_828] : memref<16x32x128xf32, #tpu.memory_space<vmem>>[vector<16xi32>, vector<16xi32>, vector<16xi32>], vector<16xf32>,
      %add3A_830 = arith.constant 16 : i32
      %add3A_831 = vector.broadcast %add3A_830 : i32 to vector<16xi32>
      %add3A_832 = arith.addi %iota3A, %add3A_831 : vector<16xi32>
      %gather3A_833 = tpu.vector_load_idx %arg7[%broadcast_in_dim3A_825, %add3A_832, %broadcast_in_dim3A_828] : memref<16x32x128xf32, #tpu.memory_space<vmem>>[vector<16xi32>, vector<16xi32>, vector<16xi32>], vector<16xf32>,
      %sub3A_834 = arith.constant 999936 : i32
      %sub3A_835 = arith.subi %squeeze3A_642, %sub3A_834 : i32
      %jit3A_836 = arith.constant 0 : i32
      %jit3A_837 = arith.constant 63 : i32
      %max3A_838 = arith.maxsi %jit3A_836, %sub3A_835 : i32
      %min3A_839 = arith.minsi %jit3A_837, %max3A_838 : i32
      %mul3A_840 = arith.constant 32 : i32
      %mul3A_841 = arith.muli %min3A_839, %mul3A_840 : i32
      %add3A_842 = vector.broadcast %mul3A_841 : i32 to vector<16xi32>
      %add3A_843 = arith.addi %add3A_842, %iota3A : vector<16xi32>
      %gather3A_844 = tpu.vector_load_idx %arg9[%add3A_843] : memref<2048xf32, #tpu.memory_space<vmem>>[vector<16xi32>], vector<16xf32>,
      %add3A_845 = arith.constant 16 : i32
      %add3A_846 = vector.broadcast %add3A_845 : i32 to vector<16xi32>
      %add3A_847 = arith.addi %add3A_843, %add3A_846 : vector<16xi32>
      %gather3A_848 = tpu.vector_load_idx %arg9[%add3A_847] : memref<2048xf32, #tpu.memory_space<vmem>>[vector<16xi32>], vector<16xf32>,
      %broadcast_in_dim3A_849 = vector.broadcast %squeeze3A_642 : i32 to vector<16xi32>
      %ge3A_850 = arith.constant 999936 : i32
      %ge3A_851 = vector.broadcast %ge3A_850 : i32 to vector<16xi32>
      %ge3A_852 = arith.cmpi sge, %broadcast_in_dim3A_849, %ge3A_851 : vector<16xi32>
      %select_n3A_853 = arith.select %ge3A_852, %gather3A_844, %gather3A_829 : vector<16xi1>, vector<16xf32>
      %select_n3A_854 = arith.select %ge3A_852, %gather3A_848, %gather3A_833 : vector<16xi1>, vector<16xf32>
      %add3A_855 = arith.constant 5 : i32
      %add3A_856 = arith.addi %mul3A_630, %add3A_855 : i32
      %broadcast_in_dim3A_857 = vector.broadcast %add3A_856 : i32 to vector<16xi32>
      tpu.vector_store_idx %arg8[%iota3A, %broadcast_in_dim3A_857], %select_n3A_853 : memref<32x512xf32, #tpu.memory_space<vmem>>[vector<16xi32>, vector<16xi32>], vector<16xf32>,
      %add3A_858 = arith.constant 16 : i32
      %add3A_859 = vector.broadcast %add3A_858 : i32 to vector<16xi32>
      %add3A_860 = arith.addi %iota3A, %add3A_859 : vector<16xi32>
      tpu.vector_store_idx %arg8[%add3A_860, %broadcast_in_dim3A_857], %select_n3A_854 : memref<32x512xf32, #tpu.memory_space<vmem>>[vector<16xi32>, vector<16xi32>], vector<16xf32>,
      %broadcast_in_dim3A_861 = arith.constant 6 : i32
      %broadcast_in_dim3A_862 = vector.broadcast %broadcast_in_dim3A_861 : i32 to vector<16xi32>
      %and3A_863 = arith.constant 127 : i32
      %and3A_864 = arith.andi %squeeze3A_644, %and3A_863 : i32
      %broadcast_in_dim3A_865 = vector.broadcast %and3A_864 : i32 to vector<16xi32>
      %gather3A_866 = tpu.vector_load_idx %arg7[%broadcast_in_dim3A_862, %iota3A, %broadcast_in_dim3A_865] : memref<16x32x128xf32, #tpu.memory_space<vmem>>[vector<16xi32>, vector<16xi32>, vector<16xi32>], vector<16xf32>,
      %add3A_867 = arith.constant 16 : i32
      %add3A_868 = vector.broadcast %add3A_867 : i32 to vector<16xi32>
      %add3A_869 = arith.addi %iota3A, %add3A_868 : vector<16xi32>
      %gather3A_870 = tpu.vector_load_idx %arg7[%broadcast_in_dim3A_862, %add3A_869, %broadcast_in_dim3A_865] : memref<16x32x128xf32, #tpu.memory_space<vmem>>[vector<16xi32>, vector<16xi32>, vector<16xi32>], vector<16xf32>,
      %sub3A_871 = arith.constant 999936 : i32
      %sub3A_872 = arith.subi %squeeze3A_644, %sub3A_871 : i32
      %jit3A_873 = arith.constant 0 : i32
      %jit3A_874 = arith.constant 63 : i32
      %max3A_875 = arith.maxsi %jit3A_873, %sub3A_872 : i32
      %min3A_876 = arith.minsi %jit3A_874, %max3A_875 : i32
      %mul3A_877 = arith.constant 32 : i32
      %mul3A_878 = arith.muli %min3A_876, %mul3A_877 : i32
      %add3A_879 = vector.broadcast %mul3A_878 : i32 to vector<16xi32>
      %add3A_880 = arith.addi %add3A_879, %iota3A : vector<16xi32>
      %gather3A_881 = tpu.vector_load_idx %arg9[%add3A_880] : memref<2048xf32, #tpu.memory_space<vmem>>[vector<16xi32>], vector<16xf32>,
      %add3A_882 = arith.constant 16 : i32
      %add3A_883 = vector.broadcast %add3A_882 : i32 to vector<16xi32>
      %add3A_884 = arith.addi %add3A_880, %add3A_883 : vector<16xi32>
      %gather3A_885 = tpu.vector_load_idx %arg9[%add3A_884] : memref<2048xf32, #tpu.memory_space<vmem>>[vector<16xi32>], vector<16xf32>,
      %broadcast_in_dim3A_886 = vector.broadcast %squeeze3A_644 : i32 to vector<16xi32>
      %ge3A_887 = arith.constant 999936 : i32
      %ge3A_888 = vector.broadcast %ge3A_887 : i32 to vector<16xi32>
      %ge3A_889 = arith.cmpi sge, %broadcast_in_dim3A_886, %ge3A_888 : vector<16xi32>
      %select_n3A_890 = arith.select %ge3A_889, %gather3A_881, %gather3A_866 : vector<16xi1>, vector<16xf32>
      %select_n3A_891 = arith.select %ge3A_889, %gather3A_885, %gather3A_870 : vector<16xi1>, vector<16xf32>
      %add3A_892 = arith.constant 6 : i32
      %add3A_893 = arith.addi %mul3A_630, %add3A_892 : i32
      %broadcast_in_dim3A_894 = vector.broadcast %add3A_893 : i32 to vector<16xi32>
      tpu.vector_store_idx %arg8[%iota3A, %broadcast_in_dim3A_894], %select_n3A_890 : memref<32x512xf32, #tpu.memory_space<vmem>>[vector<16xi32>, vector<16xi32>], vector<16xf32>,
      %add3A_895 = arith.constant 16 : i32
      %add3A_896 = vector.broadcast %add3A_895 : i32 to vector<16xi32>
      %add3A_897 = arith.addi %iota3A, %add3A_896 : vector<16xi32>
      tpu.vector_store_idx %arg8[%add3A_897, %broadcast_in_dim3A_894], %select_n3A_891 : memref<32x512xf32, #tpu.memory_space<vmem>>[vector<16xi32>, vector<16xi32>], vector<16xf32>,
      %broadcast_in_dim3A_898 = arith.constant 7 : i32
      %broadcast_in_dim3A_899 = vector.broadcast %broadcast_in_dim3A_898 : i32 to vector<16xi32>
      %and3A_900 = arith.constant 127 : i32
      %and3A_901 = arith.andi %squeeze3A_646, %and3A_900 : i32
      %broadcast_in_dim3A_902 = vector.broadcast %and3A_901 : i32 to vector<16xi32>
      %gather3A_903 = tpu.vector_load_idx %arg7[%broadcast_in_dim3A_899, %iota3A, %broadcast_in_dim3A_902] : memref<16x32x128xf32, #tpu.memory_space<vmem>>[vector<16xi32>, vector<16xi32>, vector<16xi32>], vector<16xf32>,
      %add3A_904 = arith.constant 16 : i32
      %add3A_905 = vector.broadcast %add3A_904 : i32 to vector<16xi32>
      %add3A_906 = arith.addi %iota3A, %add3A_905 : vector<16xi32>
      %gather3A_907 = tpu.vector_load_idx %arg7[%broadcast_in_dim3A_899, %add3A_906, %broadcast_in_dim3A_902] : memref<16x32x128xf32, #tpu.memory_space<vmem>>[vector<16xi32>, vector<16xi32>, vector<16xi32>], vector<16xf32>,
      %sub3A_908 = arith.constant 999936 : i32
      %sub3A_909 = arith.subi %squeeze3A_646, %sub3A_908 : i32
      %jit3A_910 = arith.constant 0 : i32
      %jit3A_911 = arith.constant 63 : i32
      %max3A_912 = arith.maxsi %jit3A_910, %sub3A_909 : i32
      %min3A_913 = arith.minsi %jit3A_911, %max3A_912 : i32
      %mul3A_914 = arith.constant 32 : i32
      %mul3A_915 = arith.muli %min3A_913, %mul3A_914 : i32
      %add3A_916 = vector.broadcast %mul3A_915 : i32 to vector<16xi32>
      %add3A_917 = arith.addi %add3A_916, %iota3A : vector<16xi32>
      %gather3A_918 = tpu.vector_load_idx %arg9[%add3A_917] : memref<2048xf32, #tpu.memory_space<vmem>>[vector<16xi32>], vector<16xf32>,
      %add3A_919 = arith.constant 16 : i32
      %add3A_920 = vector.broadcast %add3A_919 : i32 to vector<16xi32>
      %add3A_921 = arith.addi %add3A_917, %add3A_920 : vector<16xi32>
      %gather3A_922 = tpu.vector_load_idx %arg9[%add3A_921] : memref<2048xf32, #tpu.memory_space<vmem>>[vector<16xi32>], vector<16xf32>,
      %broadcast_in_dim3A_923 = vector.broadcast %squeeze3A_646 : i32 to vector<16xi32>
      %ge3A_924 = arith.constant 999936 : i32
      %ge3A_925 = vector.broadcast %ge3A_924 : i32 to vector<16xi32>
      %ge3A_926 = arith.cmpi sge, %broadcast_in_dim3A_923, %ge3A_925 : vector<16xi32>
      %select_n3A_927 = arith.select %ge3A_926, %gather3A_918, %gather3A_903 : vector<16xi1>, vector<16xf32>
      %select_n3A_928 = arith.select %ge3A_926, %gather3A_922, %gather3A_907 : vector<16xi1>, vector<16xf32>
      %add3A_929 = arith.constant 7 : i32
      %add3A_930 = arith.addi %mul3A_630, %add3A_929 : i32
      %broadcast_in_dim3A_931 = vector.broadcast %add3A_930 : i32 to vector<16xi32>
      tpu.vector_store_idx %arg8[%iota3A, %broadcast_in_dim3A_931], %select_n3A_927 : memref<32x512xf32, #tpu.memory_space<vmem>>[vector<16xi32>, vector<16xi32>], vector<16xf32>,
      %add3A_932 = arith.constant 16 : i32
      %add3A_933 = vector.broadcast %add3A_932 : i32 to vector<16xi32>
      %add3A_934 = arith.addi %iota3A, %add3A_933 : vector<16xi32>
      tpu.vector_store_idx %arg8[%add3A_934, %broadcast_in_dim3A_931], %select_n3A_928 : memref<32x512xf32, #tpu.memory_space<vmem>>[vector<16xi32>, vector<16xi32>], vector<16xf32>,
      %dma_wait3A_935 = arith.constant 0 : i32
      %dma_wait3A_936 = arith.constant 0 : i32
      %dma_wait3A_937 = arith.constant 0 : i32
      %dma_wait3A_938 = tpu.memref_slice %arg7[%dma_wait3A_935, %dma_wait3A_936, %dma_wait3A_937] : memref<16x32x128xf32, #tpu.memory_space<vmem>> -> memref<1x32x128xf32, #tpu.memory_space<vmem>>
      %dma_wait3A_939 = tpu.memref_squeeze %dma_wait3A_938 : memref<1x32x128xf32, #tpu.memory_space<vmem>> -> memref<32x128xf32, #tpu.memory_space<vmem>>
      %dma_wait3A_940 = tpu.memref_reshape %dma_wait3A_939 : memref<32x128xf32, #tpu.memory_space<vmem>> -> memref<4x8x128xf32, #tpu.memory_space<vmem>>
      %dma_wait3A_941 = tpu.memref_reshape %arg2 : memref<32x1000000xf32, #tpu.memory_space<hbm>> -> memref<4x8x1000000xf32, #tpu.memory_space<hbm>>
      %dma_wait3A_942 = arith.constant 0 : i32
      %dma_wait3A_943 = arith.constant 0 : i32
      %dma_wait3A_944 = arith.constant 0 : i32
      %dma_wait3A_945 = tpu.memref_slice %dma_wait3A_941[%dma_wait3A_942, %dma_wait3A_943, %dma_wait3A_944] : memref<4x8x1000000xf32, #tpu.memory_space<hbm>> -> memref<4x8x128xf32, #tpu.memory_space<hbm>>
      %dma_wait3A_946 = arith.constant 0 : i32
      %dma_wait3A_947 = arith.constant 0 : i32
      %dma_wait3A_948 = tpu.memref_slice %arg7[%dma_wait3A_935, %dma_wait3A_946, %dma_wait3A_947] : memref<16x32x128xf32, #tpu.memory_space<vmem>> -> memref<1x32x128xf32, #tpu.memory_space<vmem>>
      %dma_wait3A_949 = tpu.memref_squeeze %dma_wait3A_948 : memref<1x32x128xf32, #tpu.memory_space<vmem>> -> memref<32x128xf32, #tpu.memory_space<vmem>>
      %dma_wait3A_950 = tpu.memref_reshape %dma_wait3A_949 : memref<32x128xf32, #tpu.memory_space<vmem>> -> memref<4x8x128xf32, #tpu.memory_space<vmem>>
      %dma_wait3A_951 = tpu.memref_reshape %arg2 : memref<32x1000000xf32, #tpu.memory_space<hbm>> -> memref<4x8x1000000xf32, #tpu.memory_space<hbm>>
      %dma_wait3A_952 = arith.constant 0 : i32
      %dma_wait3A_953 = arith.constant 0 : i32
      %dma_wait3A_954 = arith.constant 0 : i32
      %dma_wait3A_955 = tpu.memref_slice %dma_wait3A_951[%dma_wait3A_952, %dma_wait3A_953, %dma_wait3A_954] : memref<4x8x1000000xf32, #tpu.memory_space<hbm>> -> memref<4x8x128xf32, #tpu.memory_space<hbm>>
      tpu.wait_dma2 semaphore(%arg11 : memref<!tpu.dma_semaphore, #tpu.memory_space<semaphore_mem>>) src(%dma_wait3A_955 : memref<4x8x128xf32, #tpu.memory_space<hbm>>) dst(%dma_wait3A_950 : memref<4x8x128xf32, #tpu.memory_space<vmem>>)
      %dma_wait3A_956 = arith.constant 0 : i32
      %dma_wait3A_957 = arith.constant 0 : i32
      %dma_wait3A_958 = arith.constant 0 : i32
      %dma_wait3A_959 = tpu.memref_slice %arg7[%dma_wait3A_956, %dma_wait3A_957, %dma_wait3A_958] : memref<16x32x128xf32, #tpu.memory_space<vmem>> -> memref<1x32x128xf32, #tpu.memory_space<vmem>>
      %dma_wait3A_960 = tpu.memref_squeeze %dma_wait3A_959 : memref<1x32x128xf32, #tpu.memory_space<vmem>> -> memref<32x128xf32, #tpu.memory_space<vmem>>
      %dma_wait3A_961 = tpu.memref_reshape %dma_wait3A_960 : memref<32x128xf32, #tpu.memory_space<vmem>> -> memref<4x8x128xf32, #tpu.memory_space<vmem>>
      %dma_wait3A_962 = tpu.memref_reshape %arg2 : memref<32x1000000xf32, #tpu.memory_space<hbm>> -> memref<4x8x1000000xf32, #tpu.memory_space<hbm>>
      %dma_wait3A_963 = arith.constant 0 : i32
      %dma_wait3A_964 = arith.constant 0 : i32
      %dma_wait3A_965 = arith.constant 0 : i32
      %dma_wait3A_966 = tpu.memref_slice %dma_wait3A_962[%dma_wait3A_963, %dma_wait3A_964, %dma_wait3A_965] : memref<4x8x1000000xf32, #tpu.memory_space<hbm>> -> memref<4x8x128xf32, #tpu.memory_space<hbm>>
      %dma_wait3A_967 = arith.constant 0 : i32
      %dma_wait3A_968 = arith.constant 0 : i32
      %dma_wait3A_969 = tpu.memref_slice %arg7[%dma_wait3A_956, %dma_wait3A_967, %dma_wait3A_968] : memref<16x32x128xf32, #tpu.memory_space<vmem>> -> memref<1x32x128xf32, #tpu.memory_space<vmem>>
      %dma_wait3A_970 = tpu.memref_squeeze %dma_wait3A_969 : memref<1x32x128xf32, #tpu.memory_space<vmem>> -> memref<32x128xf32, #tpu.memory_space<vmem>>
      %dma_wait3A_971 = tpu.memref_reshape %dma_wait3A_970 : memref<32x128xf32, #tpu.memory_space<vmem>> -> memref<4x8x128xf32, #tpu.memory_space<vmem>>
      %dma_wait3A_972 = tpu.memref_reshape %arg2 : memref<32x1000000xf32, #tpu.memory_space<hbm>> -> memref<4x8x1000000xf32, #tpu.memory_space<hbm>>
      %dma_wait3A_973 = arith.constant 0 : i32
      %dma_wait3A_974 = arith.constant 0 : i32
      %dma_wait3A_975 = arith.constant 0 : i32
      %dma_wait3A_976 = tpu.memref_slice %dma_wait3A_972[%dma_wait3A_973, %dma_wait3A_974, %dma_wait3A_975] : memref<4x8x1000000xf32, #tpu.memory_space<hbm>> -> memref<4x8x128xf32, #tpu.memory_space<hbm>>
      tpu.wait_dma2 semaphore(%arg11 : memref<!tpu.dma_semaphore, #tpu.memory_space<semaphore_mem>>) src(%dma_wait3A_976 : memref<4x8x128xf32, #tpu.memory_space<hbm>>) dst(%dma_wait3A_971 : memref<4x8x128xf32, #tpu.memory_space<vmem>>)
      %dma_wait3A_977 = arith.constant 0 : i32
      %dma_wait3A_978 = arith.constant 0 : i32
      %dma_wait3A_979 = arith.constant 0 : i32
      %dma_wait3A_980 = tpu.memref_slice %arg7[%dma_wait3A_977, %dma_wait3A_978, %dma_wait3A_979] : memref<16x32x128xf32, #tpu.memory_space<vmem>> -> memref<1x32x128xf32, #tpu.memory_space<vmem>>
      %dma_wait3A_981 = tpu.memref_squeeze %dma_wait3A_980 : memref<1x32x128xf32, #tpu.memory_space<vmem>> -> memref<32x128xf32, #tpu.memory_space<vmem>>
      %dma_wait3A_982 = tpu.memref_reshape %dma_wait3A_981 : memref<32x128xf32, #tpu.memory_space<vmem>> -> memref<4x8x128xf32, #tpu.memory_space<vmem>>
      %dma_wait3A_983 = tpu.memref_reshape %arg2 : memref<32x1000000xf32, #tpu.memory_space<hbm>> -> memref<4x8x1000000xf32, #tpu.memory_space<hbm>>
      %dma_wait3A_984 = arith.constant 0 : i32
      %dma_wait3A_985 = arith.constant 0 : i32
      %dma_wait3A_986 = arith.constant 0 : i32
      %dma_wait3A_987 = tpu.memref_slice %dma_wait3A_983[%dma_wait3A_984, %dma_wait3A_985, %dma_wait3A_986] : memref<4x8x1000000xf32, #tpu.memory_space<hbm>> -> memref<4x8x128xf32, #tpu.memory_space<hbm>>
      %dma_wait3A_988 = arith.constant 0 : i32
      %dma_wait3A_989 = arith.constant 0 : i32
      %dma_wait3A_990 = tpu.memref_slice %arg7[%dma_wait3A_977, %dma_wait3A_988, %dma_wait3A_989] : memref<16x32x128xf32, #tpu.memory_space<vmem>> -> memref<1x32x128xf32, #tpu.memory_space<vmem>>
      %dma_wait3A_991 = tpu.memref_squeeze %dma_wait3A_990 : memref<1x32x128xf32, #tpu.memory_space<vmem>> -> memref<32x128xf32, #tpu.memory_space<vmem>>
      %dma_wait3A_992 = tpu.memref_reshape %dma_wait3A_991 : memref<32x128xf32, #tpu.memory_space<vmem>> -> memref<4x8x128xf32, #tpu.memory_space<vmem>>
      %dma_wait3A_993 = tpu.memref_reshape %arg2 : memref<32x1000000xf32, #tpu.memory_space<hbm>> -> memref<4x8x1000000xf32, #tpu.memory_space<hbm>>
      %dma_wait3A_994 = arith.constant 0 : i32
      %dma_wait3A_995 = arith.constant 0 : i32
      %dma_wait3A_996 = arith.constant 0 : i32
      %dma_wait3A_997 = tpu.memref_slice %dma_wait3A_993[%dma_wait3A_994, %dma_wait3A_995, %dma_wait3A_996] : memref<4x8x1000000xf32, #tpu.memory_space<hbm>> -> memref<4x8x128xf32, #tpu.memory_space<hbm>>
      tpu.wait_dma2 semaphore(%arg11 : memref<!tpu.dma_semaphore, #tpu.memory_space<semaphore_mem>>) src(%dma_wait3A_997 : memref<4x8x128xf32, #tpu.memory_space<hbm>>) dst(%dma_wait3A_992 : memref<4x8x128xf32, #tpu.memory_space<vmem>>)
      %dma_wait3A_998 = arith.constant 0 : i32
      %dma_wait3A_999 = arith.constant 0 : i32
      %dma_wait3A_1000 = arith.constant 0 : i32
      %dma_wait3A_1001 = tpu.memref_slice %arg7[%dma_wait3A_998, %dma_wait3A_999, %dma_wait3A_1000] : memref<16x32x128xf32, #tpu.memory_space<vmem>> -> memref<1x32x128xf32, #tpu.memory_space<vmem>>
      %dma_wait3A_1002 = tpu.memref_squeeze %dma_wait3A_1001 : memref<1x32x128xf32, #tpu.memory_space<vmem>> -> memref<32x128xf32, #tpu.memory_space<vmem>>
      %dma_wait3A_1003 = tpu.memref_reshape %dma_wait3A_1002 : memref<32x128xf32, #tpu.memory_space<vmem>> -> memref<4x8x128xf32, #tpu.memory_space<vmem>>
      %dma_wait3A_1004 = tpu.memref_reshape %arg2 : memref<32x1000000xf32, #tpu.memory_space<hbm>> -> memref<4x8x1000000xf32, #tpu.memory_space<hbm>>
      %dma_wait3A_1005 = arith.constant 0 : i32
      %dma_wait3A_1006 = arith.constant 0 : i32
      %dma_wait3A_1007 = arith.constant 0 : i32
      %dma_wait3A_1008 = tpu.memref_slice %dma_wait3A_1004[%dma_wait3A_1005, %dma_wait3A_1006, %dma_wait3A_1007] : memref<4x8x1000000xf32, #tpu.memory_space<hbm>> -> memref<4x8x128xf32, #tpu.memory_space<hbm>>
      %dma_wait3A_1009 = arith.constant 0 : i32
      %dma_wait3A_1010 = arith.constant 0 : i32
      %dma_wait3A_1011 = tpu.memref_slice %arg7[%dma_wait3A_998, %dma_wait3A_1009, %dma_wait3A_1010] : memref<16x32x128xf32, #tpu.memory_space<vmem>> -> memref<1x32x128xf32, #tpu.memory_space<vmem>>
      %dma_wait3A_1012 = tpu.memref_squeeze %dma_wait3A_1011 : memref<1x32x128xf32, #tpu.memory_space<vmem>> -> memref<32x128xf32, #tpu.memory_space<vmem>>
      %dma_wait3A_1013 = tpu.memref_reshape %dma_wait3A_1012 : memref<32x128xf32, #tpu.memory_space<vmem>> -> memref<4x8x128xf32, #tpu.memory_space<vmem>>
      %dma_wait3A_1014 = tpu.memref_reshape %arg2 : memref<32x1000000xf32, #tpu.memory_space<hbm>> -> memref<4x8x1000000xf32, #tpu.memory_space<hbm>>
      %dma_wait3A_1015 = arith.constant 0 : i32
      %dma_wait3A_1016 = arith.constant 0 : i32
      %dma_wait3A_1017 = arith.constant 0 : i32
      %dma_wait3A_1018 = tpu.memref_slice %dma_wait3A_1014[%dma_wait3A_1015, %dma_wait3A_1016, %dma_wait3A_1017] : memref<4x8x1000000xf32, #tpu.memory_space<hbm>> -> memref<4x8x128xf32, #tpu.memory_space<hbm>>
      tpu.wait_dma2 semaphore(%arg11 : memref<!tpu.dma_semaphore, #tpu.memory_space<semaphore_mem>>) src(%dma_wait3A_1018 : memref<4x8x128xf32, #tpu.memory_space<hbm>>) dst(%dma_wait3A_1013 : memref<4x8x128xf32, #tpu.memory_space<vmem>>)
      %dma_wait3A_1019 = arith.constant 0 : i32
      %dma_wait3A_1020 = arith.constant 0 : i32
      %dma_wait3A_1021 = arith.constant 0 : i32
      %dma_wait3A_1022 = tpu.memref_slice %arg7[%dma_wait3A_1019, %dma_wait3A_1020, %dma_wait3A_1021] : memref<16x32x128xf32, #tpu.memory_space<vmem>> -> memref<1x32x128xf32, #tpu.memory_space<vmem>>
      %dma_wait3A_1023 = tpu.memref_squeeze %dma_wait3A_1022 : memref<1x32x128xf32, #tpu.memory_space<vmem>> -> memref<32x128xf32, #tpu.memory_space<vmem>>
      %dma_wait3A_1024 = tpu.memref_reshape %dma_wait3A_1023 : memref<32x128xf32, #tpu.memory_space<vmem>> -> memref<4x8x128xf32, #tpu.memory_space<vmem>>
      %dma_wait3A_1025 = tpu.memref_reshape %arg2 : memref<32x1000000xf32, #tpu.memory_space<hbm>> -> memref<4x8x1000000xf32, #tpu.memory_space<hbm>>
      %dma_wait3A_1026 = arith.constant 0 : i32
      %dma_wait3A_1027 = arith.constant 0 : i32
      %dma_wait3A_1028 = arith.constant 0 : i32
      %dma_wait3A_1029 = tpu.memref_slice %dma_wait3A_1025[%dma_wait3A_1026, %dma_wait3A_1027, %dma_wait3A_1028] : memref<4x8x1000000xf32, #tpu.memory_space<hbm>> -> memref<4x8x128xf32, #tpu.memory_space<hbm>>
      %dma_wait3A_1030 = arith.constant 0 : i32
      %dma_wait3A_1031 = arith.constant 0 : i32
      %dma_wait3A_1032 = tpu.memref_slice %arg7[%dma_wait3A_1019, %dma_wait3A_1030, %dma_wait3A_1031] : memref<16x32x128xf32, #tpu.memory_space<vmem>> -> memref<1x32x128xf32, #tpu.memory_space<vmem>>
      %dma_wait3A_1033 = tpu.memref_squeeze %dma_wait3A_1032 : memref<1x32x128xf32, #tpu.memory_space<vmem>> -> memref<32x128xf32, #tpu.memory_space<vmem>>
      %dma_wait3A_1034 = tpu.memref_reshape %dma_wait3A_1033 : memref<32x128xf32, #tpu.memory_space<vmem>> -> memref<4x8x128xf32, #tpu.memory_space<vmem>>
      %dma_wait3A_1035 = tpu.memref_reshape %arg2 : memref<32x1000000xf32, #tpu.memory_space<hbm>> -> memref<4x8x1000000xf32, #tpu.memory_space<hbm>>
      %dma_wait3A_1036 = arith.constant 0 : i32
      %dma_wait3A_1037 = arith.constant 0 : i32
      %dma_wait3A_1038 = arith.constant 0 : i32
      %dma_wait3A_1039 = tpu.memref_slice %dma_wait3A_1035[%dma_wait3A_1036, %dma_wait3A_1037, %dma_wait3A_1038] : memref<4x8x1000000xf32, #tpu.memory_space<hbm>> -> memref<4x8x128xf32, #tpu.memory_space<hbm>>
      tpu.wait_dma2 semaphore(%arg11 : memref<!tpu.dma_semaphore, #tpu.memory_space<semaphore_mem>>) src(%dma_wait3A_1039 : memref<4x8x128xf32, #tpu.memory_space<hbm>>) dst(%dma_wait3A_1034 : memref<4x8x128xf32, #tpu.memory_space<vmem>>)
      %dma_wait3A_1040 = arith.constant 0 : i32
      %dma_wait3A_1041 = arith.constant 0 : i32
      %dma_wait3A_1042 = arith.constant 0 : i32
      %dma_wait3A_1043 = tpu.memref_slice %arg7[%dma_wait3A_1040, %dma_wait3A_1041, %dma_wait3A_1042] : memref<16x32x128xf32, #tpu.memory_space<vmem>> -> memref<1x32x128xf32, #tpu.memory_space<vmem>>
      %dma_wait3A_1044 = tpu.memref_squeeze %dma_wait3A_1043 : memref<1x32x128xf32, #tpu.memory_space<vmem>> -> memref<32x128xf32, #tpu.memory_space<vmem>>
      %dma_wait3A_1045 = tpu.memref_reshape %dma_wait3A_1044 : memref<32x128xf32, #tpu.memory_space<vmem>> -> memref<4x8x128xf32, #tpu.memory_space<vmem>>
      %dma_wait3A_1046 = tpu.memref_reshape %arg2 : memref<32x1000000xf32, #tpu.memory_space<hbm>> -> memref<4x8x1000000xf32, #tpu.memory_space<hbm>>
      %dma_wait3A_1047 = arith.constant 0 : i32
      %dma_wait3A_1048 = arith.constant 0 : i32
      %dma_wait3A_1049 = arith.constant 0 : i32
      %dma_wait3A_1050 = tpu.memref_slice %dma_wait3A_1046[%dma_wait3A_1047, %dma_wait3A_1048, %dma_wait3A_1049] : memref<4x8x1000000xf32, #tpu.memory_space<hbm>> -> memref<4x8x128xf32, #tpu.memory_space<hbm>>
      %dma_wait3A_1051 = arith.constant 0 : i32
      %dma_wait3A_1052 = arith.constant 0 : i32
      %dma_wait3A_1053 = tpu.memref_slice %arg7[%dma_wait3A_1040, %dma_wait3A_1051, %dma_wait3A_1052] : memref<16x32x128xf32, #tpu.memory_space<vmem>> -> memref<1x32x128xf32, #tpu.memory_space<vmem>>
      %dma_wait3A_1054 = tpu.memref_squeeze %dma_wait3A_1053 : memref<1x32x128xf32, #tpu.memory_space<vmem>> -> memref<32x128xf32, #tpu.memory_space<vmem>>
      %dma_wait3A_1055 = tpu.memref_reshape %dma_wait3A_1054 : memref<32x128xf32, #tpu.memory_space<vmem>> -> memref<4x8x128xf32, #tpu.memory_space<vmem>>
      %dma_wait3A_1056 = tpu.memref_reshape %arg2 : memref<32x1000000xf32, #tpu.memory_space<hbm>> -> memref<4x8x1000000xf32, #tpu.memory_space<hbm>>
      %dma_wait3A_1057 = arith.constant 0 : i32
      %dma_wait3A_1058 = arith.constant 0 : i32
      %dma_wait3A_1059 = arith.constant 0 : i32
      %dma_wait3A_1060 = tpu.memref_slice %dma_wait3A_1056[%dma_wait3A_1057, %dma_wait3A_1058, %dma_wait3A_1059] : memref<4x8x1000000xf32, #tpu.memory_space<hbm>> -> memref<4x8x128xf32, #tpu.memory_space<hbm>>
      tpu.wait_dma2 semaphore(%arg11 : memref<!tpu.dma_semaphore, #tpu.memory_space<semaphore_mem>>) src(%dma_wait3A_1060 : memref<4x8x128xf32, #tpu.memory_space<hbm>>) dst(%dma_wait3A_1055 : memref<4x8x128xf32, #tpu.memory_space<vmem>>)
      %dma_wait3A_1061 = arith.constant 0 : i32
      %dma_wait3A_1062 = arith.constant 0 : i32
      %dma_wait3A_1063 = arith.constant 0 : i32
      %dma_wait3A_1064 = tpu.memref_slice %arg7[%dma_wait3A_1061, %dma_wait3A_1062, %dma_wait3A_1063] : memref<16x32x128xf32, #tpu.memory_space<vmem>> -> memref<1x32x128xf32, #tpu.memory_space<vmem>>
      %dma_wait3A_1065 = tpu.memref_squeeze %dma_wait3A_1064 : memref<1x32x128xf32, #tpu.memory_space<vmem>> -> memref<32x128xf32, #tpu.memory_space<vmem>>
      %dma_wait3A_1066 = tpu.memref_reshape %dma_wait3A_1065 : memref<32x128xf32, #tpu.memory_space<vmem>> -> memref<4x8x128xf32, #tpu.memory_space<vmem>>
      %dma_wait3A_1067 = tpu.memref_reshape %arg2 : memref<32x1000000xf32, #tpu.memory_space<hbm>> -> memref<4x8x1000000xf32, #tpu.memory_space<hbm>>
      %dma_wait3A_1068 = arith.constant 0 : i32
      %dma_wait3A_1069 = arith.constant 0 : i32
      %dma_wait3A_1070 = arith.constant 0 : i32
      %dma_wait3A_1071 = tpu.memref_slice %dma_wait3A_1067[%dma_wait3A_1068, %dma_wait3A_1069, %dma_wait3A_1070] : memref<4x8x1000000xf32, #tpu.memory_space<hbm>> -> memref<4x8x128xf32, #tpu.memory_space<hbm>>
      %dma_wait3A_1072 = arith.constant 0 : i32
      %dma_wait3A_1073 = arith.constant 0 : i32
      %dma_wait3A_1074 = tpu.memref_slice %arg7[%dma_wait3A_1061, %dma_wait3A_1072, %dma_wait3A_1073] : memref<16x32x128xf32, #tpu.memory_space<vmem>> -> memref<1x32x128xf32, #tpu.memory_space<vmem>>
      %dma_wait3A_1075 = tpu.memref_squeeze %dma_wait3A_1074 : memref<1x32x128xf32, #tpu.memory_space<vmem>> -> memref<32x128xf32, #tpu.memory_space<vmem>>
      %dma_wait3A_1076 = tpu.memref_reshape %dma_wait3A_1075 : memref<32x128xf32, #tpu.memory_space<vmem>> -> memref<4x8x128xf32, #tpu.memory_space<vmem>>
      %dma_wait3A_1077 = tpu.memref_reshape %arg2 : memref<32x1000000xf32, #tpu.memory_space<hbm>> -> memref<4x8x1000000xf32, #tpu.memory_space<hbm>>
      %dma_wait3A_1078 = arith.constant 0 : i32
      %dma_wait3A_1079 = arith.constant 0 : i32
      %dma_wait3A_1080 = arith.constant 0 : i32
      %dma_wait3A_1081 = tpu.memref_slice %dma_wait3A_1077[%dma_wait3A_1078, %dma_wait3A_1079, %dma_wait3A_1080] : memref<4x8x1000000xf32, #tpu.memory_space<hbm>> -> memref<4x8x128xf32, #tpu.memory_space<hbm>>
      tpu.wait_dma2 semaphore(%arg11 : memref<!tpu.dma_semaphore, #tpu.memory_space<semaphore_mem>>) src(%dma_wait3A_1081 : memref<4x8x128xf32, #tpu.memory_space<hbm>>) dst(%dma_wait3A_1076 : memref<4x8x128xf32, #tpu.memory_space<vmem>>)
      %dma_wait3A_1082 = arith.constant 0 : i32
      %dma_wait3A_1083 = arith.constant 0 : i32
      %dma_wait3A_1084 = arith.constant 0 : i32
      %dma_wait3A_1085 = tpu.memref_slice %arg7[%dma_wait3A_1082, %dma_wait3A_1083, %dma_wait3A_1084] : memref<16x32x128xf32, #tpu.memory_space<vmem>> -> memref<1x32x128xf32, #tpu.memory_space<vmem>>
      %dma_wait3A_1086 = tpu.memref_squeeze %dma_wait3A_1085 : memref<1x32x128xf32, #tpu.memory_space<vmem>> -> memref<32x128xf32, #tpu.memory_space<vmem>>
      %dma_wait3A_1087 = tpu.memref_reshape %dma_wait3A_1086 : memref<32x128xf32, #tpu.memory_space<vmem>> -> memref<4x8x128xf32, #tpu.memory_space<vmem>>
      %dma_wait3A_1088 = tpu.memref_reshape %arg2 : memref<32x1000000xf32, #tpu.memory_space<hbm>> -> memref<4x8x1000000xf32, #tpu.memory_space<hbm>>
      %dma_wait3A_1089 = arith.constant 0 : i32
      %dma_wait3A_1090 = arith.constant 0 : i32
      %dma_wait3A_1091 = arith.constant 0 : i32
      %dma_wait3A_1092 = tpu.memref_slice %dma_wait3A_1088[%dma_wait3A_1089, %dma_wait3A_1090, %dma_wait3A_1091] : memref<4x8x1000000xf32, #tpu.memory_space<hbm>> -> memref<4x8x128xf32, #tpu.memory_space<hbm>>
      %dma_wait3A_1093 = arith.constant 0 : i32
      %dma_wait3A_1094 = arith.constant 0 : i32
      %dma_wait3A_1095 = tpu.memref_slice %arg7[%dma_wait3A_1082, %dma_wait3A_1093, %dma_wait3A_1094] : memref<16x32x128xf32, #tpu.memory_space<vmem>> -> memref<1x32x128xf32, #tpu.memory_space<vmem>>
      %dma_wait3A_1096 = tpu.memref_squeeze %dma_wait3A_1095 : memref<1x32x128xf32, #tpu.memory_space<vmem>> -> memref<32x128xf32, #tpu.memory_space<vmem>>
      %dma_wait3A_1097 = tpu.memref_reshape %dma_wait3A_1096 : memref<32x128xf32, #tpu.memory_space<vmem>> -> memref<4x8x128xf32, #tpu.memory_space<vmem>>
      %dma_wait3A_1098 = tpu.memref_reshape %arg2 : memref<32x1000000xf32, #tpu.memory_space<hbm>> -> memref<4x8x1000000xf32, #tpu.memory_space<hbm>>
      %dma_wait3A_1099 = arith.constant 0 : i32
      %dma_wait3A_1100 = arith.constant 0 : i32
      %dma_wait3A_1101 = arith.constant 0 : i32
      %dma_wait3A_1102 = tpu.memref_slice %dma_wait3A_1098[%dma_wait3A_1099, %dma_wait3A_1100, %dma_wait3A_1101] : memref<4x8x1000000xf32, #tpu.memory_space<hbm>> -> memref<4x8x128xf32, #tpu.memory_space<hbm>>
      tpu.wait_dma2 semaphore(%arg11 : memref<!tpu.dma_semaphore, #tpu.memory_space<semaphore_mem>>) src(%dma_wait3A_1102 : memref<4x8x128xf32, #tpu.memory_space<hbm>>) dst(%dma_wait3A_1097 : memref<4x8x128xf32, #tpu.memory_space<vmem>>)
      %add3A_1103 = arith.constant 1 : i32
      %add3A_1104 = arith.addi %scan3A_225, %add3A_1103 : i32
      %lt3A = arith.constant 32 : i32
      %lt3A_1105 = arith.cmpi slt, %add3A_1104, %lt3A : i32
      %convert_element_type3A = arith.extui %lt3A_1105 : i1 to i32
      %cond3A = arith.constant 0 : i32
      %cond3A_1106 = arith.cmpi ne, %convert_element_type3A, %cond3A : i32
      scf.if %cond3A_1106 {
        %slice3A_1423 = vector.extract_strided_slice %get3A_237 {offsets = [0], sizes = [1], strides = [1]} : vector<16xi32> to vector<1xi32>
        %squeeze3A_1424 = vector.extract %slice3A_1423[0] : i32 from vector<1xi32>
        %slice3A_1425 = vector.extract_strided_slice %get3A_237 {offsets = [1], sizes = [1], strides = [1]} : vector<16xi32> to vector<1xi32>
        %squeeze3A_1426 = vector.extract %slice3A_1425[0] : i32 from vector<1xi32>
        %slice3A_1427 = vector.extract_strided_slice %get3A_237 {offsets = [2], sizes = [1], strides = [1]} : vector<16xi32> to vector<1xi32>
        %squeeze3A_1428 = vector.extract %slice3A_1427[0] : i32 from vector<1xi32>
        %slice3A_1429 = vector.extract_strided_slice %get3A_237 {offsets = [3], sizes = [1], strides = [1]} : vector<16xi32> to vector<1xi32>
        %squeeze3A_1430 = vector.extract %slice3A_1429[0] : i32 from vector<1xi32>
        %slice3A_1431 = vector.extract_strided_slice %get3A_237 {offsets = [4], sizes = [1], strides = [1]} : vector<16xi32> to vector<1xi32>
        %squeeze3A_1432 = vector.extract %slice3A_1431[0] : i32 from vector<1xi32>
        %slice3A_1433 = vector.extract_strided_slice %get3A_237 {offsets = [5], sizes = [1], strides = [1]} : vector<16xi32> to vector<1xi32>
        %squeeze3A_1434 = vector.extract %slice3A_1433[0] : i32 from vector<1xi32>
        %slice3A_1435 = vector.extract_strided_slice %get3A_237 {offsets = [6], sizes = [1], strides = [1]} : vector<16xi32> to vector<1xi32>
        %squeeze3A_1436 = vector.extract %slice3A_1435[0] : i32 from vector<1xi32>
        %slice3A_1437 = vector.extract_strided_slice %get3A_237 {offsets = [7], sizes = [1], strides = [1]} : vector<16xi32> to vector<1xi32>
        %squeeze3A_1438 = vector.extract %slice3A_1437[0] : i32 from vector<1xi32>
        %shift_right_arithmetic3A_1439 = arith.constant 7 : i32
        %shift_right_arithmetic3A_1440 = arith.shrsi %squeeze3A_1424, %shift_right_arithmetic3A_1439 : i32
        %min3A_1441 = arith.constant 7811 : i32
        %min3A_1442 = arith.minsi %shift_right_arithmetic3A_1440, %min3A_1441 : i32
        %shift_left3A_1443 = arith.constant 7 : i32
        %shift_left3A_1444 = arith.shli %min3A_1442, %shift_left3A_1443 : i32
        %multiple_of3A_1445 = tpu.assume_multiple %shift_left3A_1444, 128 : i32
        %dma_start3A_1446 = arith.constant 0 : i32
        %dma_start3A_1447 = arith.constant 0 : i32
        %dma_start3A_1448 = arith.constant 0 : i32
        %dma_start3A_1449 = tpu.memref_slice %arg7[%dma_start3A_1446, %dma_start3A_1447, %dma_start3A_1448] : memref<16x32x128xf32, #tpu.memory_space<vmem>> -> memref<1x32x128xf32, #tpu.memory_space<vmem>>
        %dma_start3A_1450 = tpu.memref_squeeze %dma_start3A_1449 : memref<1x32x128xf32, #tpu.memory_space<vmem>> -> memref<32x128xf32, #tpu.memory_space<vmem>>
        %dma_start3A_1451 = tpu.memref_reshape %dma_start3A_1450 : memref<32x128xf32, #tpu.memory_space<vmem>> -> memref<4x8x128xf32, #tpu.memory_space<vmem>>
        %dma_start3A_1452 = tpu.memref_reshape %arg2 : memref<32x1000000xf32, #tpu.memory_space<hbm>> -> memref<4x8x1000000xf32, #tpu.memory_space<hbm>>
        %dma_start3A_1453 = arith.constant 0 : i32
        %dma_start3A_1454 = arith.constant 0 : i32
        %dma_start3A_1455 = tpu.memref_slice %dma_start3A_1452[%dma_start3A_1453, %dma_start3A_1454, %multiple_of3A_1445] : memref<4x8x1000000xf32, #tpu.memory_space<hbm>> -> memref<4x8x128xf32, #tpu.memory_space<hbm>>
        %dma_start3A_1456 = arith.constant 0 : i32
        %dma_start3A_1457 = arith.constant 0 : i32
        %dma_start3A_1458 = tpu.memref_slice %arg7[%dma_start3A_1446, %dma_start3A_1456, %dma_start3A_1457] : memref<16x32x128xf32, #tpu.memory_space<vmem>> -> memref<1x32x128xf32, #tpu.memory_space<vmem>>
        %dma_start3A_1459 = tpu.memref_squeeze %dma_start3A_1458 : memref<1x32x128xf32, #tpu.memory_space<vmem>> -> memref<32x128xf32, #tpu.memory_space<vmem>>
        %dma_start3A_1460 = tpu.memref_reshape %dma_start3A_1459 : memref<32x128xf32, #tpu.memory_space<vmem>> -> memref<4x8x128xf32, #tpu.memory_space<vmem>>
        %dma_start3A_1461 = tpu.memref_reshape %arg2 : memref<32x1000000xf32, #tpu.memory_space<hbm>> -> memref<4x8x1000000xf32, #tpu.memory_space<hbm>>
        %dma_start3A_1462 = arith.constant 0 : i32
        %dma_start3A_1463 = arith.constant 0 : i32
        %dma_start3A_1464 = tpu.memref_slice %dma_start3A_1461[%dma_start3A_1462, %dma_start3A_1463, %multiple_of3A_1445] : memref<4x8x1000000xf32, #tpu.memory_space<hbm>> -> memref<4x8x128xf32, #tpu.memory_space<hbm>>
        tpu.enqueue_dma source(%dma_start3A_1464 : memref<4x8x128xf32, #tpu.memory_space<hbm>>) target(%dma_start3A_1460 : memref<4x8x128xf32, #tpu.memory_space<vmem>>) target_semaphore(%arg10 : memref<!tpu.dma_semaphore, #tpu.memory_space<semaphore_mem>>)
        %shift_right_arithmetic3A_1465 = arith.constant 7 : i32
        %shift_right_arithmetic3A_1466 = arith.shrsi %squeeze3A_1426, %shift_right_arithmetic3A_1465 : i32
        %min3A_1467 = arith.constant 7811 : i32
        %min3A_1468 = arith.minsi %shift_right_arithmetic3A_1466, %min3A_1467 : i32
        %shift_left3A_1469 = arith.constant 7 : i32
        %shift_left3A_1470 = arith.shli %min3A_1468, %shift_left3A_1469 : i32
        %multiple_of3A_1471 = tpu.assume_multiple %shift_left3A_1470, 128 : i32
        %dma_start3A_1472 = arith.constant 1 : i32
        %dma_start3A_1473 = arith.constant 0 : i32
        %dma_start3A_1474 = arith.constant 0 : i32
        %dma_start3A_1475 = tpu.memref_slice %arg7[%dma_start3A_1472, %dma_start3A_1473, %dma_start3A_1474] : memref<16x32x128xf32, #tpu.memory_space<vmem>> -> memref<1x32x128xf32, #tpu.memory_space<vmem>>
        %dma_start3A_1476 = tpu.memref_squeeze %dma_start3A_1475 : memref<1x32x128xf32, #tpu.memory_space<vmem>> -> memref<32x128xf32, #tpu.memory_space<vmem>>
        %dma_start3A_1477 = tpu.memref_reshape %dma_start3A_1476 : memref<32x128xf32, #tpu.memory_space<vmem>> -> memref<4x8x128xf32, #tpu.memory_space<vmem>>
        %dma_start3A_1478 = tpu.memref_reshape %arg2 : memref<32x1000000xf32, #tpu.memory_space<hbm>> -> memref<4x8x1000000xf32, #tpu.memory_space<hbm>>
        %dma_start3A_1479 = arith.constant 0 : i32
        %dma_start3A_1480 = arith.constant 0 : i32
        %dma_start3A_1481 = tpu.memref_slice %dma_start3A_1478[%dma_start3A_1479, %dma_start3A_1480, %multiple_of3A_1471] : memref<4x8x1000000xf32, #tpu.memory_space<hbm>> -> memref<4x8x128xf32, #tpu.memory_space<hbm>>
        %dma_start3A_1482 = arith.constant 0 : i32
        %dma_start3A_1483 = arith.constant 0 : i32
        %dma_start3A_1484 = tpu.memref_slice %arg7[%dma_start3A_1472, %dma_start3A_1482, %dma_start3A_1483] : memref<16x32x128xf32, #tpu.memory_space<vmem>> -> memref<1x32x128xf32, #tpu.memory_space<vmem>>
        %dma_start3A_1485 = tpu.memref_squeeze %dma_start3A_1484 : memref<1x32x128xf32, #tpu.memory_space<vmem>> -> memref<32x128xf32, #tpu.memory_space<vmem>>
        %dma_start3A_1486 = tpu.memref_reshape %dma_start3A_1485 : memref<32x128xf32, #tpu.memory_space<vmem>> -> memref<4x8x128xf32, #tpu.memory_space<vmem>>
        %dma_start3A_1487 = tpu.memref_reshape %arg2 : memref<32x1000000xf32, #tpu.memory_space<hbm>> -> memref<4x8x1000000xf32, #tpu.memory_space<hbm>>
        %dma_start3A_1488 = arith.constant 0 : i32
        %dma_start3A_1489 = arith.constant 0 : i32
        %dma_start3A_1490 = tpu.memref_slice %dma_start3A_1487[%dma_start3A_1488, %dma_start3A_1489, %multiple_of3A_1471] : memref<4x8x1000000xf32, #tpu.memory_space<hbm>> -> memref<4x8x128xf32, #tpu.memory_space<hbm>>
        tpu.enqueue_dma source(%dma_start3A_1490 : memref<4x8x128xf32, #tpu.memory_space<hbm>>) target(%dma_start3A_1486 : memref<4x8x128xf32, #tpu.memory_space<vmem>>) target_semaphore(%arg10 : memref<!tpu.dma_semaphore, #tpu.memory_space<semaphore_mem>>)
        %shift_right_arithmetic3A_1491 = arith.constant 7 : i32
        %shift_right_arithmetic3A_1492 = arith.shrsi %squeeze3A_1428, %shift_right_arithmetic3A_1491 : i32
        %min3A_1493 = arith.constant 7811 : i32
        %min3A_1494 = arith.minsi %shift_right_arithmetic3A_1492, %min3A_1493 : i32
        %shift_left3A_1495 = arith.constant 7 : i32
        %shift_left3A_1496 = arith.shli %min3A_1494, %shift_left3A_1495 : i32
        %multiple_of3A_1497 = tpu.assume_multiple %shift_left3A_1496, 128 : i32
        %dma_start3A_1498 = arith.constant 2 : i32
        %dma_start3A_1499 = arith.constant 0 : i32
        %dma_start3A_1500 = arith.constant 0 : i32
        %dma_start3A_1501 = tpu.memref_slice %arg7[%dma_start3A_1498, %dma_start3A_1499, %dma_start3A_1500] : memref<16x32x128xf32, #tpu.memory_space<vmem>> -> memref<1x32x128xf32, #tpu.memory_space<vmem>>
        %dma_start3A_1502 = tpu.memref_squeeze %dma_start3A_1501 : memref<1x32x128xf32, #tpu.memory_space<vmem>> -> memref<32x128xf32, #tpu.memory_space<vmem>>
        %dma_start3A_1503 = tpu.memref_reshape %dma_start3A_1502 : memref<32x128xf32, #tpu.memory_space<vmem>> -> memref<4x8x128xf32, #tpu.memory_space<vmem>>
        %dma_start3A_1504 = tpu.memref_reshape %arg2 : memref<32x1000000xf32, #tpu.memory_space<hbm>> -> memref<4x8x1000000xf32, #tpu.memory_space<hbm>>
        %dma_start3A_1505 = arith.constant 0 : i32
        %dma_start3A_1506 = arith.constant 0 : i32
        %dma_start3A_1507 = tpu.memref_slice %dma_start3A_1504[%dma_start3A_1505, %dma_start3A_1506, %multiple_of3A_1497] : memref<4x8x1000000xf32, #tpu.memory_space<hbm>> -> memref<4x8x128xf32, #tpu.memory_space<hbm>>
        %dma_start3A_1508 = arith.constant 0 : i32
        %dma_start3A_1509 = arith.constant 0 : i32
        %dma_start3A_1510 = tpu.memref_slice %arg7[%dma_start3A_1498, %dma_start3A_1508, %dma_start3A_1509] : memref<16x32x128xf32, #tpu.memory_space<vmem>> -> memref<1x32x128xf32, #tpu.memory_space<vmem>>
        %dma_start3A_1511 = tpu.memref_squeeze %dma_start3A_1510 : memref<1x32x128xf32, #tpu.memory_space<vmem>> -> memref<32x128xf32, #tpu.memory_space<vmem>>
        %dma_start3A_1512 = tpu.memref_reshape %dma_start3A_1511 : memref<32x128xf32, #tpu.memory_space<vmem>> -> memref<4x8x128xf32, #tpu.memory_space<vmem>>
        %dma_start3A_1513 = tpu.memref_reshape %arg2 : memref<32x1000000xf32, #tpu.memory_space<hbm>> -> memref<4x8x1000000xf32, #tpu.memory_space<hbm>>
        %dma_start3A_1514 = arith.constant 0 : i32
        %dma_start3A_1515 = arith.constant 0 : i32
        %dma_start3A_1516 = tpu.memref_slice %dma_start3A_1513[%dma_start3A_1514, %dma_start3A_1515, %multiple_of3A_1497] : memref<4x8x1000000xf32, #tpu.memory_space<hbm>> -> memref<4x8x128xf32, #tpu.memory_space<hbm>>
        tpu.enqueue_dma source(%dma_start3A_1516 : memref<4x8x128xf32, #tpu.memory_space<hbm>>) target(%dma_start3A_1512 : memref<4x8x128xf32, #tpu.memory_space<vmem>>) target_semaphore(%arg10 : memref<!tpu.dma_semaphore, #tpu.memory_space<semaphore_mem>>)
        %shift_right_arithmetic3A_1517 = arith.constant 7 : i32
        %shift_right_arithmetic3A_1518 = arith.shrsi %squeeze3A_1430, %shift_right_arithmetic3A_1517 : i32
        %min3A_1519 = arith.constant 7811 : i32
        %min3A_1520 = arith.minsi %shift_right_arithmetic3A_1518, %min3A_1519 : i32
        %shift_left3A_1521 = arith.constant 7 : i32
        %shift_left3A_1522 = arith.shli %min3A_1520, %shift_left3A_1521 : i32
        %multiple_of3A_1523 = tpu.assume_multiple %shift_left3A_1522, 128 : i32
        %dma_start3A_1524 = arith.constant 3 : i32
        %dma_start3A_1525 = arith.constant 0 : i32
        %dma_start3A_1526 = arith.constant 0 : i32
        %dma_start3A_1527 = tpu.memref_slice %arg7[%dma_start3A_1524, %dma_start3A_1525, %dma_start3A_1526] : memref<16x32x128xf32, #tpu.memory_space<vmem>> -> memref<1x32x128xf32, #tpu.memory_space<vmem>>
        %dma_start3A_1528 = tpu.memref_squeeze %dma_start3A_1527 : memref<1x32x128xf32, #tpu.memory_space<vmem>> -> memref<32x128xf32, #tpu.memory_space<vmem>>
        %dma_start3A_1529 = tpu.memref_reshape %dma_start3A_1528 : memref<32x128xf32, #tpu.memory_space<vmem>> -> memref<4x8x128xf32, #tpu.memory_space<vmem>>
        %dma_start3A_1530 = tpu.memref_reshape %arg2 : memref<32x1000000xf32, #tpu.memory_space<hbm>> -> memref<4x8x1000000xf32, #tpu.memory_space<hbm>>
        %dma_start3A_1531 = arith.constant 0 : i32
        %dma_start3A_1532 = arith.constant 0 : i32
        %dma_start3A_1533 = tpu.memref_slice %dma_start3A_1530[%dma_start3A_1531, %dma_start3A_1532, %multiple_of3A_1523] : memref<4x8x1000000xf32, #tpu.memory_space<hbm>> -> memref<4x8x128xf32, #tpu.memory_space<hbm>>
        %dma_start3A_1534 = arith.constant 0 : i32
        %dma_start3A_1535 = arith.constant 0 : i32
        %dma_start3A_1536 = tpu.memref_slice %arg7[%dma_start3A_1524, %dma_start3A_1534, %dma_start3A_1535] : memref<16x32x128xf32, #tpu.memory_space<vmem>> -> memref<1x32x128xf32, #tpu.memory_space<vmem>>
        %dma_start3A_1537 = tpu.memref_squeeze %dma_start3A_1536 : memref<1x32x128xf32, #tpu.memory_space<vmem>> -> memref<32x128xf32, #tpu.memory_space<vmem>>
        %dma_start3A_1538 = tpu.memref_reshape %dma_start3A_1537 : memref<32x128xf32, #tpu.memory_space<vmem>> -> memref<4x8x128xf32, #tpu.memory_space<vmem>>
        %dma_start3A_1539 = tpu.memref_reshape %arg2 : memref<32x1000000xf32, #tpu.memory_space<hbm>> -> memref<4x8x1000000xf32, #tpu.memory_space<hbm>>
        %dma_start3A_1540 = arith.constant 0 : i32
        %dma_start3A_1541 = arith.constant 0 : i32
        %dma_start3A_1542 = tpu.memref_slice %dma_start3A_1539[%dma_start3A_1540, %dma_start3A_1541, %multiple_of3A_1523] : memref<4x8x1000000xf32, #tpu.memory_space<hbm>> -> memref<4x8x128xf32, #tpu.memory_space<hbm>>
        tpu.enqueue_dma source(%dma_start3A_1542 : memref<4x8x128xf32, #tpu.memory_space<hbm>>) target(%dma_start3A_1538 : memref<4x8x128xf32, #tpu.memory_space<vmem>>) target_semaphore(%arg10 : memref<!tpu.dma_semaphore, #tpu.memory_space<semaphore_mem>>)
        %shift_right_arithmetic3A_1543 = arith.constant 7 : i32
        %shift_right_arithmetic3A_1544 = arith.shrsi %squeeze3A_1432, %shift_right_arithmetic3A_1543 : i32
        %min3A_1545 = arith.constant 7811 : i32
        %min3A_1546 = arith.minsi %shift_right_arithmetic3A_1544, %min3A_1545 : i32
        %shift_left3A_1547 = arith.constant 7 : i32
        %shift_left3A_1548 = arith.shli %min3A_1546, %shift_left3A_1547 : i32
        %multiple_of3A_1549 = tpu.assume_multiple %shift_left3A_1548, 128 : i32
        %dma_start3A_1550 = arith.constant 4 : i32
        %dma_start3A_1551 = arith.constant 0 : i32
        %dma_start3A_1552 = arith.constant 0 : i32
        %dma_start3A_1553 = tpu.memref_slice %arg7[%dma_start3A_1550, %dma_start3A_1551, %dma_start3A_1552] : memref<16x32x128xf32, #tpu.memory_space<vmem>> -> memref<1x32x128xf32, #tpu.memory_space<vmem>>
        %dma_start3A_1554 = tpu.memref_squeeze %dma_start3A_1553 : memref<1x32x128xf32, #tpu.memory_space<vmem>> -> memref<32x128xf32, #tpu.memory_space<vmem>>
        %dma_start3A_1555 = tpu.memref_reshape %dma_start3A_1554 : memref<32x128xf32, #tpu.memory_space<vmem>> -> memref<4x8x128xf32, #tpu.memory_space<vmem>>
        %dma_start3A_1556 = tpu.memref_reshape %arg2 : memref<32x1000000xf32, #tpu.memory_space<hbm>> -> memref<4x8x1000000xf32, #tpu.memory_space<hbm>>
        %dma_start3A_1557 = arith.constant 0 : i32
        %dma_start3A_1558 = arith.constant 0 : i32
        %dma_start3A_1559 = tpu.memref_slice %dma_start3A_1556[%dma_start3A_1557, %dma_start3A_1558, %multiple_of3A_1549] : memref<4x8x1000000xf32, #tpu.memory_space<hbm>> -> memref<4x8x128xf32, #tpu.memory_space<hbm>>
        %dma_start3A_1560 = arith.constant 0 : i32
        %dma_start3A_1561 = arith.constant 0 : i32
        %dma_start3A_1562 = tpu.memref_slice %arg7[%dma_start3A_1550, %dma_start3A_1560, %dma_start3A_1561] : memref<16x32x128xf32, #tpu.memory_space<vmem>> -> memref<1x32x128xf32, #tpu.memory_space<vmem>>
        %dma_start3A_1563 = tpu.memref_squeeze %dma_start3A_1562 : memref<1x32x128xf32, #tpu.memory_space<vmem>> -> memref<32x128xf32, #tpu.memory_space<vmem>>
        %dma_start3A_1564 = tpu.memref_reshape %dma_start3A_1563 : memref<32x128xf32, #tpu.memory_space<vmem>> -> memref<4x8x128xf32, #tpu.memory_space<vmem>>
        %dma_start3A_1565 = tpu.memref_reshape %arg2 : memref<32x1000000xf32, #tpu.memory_space<hbm>> -> memref<4x8x1000000xf32, #tpu.memory_space<hbm>>
        %dma_start3A_1566 = arith.constant 0 : i32
        %dma_start3A_1567 = arith.constant 0 : i32
        %dma_start3A_1568 = tpu.memref_slice %dma_start3A_1565[%dma_start3A_1566, %dma_start3A_1567, %multiple_of3A_1549] : memref<4x8x1000000xf32, #tpu.memory_space<hbm>> -> memref<4x8x128xf32, #tpu.memory_space<hbm>>
        tpu.enqueue_dma source(%dma_start3A_1568 : memref<4x8x128xf32, #tpu.memory_space<hbm>>) target(%dma_start3A_1564 : memref<4x8x128xf32, #tpu.memory_space<vmem>>) target_semaphore(%arg10 : memref<!tpu.dma_semaphore, #tpu.memory_space<semaphore_mem>>)
        %shift_right_arithmetic3A_1569 = arith.constant 7 : i32
        %shift_right_arithmetic3A_1570 = arith.shrsi %squeeze3A_1434, %shift_right_arithmetic3A_1569 : i32
        %min3A_1571 = arith.constant 7811 : i32
        %min3A_1572 = arith.minsi %shift_right_arithmetic3A_1570, %min3A_1571 : i32
        %shift_left3A_1573 = arith.constant 7 : i32
        %shift_left3A_1574 = arith.shli %min3A_1572, %shift_left3A_1573 : i32
        %multiple_of3A_1575 = tpu.assume_multiple %shift_left3A_1574, 128 : i32
        %dma_start3A_1576 = arith.constant 5 : i32
        %dma_start3A_1577 = arith.constant 0 : i32
        %dma_start3A_1578 = arith.constant 0 : i32
        %dma_start3A_1579 = tpu.memref_slice %arg7[%dma_start3A_1576, %dma_start3A_1577, %dma_start3A_1578] : memref<16x32x128xf32, #tpu.memory_space<vmem>> -> memref<1x32x128xf32, #tpu.memory_space<vmem>>
        %dma_start3A_1580 = tpu.memref_squeeze %dma_start3A_1579 : memref<1x32x128xf32, #tpu.memory_space<vmem>> -> memref<32x128xf32, #tpu.memory_space<vmem>>
        %dma_start3A_1581 = tpu.memref_reshape %dma_start3A_1580 : memref<32x128xf32, #tpu.memory_space<vmem>> -> memref<4x8x128xf32, #tpu.memory_space<vmem>>
        %dma_start3A_1582 = tpu.memref_reshape %arg2 : memref<32x1000000xf32, #tpu.memory_space<hbm>> -> memref<4x8x1000000xf32, #tpu.memory_space<hbm>>
        %dma_start3A_1583 = arith.constant 0 : i32
        %dma_start3A_1584 = arith.constant 0 : i32
        %dma_start3A_1585 = tpu.memref_slice %dma_start3A_1582[%dma_start3A_1583, %dma_start3A_1584, %multiple_of3A_1575] : memref<4x8x1000000xf32, #tpu.memory_space<hbm>> -> memref<4x8x128xf32, #tpu.memory_space<hbm>>
        %dma_start3A_1586 = arith.constant 0 : i32
        %dma_start3A_1587 = arith.constant 0 : i32
        %dma_start3A_1588 = tpu.memref_slice %arg7[%dma_start3A_1576, %dma_start3A_1586, %dma_start3A_1587] : memref<16x32x128xf32, #tpu.memory_space<vmem>> -> memref<1x32x128xf32, #tpu.memory_space<vmem>>
        %dma_start3A_1589 = tpu.memref_squeeze %dma_start3A_1588 : memref<1x32x128xf32, #tpu.memory_space<vmem>> -> memref<32x128xf32, #tpu.memory_space<vmem>>
        %dma_start3A_1590 = tpu.memref_reshape %dma_start3A_1589 : memref<32x128xf32, #tpu.memory_space<vmem>> -> memref<4x8x128xf32, #tpu.memory_space<vmem>>
        %dma_start3A_1591 = tpu.memref_reshape %arg2 : memref<32x1000000xf32, #tpu.memory_space<hbm>> -> memref<4x8x1000000xf32, #tpu.memory_space<hbm>>
        %dma_start3A_1592 = arith.constant 0 : i32
        %dma_start3A_1593 = arith.constant 0 : i32
        %dma_start3A_1594 = tpu.memref_slice %dma_start3A_1591[%dma_start3A_1592, %dma_start3A_1593, %multiple_of3A_1575] : memref<4x8x1000000xf32, #tpu.memory_space<hbm>> -> memref<4x8x128xf32, #tpu.memory_space<hbm>>
        tpu.enqueue_dma source(%dma_start3A_1594 : memref<4x8x128xf32, #tpu.memory_space<hbm>>) target(%dma_start3A_1590 : memref<4x8x128xf32, #tpu.memory_space<vmem>>) target_semaphore(%arg10 : memref<!tpu.dma_semaphore, #tpu.memory_space<semaphore_mem>>)
        %shift_right_arithmetic3A_1595 = arith.constant 7 : i32
        %shift_right_arithmetic3A_1596 = arith.shrsi %squeeze3A_1436, %shift_right_arithmetic3A_1595 : i32
        %min3A_1597 = arith.constant 7811 : i32
        %min3A_1598 = arith.minsi %shift_right_arithmetic3A_1596, %min3A_1597 : i32
        %shift_left3A_1599 = arith.constant 7 : i32
        %shift_left3A_1600 = arith.shli %min3A_1598, %shift_left3A_1599 : i32
        %multiple_of3A_1601 = tpu.assume_multiple %shift_left3A_1600, 128 : i32
        %dma_start3A_1602 = arith.constant 6 : i32
        %dma_start3A_1603 = arith.constant 0 : i32
        %dma_start3A_1604 = arith.constant 0 : i32
        %dma_start3A_1605 = tpu.memref_slice %arg7[%dma_start3A_1602, %dma_start3A_1603, %dma_start3A_1604] : memref<16x32x128xf32, #tpu.memory_space<vmem>> -> memref<1x32x128xf32, #tpu.memory_space<vmem>>
        %dma_start3A_1606 = tpu.memref_squeeze %dma_start3A_1605 : memref<1x32x128xf32, #tpu.memory_space<vmem>> -> memref<32x128xf32, #tpu.memory_space<vmem>>
        %dma_start3A_1607 = tpu.memref_reshape %dma_start3A_1606 : memref<32x128xf32, #tpu.memory_space<vmem>> -> memref<4x8x128xf32, #tpu.memory_space<vmem>>
        %dma_start3A_1608 = tpu.memref_reshape %arg2 : memref<32x1000000xf32, #tpu.memory_space<hbm>> -> memref<4x8x1000000xf32, #tpu.memory_space<hbm>>
        %dma_start3A_1609 = arith.constant 0 : i32
        %dma_start3A_1610 = arith.constant 0 : i32
        %dma_start3A_1611 = tpu.memref_slice %dma_start3A_1608[%dma_start3A_1609, %dma_start3A_1610, %multiple_of3A_1601] : memref<4x8x1000000xf32, #tpu.memory_space<hbm>> -> memref<4x8x128xf32, #tpu.memory_space<hbm>>
        %dma_start3A_1612 = arith.constant 0 : i32
        %dma_start3A_1613 = arith.constant 0 : i32
        %dma_start3A_1614 = tpu.memref_slice %arg7[%dma_start3A_1602, %dma_start3A_1612, %dma_start3A_1613] : memref<16x32x128xf32, #tpu.memory_space<vmem>> -> memref<1x32x128xf32, #tpu.memory_space<vmem>>
        %dma_start3A_1615 = tpu.memref_squeeze %dma_start3A_1614 : memref<1x32x128xf32, #tpu.memory_space<vmem>> -> memref<32x128xf32, #tpu.memory_space<vmem>>
        %dma_start3A_1616 = tpu.memref_reshape %dma_start3A_1615 : memref<32x128xf32, #tpu.memory_space<vmem>> -> memref<4x8x128xf32, #tpu.memory_space<vmem>>
        %dma_start3A_1617 = tpu.memref_reshape %arg2 : memref<32x1000000xf32, #tpu.memory_space<hbm>> -> memref<4x8x1000000xf32, #tpu.memory_space<hbm>>
        %dma_start3A_1618 = arith.constant 0 : i32
        %dma_start3A_1619 = arith.constant 0 : i32
        %dma_start3A_1620 = tpu.memref_slice %dma_start3A_1617[%dma_start3A_1618, %dma_start3A_1619, %multiple_of3A_1601] : memref<4x8x1000000xf32, #tpu.memory_space<hbm>> -> memref<4x8x128xf32, #tpu.memory_space<hbm>>
        tpu.enqueue_dma source(%dma_start3A_1620 : memref<4x8x128xf32, #tpu.memory_space<hbm>>) target(%dma_start3A_1616 : memref<4x8x128xf32, #tpu.memory_space<vmem>>) target_semaphore(%arg10 : memref<!tpu.dma_semaphore, #tpu.memory_space<semaphore_mem>>)
        %shift_right_arithmetic3A_1621 = arith.constant 7 : i32
        %shift_right_arithmetic3A_1622 = arith.shrsi %squeeze3A_1438, %shift_right_arithmetic3A_1621 : i32
        %min3A_1623 = arith.constant 7811 : i32
        %min3A_1624 = arith.minsi %shift_right_arithmetic3A_1622, %min3A_1623 : i32
        %shift_left3A_1625 = arith.constant 7 : i32
        %shift_left3A_1626 = arith.shli %min3A_1624, %shift_left3A_1625 : i32
        %multiple_of3A_1627 = tpu.assume_multiple %shift_left3A_1626, 128 : i32
        %dma_start3A_1628 = arith.constant 7 : i32
        %dma_start3A_1629 = arith.constant 0 : i32
        %dma_start3A_1630 = arith.constant 0 : i32
        %dma_start3A_1631 = tpu.memref_slice %arg7[%dma_start3A_1628, %dma_start3A_1629, %dma_start3A_1630] : memref<16x32x128xf32, #tpu.memory_space<vmem>> -> memref<1x32x128xf32, #tpu.memory_space<vmem>>
        %dma_start3A_1632 = tpu.memref_squeeze %dma_start3A_1631 : memref<1x32x128xf32, #tpu.memory_space<vmem>> -> memref<32x128xf32, #tpu.memory_space<vmem>>
        %dma_start3A_1633 = tpu.memref_reshape %dma_start3A_1632 : memref<32x128xf32, #tpu.memory_space<vmem>> -> memref<4x8x128xf32, #tpu.memory_space<vmem>>
        %dma_start3A_1634 = tpu.memref_reshape %arg2 : memref<32x1000000xf32, #tpu.memory_space<hbm>> -> memref<4x8x1000000xf32, #tpu.memory_space<hbm>>
        %dma_start3A_1635 = arith.constant 0 : i32
        %dma_start3A_1636 = arith.constant 0 : i32
        %dma_start3A_1637 = tpu.memref_slice %dma_start3A_1634[%dma_start3A_1635, %dma_start3A_1636, %multiple_of3A_1627] : memref<4x8x1000000xf32, #tpu.memory_space<hbm>> -> memref<4x8x128xf32, #tpu.memory_space<hbm>>
        %dma_start3A_1638 = arith.constant 0 : i32
        %dma_start3A_1639 = arith.constant 0 : i32
        %dma_start3A_1640 = tpu.memref_slice %arg7[%dma_start3A_1628, %dma_start3A_1638, %dma_start3A_1639] : memref<16x32x128xf32, #tpu.memory_space<vmem>> -> memref<1x32x128xf32, #tpu.memory_space<vmem>>
        %dma_start3A_1641 = tpu.memref_squeeze %dma_start3A_1640 : memref<1x32x128xf32, #tpu.memory_space<vmem>> -> memref<32x128xf32, #tpu.memory_space<vmem>>
        %dma_start3A_1642 = tpu.memref_reshape %dma_start3A_1641 : memref<32x128xf32, #tpu.memory_space<vmem>> -> memref<4x8x128xf32, #tpu.memory_space<vmem>>
        %dma_start3A_1643 = tpu.memref_reshape %arg2 : memref<32x1000000xf32, #tpu.memory_space<hbm>> -> memref<4x8x1000000xf32, #tpu.memory_space<hbm>>
        %dma_start3A_1644 = arith.constant 0 : i32
        %dma_start3A_1645 = arith.constant 0 : i32
        %dma_start3A_1646 = tpu.memref_slice %dma_start3A_1643[%dma_start3A_1644, %dma_start3A_1645, %multiple_of3A_1627] : memref<4x8x1000000xf32, #tpu.memory_space<hbm>> -> memref<4x8x128xf32, #tpu.memory_space<hbm>>
        tpu.enqueue_dma source(%dma_start3A_1646 : memref<4x8x128xf32, #tpu.memory_space<hbm>>) target(%dma_start3A_1642 : memref<4x8x128xf32, #tpu.memory_space<vmem>>) target_semaphore(%arg10 : memref<!tpu.dma_semaphore, #tpu.memory_space<semaphore_mem>>)
      } else {
      }
      %mul3A_1107 = arith.constant 16 : i32
      %mul3A_1108 = arith.muli %scan3A_225, %mul3A_1107 : i32
      %add3A_1109 = arith.constant 8 : i32
      %add3A_1110 = arith.addi %mul3A_1108, %add3A_1109 : i32
      %slice3A_1111 = vector.extract_strided_slice %get3A_229 {offsets = [8], sizes = [1], strides = [1]} : vector<16xi32> to vector<1xi32>
      %squeeze3A_1112 = vector.extract %slice3A_1111[0] : i32 from vector<1xi32>
      %slice3A_1113 = vector.extract_strided_slice %get3A_229 {offsets = [9], sizes = [1], strides = [1]} : vector<16xi32> to vector<1xi32>
      %squeeze3A_1114 = vector.extract %slice3A_1113[0] : i32 from vector<1xi32>
      %slice3A_1115 = vector.extract_strided_slice %get3A_229 {offsets = [10], sizes = [1], strides = [1]} : vector<16xi32> to vector<1xi32>
      %squeeze3A_1116 = vector.extract %slice3A_1115[0] : i32 from vector<1xi32>
      %slice3A_1117 = vector.extract_strided_slice %get3A_229 {offsets = [11], sizes = [1], strides = [1]} : vector<16xi32> to vector<1xi32>
      %squeeze3A_1118 = vector.extract %slice3A_1117[0] : i32 from vector<1xi32>
      %slice3A_1119 = vector.extract_strided_slice %get3A_229 {offsets = [12], sizes = [1], strides = [1]} : vector<16xi32> to vector<1xi32>
      %squeeze3A_1120 = vector.extract %slice3A_1119[0] : i32 from vector<1xi32>
      %slice3A_1121 = vector.extract_strided_slice %get3A_229 {offsets = [13], sizes = [1], strides = [1]} : vector<16xi32> to vector<1xi32>
      %squeeze3A_1122 = vector.extract %slice3A_1121[0] : i32 from vector<1xi32>
      %slice3A_1123 = vector.extract_strided_slice %get3A_229 {offsets = [14], sizes = [1], strides = [1]} : vector<16xi32> to vector<1xi32>
      %squeeze3A_1124 = vector.extract %slice3A_1123[0] : i32 from vector<1xi32>
      %slice3A_1125 = vector.extract_strided_slice %get3A_229 {offsets = [15], sizes = [1], strides = [1]} : vector<16xi32> to vector<1xi32>
      %squeeze3A_1126 = vector.extract %slice3A_1125[0] : i32 from vector<1xi32>
      %broadcast_in_dim3A_1127 = arith.constant 8 : i32
      %broadcast_in_dim3A_1128 = vector.broadcast %broadcast_in_dim3A_1127 : i32 to vector<16xi32>
      %and3A_1129 = arith.constant 127 : i32
      %and3A_1130 = arith.andi %squeeze3A_1112, %and3A_1129 : i32
      %broadcast_in_dim3A_1131 = vector.broadcast %and3A_1130 : i32 to vector<16xi32>
      %gather3A_1132 = tpu.vector_load_idx %arg7[%broadcast_in_dim3A_1128, %iota3A, %broadcast_in_dim3A_1131] : memref<16x32x128xf32, #tpu.memory_space<vmem>>[vector<16xi32>, vector<16xi32>, vector<16xi32>], vector<16xf32>,
      %add3A_1133 = arith.constant 16 : i32
      %add3A_1134 = vector.broadcast %add3A_1133 : i32 to vector<16xi32>
      %add3A_1135 = arith.addi %iota3A, %add3A_1134 : vector<16xi32>
      %gather3A_1136 = tpu.vector_load_idx %arg7[%broadcast_in_dim3A_1128, %add3A_1135, %broadcast_in_dim3A_1131] : memref<16x32x128xf32, #tpu.memory_space<vmem>>[vector<16xi32>, vector<16xi32>, vector<16xi32>], vector<16xf32>,
      %sub3A_1137 = arith.constant 999936 : i32
      %sub3A_1138 = arith.subi %squeeze3A_1112, %sub3A_1137 : i32
      %jit3A_1139 = arith.constant 0 : i32
      %jit3A_1140 = arith.constant 63 : i32
      %max3A_1141 = arith.maxsi %jit3A_1139, %sub3A_1138 : i32
      %min3A_1142 = arith.minsi %jit3A_1140, %max3A_1141 : i32
      %mul3A_1143 = arith.constant 32 : i32
      %mul3A_1144 = arith.muli %min3A_1142, %mul3A_1143 : i32
      %add3A_1145 = vector.broadcast %mul3A_1144 : i32 to vector<16xi32>
      %add3A_1146 = arith.addi %add3A_1145, %iota3A : vector<16xi32>
      %gather3A_1147 = tpu.vector_load_idx %arg9[%add3A_1146] : memref<2048xf32, #tpu.memory_space<vmem>>[vector<16xi32>], vector<16xf32>,
      %add3A_1148 = arith.constant 16 : i32
      %add3A_1149 = vector.broadcast %add3A_1148 : i32 to vector<16xi32>
      %add3A_1150 = arith.addi %add3A_1146, %add3A_1149 : vector<16xi32>
      %gather3A_1151 = tpu.vector_load_idx %arg9[%add3A_1150] : memref<2048xf32, #tpu.memory_space<vmem>>[vector<16xi32>], vector<16xf32>,
      %broadcast_in_dim3A_1152 = vector.broadcast %squeeze3A_1112 : i32 to vector<16xi32>
      %ge3A_1153 = arith.constant 999936 : i32
      %ge3A_1154 = vector.broadcast %ge3A_1153 : i32 to vector<16xi32>
      %ge3A_1155 = arith.cmpi sge, %broadcast_in_dim3A_1152, %ge3A_1154 : vector<16xi32>
      %select_n3A_1156 = arith.select %ge3A_1155, %gather3A_1147, %gather3A_1132 : vector<16xi1>, vector<16xf32>
      %select_n3A_1157 = arith.select %ge3A_1155, %gather3A_1151, %gather3A_1136 : vector<16xi1>, vector<16xf32>
      %add3A_1158 = arith.constant 0 : i32
      %add3A_1159 = arith.addi %add3A_1110, %add3A_1158 : i32
      %broadcast_in_dim3A_1160 = vector.broadcast %add3A_1159 : i32 to vector<16xi32>
      tpu.vector_store_idx %arg8[%iota3A, %broadcast_in_dim3A_1160], %select_n3A_1156 : memref<32x512xf32, #tpu.memory_space<vmem>>[vector<16xi32>, vector<16xi32>], vector<16xf32>,
      %add3A_1161 = arith.constant 16 : i32
      %add3A_1162 = vector.broadcast %add3A_1161 : i32 to vector<16xi32>
      %add3A_1163 = arith.addi %iota3A, %add3A_1162 : vector<16xi32>
      tpu.vector_store_idx %arg8[%add3A_1163, %broadcast_in_dim3A_1160], %select_n3A_1157 : memref<32x512xf32, #tpu.memory_space<vmem>>[vector<16xi32>, vector<16xi32>], vector<16xf32>,
      %broadcast_in_dim3A_1164 = arith.constant 9 : i32
      %broadcast_in_dim3A_1165 = vector.broadcast %broadcast_in_dim3A_1164 : i32 to vector<16xi32>
      %and3A_1166 = arith.constant 127 : i32
      %and3A_1167 = arith.andi %squeeze3A_1114, %and3A_1166 : i32
      %broadcast_in_dim3A_1168 = vector.broadcast %and3A_1167 : i32 to vector<16xi32>
      %gather3A_1169 = tpu.vector_load_idx %arg7[%broadcast_in_dim3A_1165, %iota3A, %broadcast_in_dim3A_1168] : memref<16x32x128xf32, #tpu.memory_space<vmem>>[vector<16xi32>, vector<16xi32>, vector<16xi32>], vector<16xf32>,
      %add3A_1170 = arith.constant 16 : i32
      %add3A_1171 = vector.broadcast %add3A_1170 : i32 to vector<16xi32>
      %add3A_1172 = arith.addi %iota3A, %add3A_1171 : vector<16xi32>
      %gather3A_1173 = tpu.vector_load_idx %arg7[%broadcast_in_dim3A_1165, %add3A_1172, %broadcast_in_dim3A_1168] : memref<16x32x128xf32, #tpu.memory_space<vmem>>[vector<16xi32>, vector<16xi32>, vector<16xi32>], vector<16xf32>,
      %sub3A_1174 = arith.constant 999936 : i32
      %sub3A_1175 = arith.subi %squeeze3A_1114, %sub3A_1174 : i32
      %jit3A_1176 = arith.constant 0 : i32
      %jit3A_1177 = arith.constant 63 : i32
      %max3A_1178 = arith.maxsi %jit3A_1176, %sub3A_1175 : i32
      %min3A_1179 = arith.minsi %jit3A_1177, %max3A_1178 : i32
      %mul3A_1180 = arith.constant 32 : i32
      %mul3A_1181 = arith.muli %min3A_1179, %mul3A_1180 : i32
      %add3A_1182 = vector.broadcast %mul3A_1181 : i32 to vector<16xi32>
      %add3A_1183 = arith.addi %add3A_1182, %iota3A : vector<16xi32>
      %gather3A_1184 = tpu.vector_load_idx %arg9[%add3A_1183] : memref<2048xf32, #tpu.memory_space<vmem>>[vector<16xi32>], vector<16xf32>,
      %add3A_1185 = arith.constant 16 : i32
      %add3A_1186 = vector.broadcast %add3A_1185 : i32 to vector<16xi32>
      %add3A_1187 = arith.addi %add3A_1183, %add3A_1186 : vector<16xi32>
      %gather3A_1188 = tpu.vector_load_idx %arg9[%add3A_1187] : memref<2048xf32, #tpu.memory_space<vmem>>[vector<16xi32>], vector<16xf32>,
      %broadcast_in_dim3A_1189 = vector.broadcast %squeeze3A_1114 : i32 to vector<16xi32>
      %ge3A_1190 = arith.constant 999936 : i32
      %ge3A_1191 = vector.broadcast %ge3A_1190 : i32 to vector<16xi32>
      %ge3A_1192 = arith.cmpi sge, %broadcast_in_dim3A_1189, %ge3A_1191 : vector<16xi32>
      %select_n3A_1193 = arith.select %ge3A_1192, %gather3A_1184, %gather3A_1169 : vector<16xi1>, vector<16xf32>
      %select_n3A_1194 = arith.select %ge3A_1192, %gather3A_1188, %gather3A_1173 : vector<16xi1>, vector<16xf32>
      %add3A_1195 = arith.constant 1 : i32
      %add3A_1196 = arith.addi %add3A_1110, %add3A_1195 : i32
      %broadcast_in_dim3A_1197 = vector.broadcast %add3A_1196 : i32 to vector<16xi32>
      tpu.vector_store_idx %arg8[%iota3A, %broadcast_in_dim3A_1197], %select_n3A_1193 : memref<32x512xf32, #tpu.memory_space<vmem>>[vector<16xi32>, vector<16xi32>], vector<16xf32>,
      %add3A_1198 = arith.constant 16 : i32
      %add3A_1199 = vector.broadcast %add3A_1198 : i32 to vector<16xi32>
      %add3A_1200 = arith.addi %iota3A, %add3A_1199 : vector<16xi32>
      tpu.vector_store_idx %arg8[%add3A_1200, %broadcast_in_dim3A_1197], %select_n3A_1194 : memref<32x512xf32, #tpu.memory_space<vmem>>[vector<16xi32>, vector<16xi32>], vector<16xf32>,
      %broadcast_in_dim3A_1201 = arith.constant 10 : i32
      %broadcast_in_dim3A_1202 = vector.broadcast %broadcast_in_dim3A_1201 : i32 to vector<16xi32>
      %and3A_1203 = arith.constant 127 : i32
      %and3A_1204 = arith.andi %squeeze3A_1116, %and3A_1203 : i32
      %broadcast_in_dim3A_1205 = vector.broadcast %and3A_1204 : i32 to vector<16xi32>
      %gather3A_1206 = tpu.vector_load_idx %arg7[%broadcast_in_dim3A_1202, %iota3A, %broadcast_in_dim3A_1205] : memref<16x32x128xf32, #tpu.memory_space<vmem>>[vector<16xi32>, vector<16xi32>, vector<16xi32>], vector<16xf32>,
      %add3A_1207 = arith.constant 16 : i32
      %add3A_1208 = vector.broadcast %add3A_1207 : i32 to vector<16xi32>
      %add3A_1209 = arith.addi %iota3A, %add3A_1208 : vector<16xi32>
      %gather3A_1210 = tpu.vector_load_idx %arg7[%broadcast_in_dim3A_1202, %add3A_1209, %broadcast_in_dim3A_1205] : memref<16x32x128xf32, #tpu.memory_space<vmem>>[vector<16xi32>, vector<16xi32>, vector<16xi32>], vector<16xf32>,
      %sub3A_1211 = arith.constant 999936 : i32
      %sub3A_1212 = arith.subi %squeeze3A_1116, %sub3A_1211 : i32
      %jit3A_1213 = arith.constant 0 : i32
      %jit3A_1214 = arith.constant 63 : i32
      %max3A_1215 = arith.maxsi %jit3A_1213, %sub3A_1212 : i32
      %min3A_1216 = arith.minsi %jit3A_1214, %max3A_1215 : i32
      %mul3A_1217 = arith.constant 32 : i32
      %mul3A_1218 = arith.muli %min3A_1216, %mul3A_1217 : i32
      %add3A_1219 = vector.broadcast %mul3A_1218 : i32 to vector<16xi32>
      %add3A_1220 = arith.addi %add3A_1219, %iota3A : vector<16xi32>
      %gather3A_1221 = tpu.vector_load_idx %arg9[%add3A_1220] : memref<2048xf32, #tpu.memory_space<vmem>>[vector<16xi32>], vector<16xf32>,
      %add3A_1222 = arith.constant 16 : i32
      %add3A_1223 = vector.broadcast %add3A_1222 : i32 to vector<16xi32>
      %add3A_1224 = arith.addi %add3A_1220, %add3A_1223 : vector<16xi32>
      %gather3A_1225 = tpu.vector_load_idx %arg9[%add3A_1224] : memref<2048xf32, #tpu.memory_space<vmem>>[vector<16xi32>], vector<16xf32>,
      %broadcast_in_dim3A_1226 = vector.broadcast %squeeze3A_1116 : i32 to vector<16xi32>
      %ge3A_1227 = arith.constant 999936 : i32
      %ge3A_1228 = vector.broadcast %ge3A_1227 : i32 to vector<16xi32>
      %ge3A_1229 = arith.cmpi sge, %broadcast_in_dim3A_1226, %ge3A_1228 : vector<16xi32>
      %select_n3A_1230 = arith.select %ge3A_1229, %gather3A_1221, %gather3A_1206 : vector<16xi1>, vector<16xf32>
      %select_n3A_1231 = arith.select %ge3A_1229, %gather3A_1225, %gather3A_1210 : vector<16xi1>, vector<16xf32>
      %add3A_1232 = arith.constant 2 : i32
      %add3A_1233 = arith.addi %add3A_1110, %add3A_1232 : i32
      %broadcast_in_dim3A_1234 = vector.broadcast %add3A_1233 : i32 to vector<16xi32>
      tpu.vector_store_idx %arg8[%iota3A, %broadcast_in_dim3A_1234], %select_n3A_1230 : memref<32x512xf32, #tpu.memory_space<vmem>>[vector<16xi32>, vector<16xi32>], vector<16xf32>,
      %add3A_1235 = arith.constant 16 : i32
      %add3A_1236 = vector.broadcast %add3A_1235 : i32 to vector<16xi32>
      %add3A_1237 = arith.addi %iota3A, %add3A_1236 : vector<16xi32>
      tpu.vector_store_idx %arg8[%add3A_1237, %broadcast_in_dim3A_1234], %select_n3A_1231 : memref<32x512xf32, #tpu.memory_space<vmem>>[vector<16xi32>, vector<16xi32>], vector<16xf32>,
      %broadcast_in_dim3A_1238 = arith.constant 11 : i32
      %broadcast_in_dim3A_1239 = vector.broadcast %broadcast_in_dim3A_1238 : i32 to vector<16xi32>
      %and3A_1240 = arith.constant 127 : i32
      %and3A_1241 = arith.andi %squeeze3A_1118, %and3A_1240 : i32
      %broadcast_in_dim3A_1242 = vector.broadcast %and3A_1241 : i32 to vector<16xi32>
      %gather3A_1243 = tpu.vector_load_idx %arg7[%broadcast_in_dim3A_1239, %iota3A, %broadcast_in_dim3A_1242] : memref<16x32x128xf32, #tpu.memory_space<vmem>>[vector<16xi32>, vector<16xi32>, vector<16xi32>], vector<16xf32>,
      %add3A_1244 = arith.constant 16 : i32
      %add3A_1245 = vector.broadcast %add3A_1244 : i32 to vector<16xi32>
      %add3A_1246 = arith.addi %iota3A, %add3A_1245 : vector<16xi32>
      %gather3A_1247 = tpu.vector_load_idx %arg7[%broadcast_in_dim3A_1239, %add3A_1246, %broadcast_in_dim3A_1242] : memref<16x32x128xf32, #tpu.memory_space<vmem>>[vector<16xi32>, vector<16xi32>, vector<16xi32>], vector<16xf32>,
      %sub3A_1248 = arith.constant 999936 : i32
      %sub3A_1249 = arith.subi %squeeze3A_1118, %sub3A_1248 : i32
      %jit3A_1250 = arith.constant 0 : i32
      %jit3A_1251 = arith.constant 63 : i32
      %max3A_1252 = arith.maxsi %jit3A_1250, %sub3A_1249 : i32
      %min3A_1253 = arith.minsi %jit3A_1251, %max3A_1252 : i32
      %mul3A_1254 = arith.constant 32 : i32
      %mul3A_1255 = arith.muli %min3A_1253, %mul3A_1254 : i32
      %add3A_1256 = vector.broadcast %mul3A_1255 : i32 to vector<16xi32>
      %add3A_1257 = arith.addi %add3A_1256, %iota3A : vector<16xi32>
      %gather3A_1258 = tpu.vector_load_idx %arg9[%add3A_1257] : memref<2048xf32, #tpu.memory_space<vmem>>[vector<16xi32>], vector<16xf32>,
      %add3A_1259 = arith.constant 16 : i32
      %add3A_1260 = vector.broadcast %add3A_1259 : i32 to vector<16xi32>
      %add3A_1261 = arith.addi %add3A_1257, %add3A_1260 : vector<16xi32>
      %gather3A_1262 = tpu.vector_load_idx %arg9[%add3A_1261] : memref<2048xf32, #tpu.memory_space<vmem>>[vector<16xi32>], vector<16xf32>,
      %broadcast_in_dim3A_1263 = vector.broadcast %squeeze3A_1118 : i32 to vector<16xi32>
      %ge3A_1264 = arith.constant 999936 : i32
      %ge3A_1265 = vector.broadcast %ge3A_1264 : i32 to vector<16xi32>
      %ge3A_1266 = arith.cmpi sge, %broadcast_in_dim3A_1263, %ge3A_1265 : vector<16xi32>
      %select_n3A_1267 = arith.select %ge3A_1266, %gather3A_1258, %gather3A_1243 : vector<16xi1>, vector<16xf32>
      %select_n3A_1268 = arith.select %ge3A_1266, %gather3A_1262, %gather3A_1247 : vector<16xi1>, vector<16xf32>
      %add3A_1269 = arith.constant 3 : i32
      %add3A_1270 = arith.addi %add3A_1110, %add3A_1269 : i32
      %broadcast_in_dim3A_1271 = vector.broadcast %add3A_1270 : i32 to vector<16xi32>
      tpu.vector_store_idx %arg8[%iota3A, %broadcast_in_dim3A_1271], %select_n3A_1267 : memref<32x512xf32, #tpu.memory_space<vmem>>[vector<16xi32>, vector<16xi32>], vector<16xf32>,
      %add3A_1272 = arith.constant 16 : i32
      %add3A_1273 = vector.broadcast %add3A_1272 : i32 to vector<16xi32>
      %add3A_1274 = arith.addi %iota3A, %add3A_1273 : vector<16xi32>
      tpu.vector_store_idx %arg8[%add3A_1274, %broadcast_in_dim3A_1271], %select_n3A_1268 : memref<32x512xf32, #tpu.memory_space<vmem>>[vector<16xi32>, vector<16xi32>], vector<16xf32>,
      %broadcast_in_dim3A_1275 = arith.constant 12 : i32
      %broadcast_in_dim3A_1276 = vector.broadcast %broadcast_in_dim3A_1275 : i32 to vector<16xi32>
      %and3A_1277 = arith.constant 127 : i32
      %and3A_1278 = arith.andi %squeeze3A_1120, %and3A_1277 : i32
      %broadcast_in_dim3A_1279 = vector.broadcast %and3A_1278 : i32 to vector<16xi32>
      %gather3A_1280 = tpu.vector_load_idx %arg7[%broadcast_in_dim3A_1276, %iota3A, %broadcast_in_dim3A_1279] : memref<16x32x128xf32, #tpu.memory_space<vmem>>[vector<16xi32>, vector<16xi32>, vector<16xi32>], vector<16xf32>,
      %add3A_1281 = arith.constant 16 : i32
      %add3A_1282 = vector.broadcast %add3A_1281 : i32 to vector<16xi32>
      %add3A_1283 = arith.addi %iota3A, %add3A_1282 : vector<16xi32>
      %gather3A_1284 = tpu.vector_load_idx %arg7[%broadcast_in_dim3A_1276, %add3A_1283, %broadcast_in_dim3A_1279] : memref<16x32x128xf32, #tpu.memory_space<vmem>>[vector<16xi32>, vector<16xi32>, vector<16xi32>], vector<16xf32>,
      %sub3A_1285 = arith.constant 999936 : i32
      %sub3A_1286 = arith.subi %squeeze3A_1120, %sub3A_1285 : i32
      %jit3A_1287 = arith.constant 0 : i32
      %jit3A_1288 = arith.constant 63 : i32
      %max3A_1289 = arith.maxsi %jit3A_1287, %sub3A_1286 : i32
      %min3A_1290 = arith.minsi %jit3A_1288, %max3A_1289 : i32
      %mul3A_1291 = arith.constant 32 : i32
      %mul3A_1292 = arith.muli %min3A_1290, %mul3A_1291 : i32
      %add3A_1293 = vector.broadcast %mul3A_1292 : i32 to vector<16xi32>
      %add3A_1294 = arith.addi %add3A_1293, %iota3A : vector<16xi32>
      %gather3A_1295 = tpu.vector_load_idx %arg9[%add3A_1294] : memref<2048xf32, #tpu.memory_space<vmem>>[vector<16xi32>], vector<16xf32>,
      %add3A_1296 = arith.constant 16 : i32
      %add3A_1297 = vector.broadcast %add3A_1296 : i32 to vector<16xi32>
      %add3A_1298 = arith.addi %add3A_1294, %add3A_1297 : vector<16xi32>
      %gather3A_1299 = tpu.vector_load_idx %arg9[%add3A_1298] : memref<2048xf32, #tpu.memory_space<vmem>>[vector<16xi32>], vector<16xf32>,
      %broadcast_in_dim3A_1300 = vector.broadcast %squeeze3A_1120 : i32 to vector<16xi32>
      %ge3A_1301 = arith.constant 999936 : i32
      %ge3A_1302 = vector.broadcast %ge3A_1301 : i32 to vector<16xi32>
      %ge3A_1303 = arith.cmpi sge, %broadcast_in_dim3A_1300, %ge3A_1302 : vector<16xi32>
      %select_n3A_1304 = arith.select %ge3A_1303, %gather3A_1295, %gather3A_1280 : vector<16xi1>, vector<16xf32>
      %select_n3A_1305 = arith.select %ge3A_1303, %gather3A_1299, %gather3A_1284 : vector<16xi1>, vector<16xf32>
      %add3A_1306 = arith.constant 4 : i32
      %add3A_1307 = arith.addi %add3A_1110, %add3A_1306 : i32
      %broadcast_in_dim3A_1308 = vector.broadcast %add3A_1307 : i32 to vector<16xi32>
      tpu.vector_store_idx %arg8[%iota3A, %broadcast_in_dim3A_1308], %select_n3A_1304 : memref<32x512xf32, #tpu.memory_space<vmem>>[vector<16xi32>, vector<16xi32>], vector<16xf32>,
      %add3A_1309 = arith.constant 16 : i32
      %add3A_1310 = vector.broadcast %add3A_1309 : i32 to vector<16xi32>
      %add3A_1311 = arith.addi %iota3A, %add3A_1310 : vector<16xi32>
      tpu.vector_store_idx %arg8[%add3A_1311, %broadcast_in_dim3A_1308], %select_n3A_1305 : memref<32x512xf32, #tpu.memory_space<vmem>>[vector<16xi32>, vector<16xi32>], vector<16xf32>,
      %broadcast_in_dim3A_1312 = arith.constant 13 : i32
      %broadcast_in_dim3A_1313 = vector.broadcast %broadcast_in_dim3A_1312 : i32 to vector<16xi32>
      %and3A_1314 = arith.constant 127 : i32
      %and3A_1315 = arith.andi %squeeze3A_1122, %and3A_1314 : i32
      %broadcast_in_dim3A_1316 = vector.broadcast %and3A_1315 : i32 to vector<16xi32>
      %gather3A_1317 = tpu.vector_load_idx %arg7[%broadcast_in_dim3A_1313, %iota3A, %broadcast_in_dim3A_1316] : memref<16x32x128xf32, #tpu.memory_space<vmem>>[vector<16xi32>, vector<16xi32>, vector<16xi32>], vector<16xf32>,
      %add3A_1318 = arith.constant 16 : i32
      %add3A_1319 = vector.broadcast %add3A_1318 : i32 to vector<16xi32>
      %add3A_1320 = arith.addi %iota3A, %add3A_1319 : vector<16xi32>
      %gather3A_1321 = tpu.vector_load_idx %arg7[%broadcast_in_dim3A_1313, %add3A_1320, %broadcast_in_dim3A_1316] : memref<16x32x128xf32, #tpu.memory_space<vmem>>[vector<16xi32>, vector<16xi32>, vector<16xi32>], vector<16xf32>,
      %sub3A_1322 = arith.constant 999936 : i32
      %sub3A_1323 = arith.subi %squeeze3A_1122, %sub3A_1322 : i32
      %jit3A_1324 = arith.constant 0 : i32
      %jit3A_1325 = arith.constant 63 : i32
      %max3A_1326 = arith.maxsi %jit3A_1324, %sub3A_1323 : i32
      %min3A_1327 = arith.minsi %jit3A_1325, %max3A_1326 : i32
      %mul3A_1328 = arith.constant 32 : i32
      %mul3A_1329 = arith.muli %min3A_1327, %mul3A_1328 : i32
      %add3A_1330 = vector.broadcast %mul3A_1329 : i32 to vector<16xi32>
      %add3A_1331 = arith.addi %add3A_1330, %iota3A : vector<16xi32>
      %gather3A_1332 = tpu.vector_load_idx %arg9[%add3A_1331] : memref<2048xf32, #tpu.memory_space<vmem>>[vector<16xi32>], vector<16xf32>,
      %add3A_1333 = arith.constant 16 : i32
      %add3A_1334 = vector.broadcast %add3A_1333 : i32 to vector<16xi32>
      %add3A_1335 = arith.addi %add3A_1331, %add3A_1334 : vector<16xi32>
      %gather3A_1336 = tpu.vector_load_idx %arg9[%add3A_1335] : memref<2048xf32, #tpu.memory_space<vmem>>[vector<16xi32>], vector<16xf32>,
      %broadcast_in_dim3A_1337 = vector.broadcast %squeeze3A_1122 : i32 to vector<16xi32>
      %ge3A_1338 = arith.constant 999936 : i32
      %ge3A_1339 = vector.broadcast %ge3A_1338 : i32 to vector<16xi32>
      %ge3A_1340 = arith.cmpi sge, %broadcast_in_dim3A_1337, %ge3A_1339 : vector<16xi32>
      %select_n3A_1341 = arith.select %ge3A_1340, %gather3A_1332, %gather3A_1317 : vector<16xi1>, vector<16xf32>
      %select_n3A_1342 = arith.select %ge3A_1340, %gather3A_1336, %gather3A_1321 : vector<16xi1>, vector<16xf32>
      %add3A_1343 = arith.constant 5 : i32
      %add3A_1344 = arith.addi %add3A_1110, %add3A_1343 : i32
      %broadcast_in_dim3A_1345 = vector.broadcast %add3A_1344 : i32 to vector<16xi32>
      tpu.vector_store_idx %arg8[%iota3A, %broadcast_in_dim3A_1345], %select_n3A_1341 : memref<32x512xf32, #tpu.memory_space<vmem>>[vector<16xi32>, vector<16xi32>], vector<16xf32>,
      %add3A_1346 = arith.constant 16 : i32
      %add3A_1347 = vector.broadcast %add3A_1346 : i32 to vector<16xi32>
      %add3A_1348 = arith.addi %iota3A, %add3A_1347 : vector<16xi32>
      tpu.vector_store_idx %arg8[%add3A_1348, %broadcast_in_dim3A_1345], %select_n3A_1342 : memref<32x512xf32, #tpu.memory_space<vmem>>[vector<16xi32>, vector<16xi32>], vector<16xf32>,
      %broadcast_in_dim3A_1349 = arith.constant 14 : i32
      %broadcast_in_dim3A_1350 = vector.broadcast %broadcast_in_dim3A_1349 : i32 to vector<16xi32>
      %and3A_1351 = arith.constant 127 : i32
      %and3A_1352 = arith.andi %squeeze3A_1124, %and3A_1351 : i32
      %broadcast_in_dim3A_1353 = vector.broadcast %and3A_1352 : i32 to vector<16xi32>
      %gather3A_1354 = tpu.vector_load_idx %arg7[%broadcast_in_dim3A_1350, %iota3A, %broadcast_in_dim3A_1353] : memref<16x32x128xf32, #tpu.memory_space<vmem>>[vector<16xi32>, vector<16xi32>, vector<16xi32>], vector<16xf32>,
      %add3A_1355 = arith.constant 16 : i32
      %add3A_1356 = vector.broadcast %add3A_1355 : i32 to vector<16xi32>
      %add3A_1357 = arith.addi %iota3A, %add3A_1356 : vector<16xi32>
      %gather3A_1358 = tpu.vector_load_idx %arg7[%broadcast_in_dim3A_1350, %add3A_1357, %broadcast_in_dim3A_1353] : memref<16x32x128xf32, #tpu.memory_space<vmem>>[vector<16xi32>, vector<16xi32>, vector<16xi32>], vector<16xf32>,
      %sub3A_1359 = arith.constant 999936 : i32
      %sub3A_1360 = arith.subi %squeeze3A_1124, %sub3A_1359 : i32
      %jit3A_1361 = arith.constant 0 : i32
      %jit3A_1362 = arith.constant 63 : i32
      %max3A_1363 = arith.maxsi %jit3A_1361, %sub3A_1360 : i32
      %min3A_1364 = arith.minsi %jit3A_1362, %max3A_1363 : i32
      %mul3A_1365 = arith.constant 32 : i32
      %mul3A_1366 = arith.muli %min3A_1364, %mul3A_1365 : i32
      %add3A_1367 = vector.broadcast %mul3A_1366 : i32 to vector<16xi32>
      %add3A_1368 = arith.addi %add3A_1367, %iota3A : vector<16xi32>
      %gather3A_1369 = tpu.vector_load_idx %arg9[%add3A_1368] : memref<2048xf32, #tpu.memory_space<vmem>>[vector<16xi32>], vector<16xf32>,
      %add3A_1370 = arith.constant 16 : i32
      %add3A_1371 = vector.broadcast %add3A_1370 : i32 to vector<16xi32>
      %add3A_1372 = arith.addi %add3A_1368, %add3A_1371 : vector<16xi32>
      %gather3A_1373 = tpu.vector_load_idx %arg9[%add3A_1372] : memref<2048xf32, #tpu.memory_space<vmem>>[vector<16xi32>], vector<16xf32>,
      %broadcast_in_dim3A_1374 = vector.broadcast %squeeze3A_1124 : i32 to vector<16xi32>
      %ge3A_1375 = arith.constant 999936 : i32
      %ge3A_1376 = vector.broadcast %ge3A_1375 : i32 to vector<16xi32>
      %ge3A_1377 = arith.cmpi sge, %broadcast_in_dim3A_1374, %ge3A_1376 : vector<16xi32>
      %select_n3A_1378 = arith.select %ge3A_1377, %gather3A_1369, %gather3A_1354 : vector<16xi1>, vector<16xf32>
      %select_n3A_1379 = arith.select %ge3A_1377, %gather3A_1373, %gather3A_1358 : vector<16xi1>, vector<16xf32>
      %add3A_1380 = arith.constant 6 : i32
      %add3A_1381 = arith.addi %add3A_1110, %add3A_1380 : i32
      %broadcast_in_dim3A_1382 = vector.broadcast %add3A_1381 : i32 to vector<16xi32>
      tpu.vector_store_idx %arg8[%iota3A, %broadcast_in_dim3A_1382], %select_n3A_1378 : memref<32x512xf32, #tpu.memory_space<vmem>>[vector<16xi32>, vector<16xi32>], vector<16xf32>,
      %add3A_1383 = arith.constant 16 : i32
      %add3A_1384 = vector.broadcast %add3A_1383 : i32 to vector<16xi32>
      %add3A_1385 = arith.addi %iota3A, %add3A_1384 : vector<16xi32>
      tpu.vector_store_idx %arg8[%add3A_1385, %broadcast_in_dim3A_1382], %select_n3A_1379 : memref<32x512xf32, #tpu.memory_space<vmem>>[vector<16xi32>, vector<16xi32>], vector<16xf32>,
      %broadcast_in_dim3A_1386 = arith.constant 15 : i32
      %broadcast_in_dim3A_1387 = vector.broadcast %broadcast_in_dim3A_1386 : i32 to vector<16xi32>
      %and3A_1388 = arith.constant 127 : i32
      %and3A_1389 = arith.andi %squeeze3A_1126, %and3A_1388 : i32
      %broadcast_in_dim3A_1390 = vector.broadcast %and3A_1389 : i32 to vector<16xi32>
      %gather3A_1391 = tpu.vector_load_idx %arg7[%broadcast_in_dim3A_1387, %iota3A, %broadcast_in_dim3A_1390] : memref<16x32x128xf32, #tpu.memory_space<vmem>>[vector<16xi32>, vector<16xi32>, vector<16xi32>], vector<16xf32>,
      %add3A_1392 = arith.constant 16 : i32
      %add3A_1393 = vector.broadcast %add3A_1392 : i32 to vector<16xi32>
      %add3A_1394 = arith.addi %iota3A, %add3A_1393 : vector<16xi32>
      %gather3A_1395 = tpu.vector_load_idx %arg7[%broadcast_in_dim3A_1387, %add3A_1394, %broadcast_in_dim3A_1390] : memref<16x32x128xf32, #tpu.memory_space<vmem>>[vector<16xi32>, vector<16xi32>, vector<16xi32>], vector<16xf32>,
      %sub3A_1396 = arith.constant 999936 : i32
      %sub3A_1397 = arith.subi %squeeze3A_1126, %sub3A_1396 : i32
      %jit3A_1398 = arith.constant 0 : i32
      %jit3A_1399 = arith.constant 63 : i32
      %max3A_1400 = arith.maxsi %jit3A_1398, %sub3A_1397 : i32
      %min3A_1401 = arith.minsi %jit3A_1399, %max3A_1400 : i32
      %mul3A_1402 = arith.constant 32 : i32
      %mul3A_1403 = arith.muli %min3A_1401, %mul3A_1402 : i32
      %add3A_1404 = vector.broadcast %mul3A_1403 : i32 to vector<16xi32>
      %add3A_1405 = arith.addi %add3A_1404, %iota3A : vector<16xi32>
      %gather3A_1406 = tpu.vector_load_idx %arg9[%add3A_1405] : memref<2048xf32, #tpu.memory_space<vmem>>[vector<16xi32>], vector<16xf32>,
      %add3A_1407 = arith.constant 16 : i32
      %add3A_1408 = vector.broadcast %add3A_1407 : i32 to vector<16xi32>
      %add3A_1409 = arith.addi %add3A_1405, %add3A_1408 : vector<16xi32>
      %gather3A_1410 = tpu.vector_load_idx %arg9[%add3A_1409] : memref<2048xf32, #tpu.memory_space<vmem>>[vector<16xi32>], vector<16xf32>,
      %broadcast_in_dim3A_1411 = vector.broadcast %squeeze3A_1126 : i32 to vector<16xi32>
      %ge3A_1412 = arith.constant 999936 : i32
      %ge3A_1413 = vector.broadcast %ge3A_1412 : i32 to vector<16xi32>
      %ge3A_1414 = arith.cmpi sge, %broadcast_in_dim3A_1411, %ge3A_1413 : vector<16xi32>
      %select_n3A_1415 = arith.select %ge3A_1414, %gather3A_1406, %gather3A_1391 : vector<16xi1>, vector<16xf32>
      %select_n3A_1416 = arith.select %ge3A_1414, %gather3A_1410, %gather3A_1395 : vector<16xi1>, vector<16xf32>
      %add3A_1417 = arith.constant 7 : i32
      %add3A_1418 = arith.addi %add3A_1110, %add3A_1417 : i32
      %broadcast_in_dim3A_1419 = vector.broadcast %add3A_1418 : i32 to vector<16xi32>
      tpu.vector_store_idx %arg8[%iota3A, %broadcast_in_dim3A_1419], %select_n3A_1415 : memref<32x512xf32, #tpu.memory_space<vmem>>[vector<16xi32>, vector<16xi32>], vector<16xf32>,
      %add3A_1420 = arith.constant 16 : i32
      %add3A_1421 = vector.broadcast %add3A_1420 : i32 to vector<16xi32>
      %add3A_1422 = arith.addi %iota3A, %add3A_1421 : vector<16xi32>
      tpu.vector_store_idx %arg8[%add3A_1422, %broadcast_in_dim3A_1419], %select_n3A_1416 : memref<32x512xf32, #tpu.memory_space<vmem>>[vector<16xi32>, vector<16xi32>], vector<16xf32>,
    }
    %scan3A_224 = arith.constant 32 : i32
    "tpu.region"() ({
      %run_scoped3A = tpu.sem_alloc : memref<!tpu.dma_semaphore, #tpu.memory_space<semaphore_mem>>
      %dma_start3A_225 = arith.constant 0 : i32
      %dma_start3A_226 = tpu.memref_slice %arg5[%dma_start3A_225, %mul3A_2] : memref<32x16384xf32, #tpu.memory_space<hbm>> -> memref<32x512xf32, #tpu.memory_space<hbm>>
      %dma_start3A_227 = arith.constant 0 : i32
      %dma_start3A_228 = tpu.memref_slice %arg5[%dma_start3A_227, %mul3A_2] : memref<32x16384xf32, #tpu.memory_space<hbm>> -> memref<32x512xf32, #tpu.memory_space<hbm>>
      tpu.enqueue_dma source(%arg8 : memref<32x512xf32, #tpu.memory_space<vmem>>) target(%dma_start3A_228 : memref<32x512xf32, #tpu.memory_space<hbm>>) target_semaphore(%run_scoped3A : memref<!tpu.dma_semaphore, #tpu.memory_space<semaphore_mem>>)
      %dma_wait3A = arith.constant 0 : i32
      %dma_wait3A_229 = tpu.memref_slice %arg5[%dma_wait3A, %mul3A_2] : memref<32x16384xf32, #tpu.memory_space<hbm>> -> memref<32x512xf32, #tpu.memory_space<hbm>>
      %dma_wait3A_230 = arith.constant 0 : i32
      %dma_wait3A_231 = tpu.memref_slice %arg5[%dma_wait3A_230, %mul3A_2] : memref<32x16384xf32, #tpu.memory_space<hbm>> -> memref<32x512xf32, #tpu.memory_space<hbm>>
      tpu.wait_dma2 semaphore(%run_scoped3A : memref<!tpu.dma_semaphore, #tpu.memory_space<semaphore_mem>>) src(%arg8 : memref<32x512xf32, #tpu.memory_space<vmem>>) dst(%dma_wait3A_231 : memref<32x512xf32, #tpu.memory_space<hbm>>)
      tpu.yield
    }) : () -> ()
    return
  }
}

</mosaic_0001>

<sc_bundles>
// kernel: kernel.3.cloned.1.call-start
scs
__scs_entry_jumppad:
0x0: {  	(pc) =	sbr.rel $0x88, $3  }
0x1: {  	(tag) =	ssettag $0x0;
	lr =	simm.s32 $0x1  }
0x2: {  	[smem:$0x3F9F] =	sst lr;
	_ =	strace $0xD0000000  }
0x3: {  	_ = 	snop  }
0x4: {  	_ = 	snop  }
0x5: {  	_ = 	snop  }
0x6: {  	_ = 	snop  }
0x7: {  	_ = 	snop  }
__scs_overlays_trampoline_lowered:
0x8: {  	[smem:$0x3FAE] =	sst s0  }
0x9: {  	[smem:$0x3FAF] =	sst s1  }
0xa: {  	[smem:$0x3FB0] =	sst s2  }
0xb: {  	[smem:$0x3FB1] =	sst s3  }
0xc: {  	[smem:$0x3FB2] =	sst s4  }
0xd: {  	[smem:$0x3FB3] =	sst s5  }
0xe: {  	[smem:$0x3FB4] =	sst s6  }
0xf: {  	[smem:$0x3FB5] =	sst s7  }
0x10: {  	[smem:$0x3FB6] =	sst s8  }
0x11: {  	[smem:$0x3FB7] =	sst s9;
	s0 =	simm.s32 @!p0 $0x0  }
0x12: {  	s1 =	sld [smem:$0x3F9D];
	s0 =	simm.s32 @p0 $0x1  }
0x13: {  	[smem:$0x3FB8] =	sst s0;
	s0 =	simm.s32 @!p1 $0x0  }
0x14: {  	s2 =	sld [smem:$0x3F9C];
	s0 =	simm.s32 @p1 $0x1  }
0x15: {  	[smem:$0x3FB9] =	sst s0;
	s0 =	simm.s32 @!p2 $0x0  }
0x16: {  	s3 =	sld [smem:$0x3FDB];
	s0 =	simm.s32 @p2 $0x1  }
0x17: {  	s4 =	simm.s32 $0x1BF5;
	[smem:$0x3FBB] =	sst s0  }
0x18: {  	s0 =	sld [smem:$0x3F9E];
	_ =	swait.ge [sflag:s4], $0x0  }
0x19: {  	s7 =	sld [smem:$0x3F9F]  }
0x1a: {  	s8 =	sadd.s32 $0xFFFFE003, lr  }
0x1b: {  	s9 =	sadd.s32 $0xFFFFFEF7, lr;
	s5 =	simm.s32 $0xFFFFFFFF;
	p2 =	slt.u32 s8, $0xFFFFF086  }
0x1c: {  	p1 =	slt.u32 s9, $0xF7A;
	s5 =	simm.s32 @!p2 $0x0  }
0x1d: {  	s5 =	simm.s32 @p1 $0x1;
	p0 =	seq.s32 s7, s2  }
0x1e: {  	s7 =	smul.u32 @!p0 $0xF7A, s2;
	p2 =	seq.s32 @!p0 s5, $0x0  }
0x1f: {  	s9 =	smul.u32 $0xF7A, s1;
	s8 =	simm.s32 @!p0 $0x1BF5;
	p2 =	por !p2, p0  }
0x20: {  	[sflag:s8] =	ssyncset.s32 @!p0 $0xFFFFF086;
	s6 =	sadd.s32 @!p0 s3, s7;
	s7 =	simm.s32 @!p0 $0x108  }
0x21: {  	s3 =	sadd.s32 s3, s9;
	s6 =	sadd.s32 @!p0 $0x88, s6;
	s7 =	simm.s32 @p2 $0x1082  }
0x22: {  	[simem:s7], [sflag:s8] =	dma.local @!p0 [hbm:s6], $0xF7A  }
0x23: {  	s9 =	sor.u32 $0xD0000000, s2;
	s6 =	simm.s32 $0x108;
	_ =	swait.ge @!p0 [sflag:s8], $0x0  }
0x24: {  	s3 =	sadd.s32 $0x88, s3;
	s6 =	simm.s32 @!p1 $0x1082;
	[sflag:s4] =	ssyncset.s32 $0xFFFFF086  }
0x25: {  	[simem:s6], [sflag:s4] =	dma.local [hbm:s3], $0xF7A  }
0x26: {  	[smem:$0x3F9F] =	sst s1;
	(tag) =	ssettag s2;
	_ =	strace s9  }
0x27: {  	s1 =	sld [smem:$0x3FAF]  }
0x28: {  	s2 =	sld [smem:$0x3FB0]  }
0x29: {  	s4 =	sld [smem:$0x3FB2]  }
0x2a: {  	p0 =	seq.s32 s5, $0x0;
	s5 =	sld [smem:$0x3FB3]  }
0x2b: {  	s6 =	sld [smem:$0x3FB4]  }
0x2c: {  	s7 =	sld [smem:$0x3FB5]  }
0x2d: {  	s3 =	simm.s32 $0x108;
	s8 =	sld [smem:$0x3FB6]  }
0x2e: {  	s3 =	simm.s32 @!p0 $0x1082;
	s9 =	sld [smem:$0x3FB7]  }
0x2f: {  	lr =	sadd.s32 s0, s3;
	s0 =	sld [smem:$0x3FAE]  }
0x30: {  	s3 =	sld [smem:$0x3FB1]  }
0x31: {  	[smem:$0x3FBA] =	sst s10  }
0x32: {  	s10 =	sld [smem:$0x3FB8];
	_ =	sdelay $0x3  }
0x33: {  	p0 =	seq.s32 s10, $0x1;
	s10 =	sld [smem:$0x3FBA];
	_ =	sdelay $0x3  }
0x34: {  	[smem:$0x3FBA] =	sst s10  }
0x35: {  	s10 =	sld [smem:$0x3FB9];
	_ =	sdelay $0x3  }
0x36: {  	p1 =	seq.s32 s10, $0x1;
	s10 =	sld [smem:$0x3FBA];
	_ =	sdelay $0x3  }
0x37: {  	[smem:$0x3FBA] =	sst s10  }
0x38: {  	s10 =	sld [smem:$0x3FBB]  }
0x39: {  	_ = 	snop;
	(pc) =	sbr.ind lr, $3  }
0x3a: {  	_ = 	snop  }
0x3b: {  	_ = 	snop  }
0x3c: {  	p2 =	seq.s32 s10, $0x1;
	s10 =	sld [smem:$0x3FBA]  }
0x3d: {  	_ =	shalt  }
0x3e: {  	_ =	shalt  }
0x3f: {  	_ =	shalt  }
0x40: {  	_ =	shalt  }
0x41: {  	_ =	shalt  }
0x42: {  	_ =	shalt  }
0x43: {  	_ =	shalt  }
0x44: {  	_ =	shalt  }
0x45: {  	_ =	shalt  }
0x46: {  	_ =	shalt  }
0x47: {  	_ =	shalt  }
0x48: {  	_ =	shalt  }
0x49: {  	_ =	shalt  }
0x4a: {  	_ =	shalt  }
0x4b: {  	_ =	shalt  }
0x4c: {  	_ =	shalt  }
0x4d: {  	_ =	shalt  }
0x4e: {  	_ =	shalt  }
0x4f: {  	_ =	shalt  }
0x50: {  	_ =	shalt  }
0x51: {  	_ =	shalt  }
0x52: {  	_ =	shalt  }
0x53: {  	_ =	shalt  }
0x54: {  	_ =	shalt  }
0x55: {  	_ =	shalt  }
0x56: {  	_ =	shalt  }
0x57: {  	_ =	shalt  }
0x58: {  	_ =	shalt  }
0x59: {  	_ =	shalt  }
0x5a: {  	_ =	shalt  }
0x5b: {  	_ =	shalt  }
0x5c: {  	_ =	shalt  }
0x5d: {  	_ =	shalt  }
0x5e: {  	_ =	shalt  }
0x5f: {  	_ =	shalt  }
0x60: {  	_ =	shalt  }
0x61: {  	_ =	shalt  }
0x62: {  	_ =	shalt  }
0x63: {  	_ =	shalt  }
0x64: {  	_ =	shalt  }
0x65: {  	_ =	shalt  }
0x66: {  	_ =	shalt  }
0x67: {  	_ =	shalt  }
0x68: {  	_ =	shalt  }
0x69: {  	_ =	shalt  }
0x6a: {  	_ =	shalt  }
0x6b: {  	_ =	shalt  }
0x6c: {  	_ =	shalt  }
0x6d: {  	_ =	shalt  }
0x6e: {  	_ =	shalt  }
0x6f: {  	_ =	shalt  }
0x70: {  	_ =	shalt  }
0x71: {  	_ =	shalt  }
0x72: {  	_ =	shalt  }
0x73: {  	_ =	shalt  }
0x74: {  	_ =	shalt  }
0x75: {  	_ =	shalt  }
0x76: {  	_ =	shalt  }
0x77: {  	_ =	shalt  }
0x78: {  	_ =	shalt  }
0x79: {  	_ =	shalt  }
0x7a: {  	_ =	shalt  }
0x7b: {  	_ =	shalt  }
0x7c: {  	_ =	shalt  }
0x7d: {  	_ =	shalt  }
0x7e: {  	_ =	shalt  }
0x7f: {  	_ =	shalt  }
0x80: {  	_ =	shalt  }
0x81: {  	_ =	shalt  }
0x82: {  	_ =	shalt  }
0x83: {  	_ =	shalt  }
0x84: {  	_ =	shalt  }
0x85: {  	_ =	shalt  }
0x86: {  	_ =	shalt  }
0x87: {  	_ =	shalt  }
.Lfunc_end0:
.L_simem_size_0:
called_computation_lowered:
.L_overlay_start_0:
0x88: {  	s2 =	sld [smem:$0x3FD9]  }
0x89: {  	s3 =	sld [smem:$0x3FFE];
	_ =	sdelay $0x1  }
0x8a: {  	s1 =	srdreg.scid  }
0x8b: {  	s0 =	sand.u32 $0x1, s1  }
0x8c: {  	s17 =	sshll.u32 s0, $0xA;
	s2 =	sadd.s32 s3, s2  }
0x8d: {  	s2 =	sadd.s32 s2, s17  }
0x8e: {  	[smem:$0x3FC6] =	sst s2  }
0x8f: {  	_ = 	snop  }
0x90: {  	s2 =	sld [smem:$0x3FC9]  }
0x91: {  	s18 =	sld [smem:$0x3FC8]  }
0x92: {  	s4 =	sld [smem:$0x3FD0];
	(tm) =	ssettm $0x1  }
0x93: {  	s5 =	sld [smem:$0x3FFB];
	_ =	sdelay $0x3  }
0x94: {  	_ =	strace s5  }
0x95: {  	s5 =	sld [smem:$0x3FFC];
	_ =	sdelay $0x3  }
0x96: {  	_ =	strace s5  }
0x97: {  	s5 =	sld [smem:$0x3FFD];
	_ =	sdelay $0x3  }
0x98: {  	_ =	strace s5  }
0x99: {  	_ =	strace $0x8FFFFFFF  }
0x9a: {  	s19 =	sld [smem:$0x3FDB];
	_ =	sdelay $0x1  }
0x9b: {  	s6 =	simm.s32 $_scs_section_size  }
0x9c: {  	s7 =	simm.s32 $_size__tile_overlayer_lowered;
	s8 =	simm.s32 $_tile_overlayer_lowered  }
0x9d: {  	s22 =	simm.s32 $0x1BFF;
	s21 =	sshll.u32 s8, $0x1;
	s5 =	sadd.s32 s6, s19  }
0x9e: {  	s9 =	simm.s32 $0x0;
	s20 =	sshll.u32 s7, $0x1;
	s7 =	sadd.s32 s21, s5  }
0x9f: {  	[timem:s9], [sflag:s22] =	dma.local [hbm:s7], s20  }
0xa0: {  	_ =	swait.ge [sflag:s22], s20  }
0xa1: {  	s6 =	ssub.s32 $0x0, s20;
	[sflag:s22] =	ssyncset.done $0x0  }
0xa2: {  	[sflag:s22] =	ssyncadd.s32 s6;
	_ =	sdelay $0x1  }
0xa3: {  	s23 =	simm.s32 $0x1B8B  }
0xa4: {  	_ =	swait.ge [sflag:s23], $0x1  }
0xa5: {  	[sflag:s23] =	ssyncset.done $0x0  }
0xa6: {  	s25 =	simm.s32 $0x1B8E;
	s24 =	sld [smem:$0x3FFE];
	[sflag:s23] =	ssyncadd.s32 $0xFFFFFFFF  }
0xa7: {  	s26 =	simm.s32 $execute0_lowered;
	[smem:$0x3FD2] =	sst s25  }
0xa8: {  	s7 =	sshll.u32 s26, $0x1;
	_ =	strace $0x80000046;
	[dreg:$0x1] =	wrdreg $0xFFFFFFFF  }
0xa9: {  	s28 =	simm.s32 $_size_execute0_lowered;
	s5 =	sadd.s32 s5, s7;
	[dreg:$0x0] =	wrdreg $0x0  }
0xaa: {  	s7 =	sshll.u32 s28, $0x1;
	[dreg:$0x2] =	wrdreg s5  }
0xab: {  	[dreg:$0x3] =	wrdreg s7  }
0xac: {  	[dreg:$0x4] =	wrdreg $0xC0  }
0xad: {  	_ =	task [dreg:s9], $0x5FFFF  }
0xae: {  	[dreg:$0x1] =	wrdreg $0xFFFFFFFF  }
0xaf: {  	[dreg:$0x0] =	wrdreg $0x60  }
0xb0: {  	[dreg:$0x2] =	wrdreg s2  }
0xb1: {  	[dreg:$0x3] =	wrdreg s18  }
0xb2: {  	[dreg:$0x4] =	wrdreg s24  }
0xb3: {  	[dreg:$0x5] =	wrdreg s4  }
0xb4: {  	[dreg:$0x6] =	wrdreg $0x9  }
0xb5: {  	_ =	task.clear_ibuf [dreg:s9], $0x7FFFF;
	_ =	strace $0x90000046  }
0xb6: {  	s29 =	simm.s32 $0x9;
	_ =	strace $0x80000048  }
0xb7: {  	_ =	swait.ge [sflag:s29], $0x1  }
0xb8: {  	[sflag:s29] =	ssyncadd.s32 $0xFFFFFFFF  }
0xb9: {  	_ =	strace $0x90000048  }
0xba: {  	_ =	sfence  }
0xbb: {  	s30 =	sld [smem:$0x0];
	_ =	sdelay $0x2  }
0xbc: {  	s31 =	sshll.u32 s1, $0xD;
	s1 =	sshrl.u32 s1, $0x2  }
0xbd: {  	s3 =	sand.u32 $0x4000, s31;
	s1 =	sadd.s32 s1, s30  }
0xbe: {  	s0 =	sor.u32 s3, s0;
	s1 =	sshll.u32 s1, $0x11  }
0xbf: {  	s0 =	sor.u32 s1, s0  }
0xc0: {  	s0 =	sadd.s32 $0x8F2B, s0  }
0xc1: {  	[sflag:s0] =	ssyncadd.remote.s32 $0x1  }
0xc2: {  	_ =	sfence.sel $0xFFFF  }
0xc3: {  	[dreg:$0x0] =	wrdreg $0xFFFFFFFF;
	(pc) =	sbr.abs _section_cstart, $3  }
0xc4: {  	[dreg:$0x1] =	wrdreg $0xFFFFFFFF  }
0xc5: {  	_ =	task.clear_ibuf [dreg:s9], $0x2FFFF;
	_ =	strace $0x9FFFFFFF  }
0xc6: {  	(tm) =	ssettm $0x7FFFFFFF  }
0xc7: {  	_ =	shalt  }
tec
execute0_lowered:
.L_overlay_start_1:
0x0: {  	(tag) =	ssettag $0x1  }
0x1: {  	v0 =	vlaneseq.u32  }
0x2: {  	v4 =	vimm.s32 $0x1380;
	vm0 =	vcmask $0x300;
	v5 =	vimm.s32 $0x3380  }
0x3: {  	vm1 =	vcmask $0x704;
	vm15 =	vcmask $0xB08;
	vm4 =	vcmask $0xF0C  }
0x4: {  	vm5 =	vcmask $0x1310;
	vm6 =	vcmask $0x1714;
	vm7 =	vcmask $0x1B18  }
0x5: {  	vm8 =	vcmask $0x1F1C;
	vm9 =	vcmask $0x2320;
	vm10 =	vcmask $0x2724  }
0x6: {  	vm11 =	vcmask $0x2B28;
	vm12 =	vcmask $0x2F2C;
	vm13 =	vcmask $0x3330  }
0x7: {  	vm14 =	vcmask $0x3734;
	v1 =	vmul.u32 $0x80, v0;
	v4 =	vsel vm0, $0x0, v4  }
0x8: {  	v3 =	vor.u32 $0x10, v0;
	v5 =	vsel vm0, $0x2000, v5;
	v4 =	vsel vm1, $0x80, v4  }
0x9: {  	v5 =	vsel vm1, $0x2080, v5;
	v2 =	vor.u32 $0x800, v1;
	v4 =	vsel vm15, $0x100, v4  }
0xa: {  	v5 =	vsel vm15, $0x2100, v5;
	vm15 =	vcmask $0x3B38;
	v8 =	vor.u32 $0x1800, v1  }
0xb: {  	v9 =	vor.u32 $0x2000, v1;
	v10 =	vor.u32 $0x2800, v1;
	v11 =	vor.u32 $0x3000, v1  }
0xc: {  	s0 =	rddreg [dreg:$0x0];
	v12 =	vor.u32 $0x3800, v1;
	v13 =	vor.u32 $0x4000, v1;
	v14 =	vor.u32 $0x4800, v1  }
0xd: {  	s1 =	rddreg [dreg:$0x1];
	v15 =	vor.u32 $0x5000, v1;
	v16 =	vor.u32 $0x5800, v1;
	v17 =	vor.u32 $0x6000, v1  }
0xe: {  	s2 =	rddreg [dreg:$0x2];
	v18 =	vor.u32 $0x6800, v1;
	v19 =	vor.u32 $0x7000, v1;
	v20 =	vor.u32 $0x7800, v1  }
0xf: {  	s3 =	rddreg [dreg:$0x3];
	s4 =	srdreg.scid;
	v21 =	vor.u32 $0x8000, v1;
	v22 =	vor.u32 $0x8800, v1;
	v23 =	vor.u32 $0x9000, v1  }
0x10: {  	s6 =	simm.s32 $0x0;
	s8 =	simm.s32 $0x14200;
	s9 =	simm.s32 $0x400;
	v24 =	vor.u32 $0x9800, v1;
	v25 =	vor.u32 $0xA000, v1;
	v26 =	vor.u32 $0xA800, v1  }
0x11: {  	s5 =	stileid.u32;
	s11 =	simm.s32 $0x7A1400;
	s12 =	simm.s32 $0x200;
	v27 =	vor.u32 $0xB000, v1;
	v4 =	vsel vm4, $0x180, v4;
	v5 =	vsel vm4, $0x2180, v5  }
0x12: {  	s19 =	simm.s32 $0x7200;
	s20 =	simm.s32 $0x1;
	s21 =	simm.s32 $0x8200;
	v28 =	vor.u32 $0xB800, v1;
	v4 =	vsel vm5, $0x200, v4;
	v5 =	vsel vm5, $0x2200, v5  }
0x13: {  	s22 =	simm.s32 $0x9200;
	s28 =	simm.s32 $0xE200;
	s29 =	simm.s32 $0xF200;
	v29 =	vor.u32 $0xC000, v1;
	v4 =	vsel vm6, $0x280, v4;
	v5 =	vsel vm6, $0x2280, v5  }
0x14: {  	s30 =	simm.s32 $0x10200;
	s31 =	simm.s32 $0x2;
	s4 =	sand.u32 $0x1, s4;
	v30 =	vor.u32 $0xC800, v1;
	v4 =	vsel vm7, $0x300, v4;
	v5 =	vsel vm7, $0x2300, v5  }
0x15: {  	[smem:$0x7FF] =	sst s6;
	s5 =	sshll.u32 s5, $0xA;
	s2 =	sadd.s32 $0x400, s2;
	v31 =	vor.u32 $0xD000, v1;
	v4 =	vsel vm8, $0x380, v4;
	v5 =	vsel vm8, $0x2380, v5  }
0x16: {  	s23 =	sshll.u32 s4, $0x9;
	_ =	strace $0x80000047;
	s4 =	ssub.s32 $0x2, s4;
	v32 =	vor.u32 $0xD800, v1;
	v4 =	vsel vm9, $0x1000, v4;
	v5 =	vsel vm9, $0x3000, v5  }
0x17: {  	[dreg:$0x5] =	wrdreg s2;
	s5 =	sor.u32 s23, s5;
	s24 =	sshrl.u32 s4, $0x1;
	v33 =	vor.u32 $0xE000, v1;
	v4 =	vsel vm10, $0x1080, v4;
	v5 =	vsel vm10, $0x3080, v5  }
.Ltmp0:
0x18: {  	s23 =	simm.s32 $0xA200;
	v34 =	vor.u32 $0xE800, v1;
	s6 =	sshrl.u32 s5, $0x3;
	v4 =	vsel vm11, $0x1100, v4;
	v5 =	vsel vm11, $0x3100, v5;
	(pc) =	sbr.rel .LBB2_1-.Ltmp0, $4  }
0x19: {  	v35 =	vor.u32 $0xF000, v1;
	s2 =	ssub.s32 s4, s24;
	s25 =	sadd.s32 s3, s5;
	s3 =	simm.s32 $0x3;
	v4 =	vsel vm12, $0x1180, v4;
	v5 =	vsel vm12, $0x3180, v5  }
0x1a: {  	v36 =	vor.u32 $0xF800, v1;
	s24 =	simm.s32 $0xB200;
	s1 =	sadd.s32 s1, s6;
	[dreg:$0x7] =	wrdreg s25;
	v4 =	vsel vm13, $0x1200, v4;
	v5 =	vsel vm13, $0x3200, v5  }
0x1b: {  	s26 =	smax.u32 s2, $0x1;
	s25 =	simm.s32 $0xC200;
	[dreg:$0x6] =	wrdreg s1;
	v6 =	vsel vm14, $0x1280, v4;
	v7 =	vsel vm14, $0x3280, v5;
	v4 =	vimm.s32 $0x0  }
0x1c: {  	s2 =	simm.s32 $0x0;
	[dreg:$0x8] =	wrdreg s26;
	s26 =	simm.s32 $0xD200;
	v5 =	vsel vm15, $0x1300, v6;
	v6 =	vsel vm15, $0x3300, v7;
	v7 =	vor.u32 $0x1000, v1  }
.LBB2_5:
0x1d: {  	s1 =	rddreg [dreg:$0x7];
	s2 =	simm.s32 $0x1000;
	s3 =	simm.s32 $0x20000  }
0x1e: {  	[hbm4b:s1+s2] =	stream.strided.scatter [tilespmem:s30], [sflag:$0x3], $0x4000, s3, s2, $0x38;
	[tilespmem:$0x14A00] =	vst v63  }
0x1f: {  	s3 =	simm.s32 $0x3  }
0x20: {  	_ =	swait.ge [sflag:s3], $0x4000  }
0x21: {  	s17 =	rddreg [dreg:$0x9]  }
0x22: {  	s18 =	rddreg [dreg:$0x8];
	s2 =	sadd.s32 $0x1, s17  }
0x23: {  	p0 =	sne.s32 s2, s18  }
.Ltmp1:
0x24: {  	_ = 	snop;
	(pc) =	sbr.rel @!p0 .LBB2_6-.Ltmp1, $3  }
0x25: {  	_ =	sdelay $0x1  }
0x26: {  	[sflag:s3] =	ssyncset.done $0x0  }
0x27: {  	[sflag:s3] =	ssyncadd.s32 $0xFFFFC000  }
.LBB2_1:
0x28: {  	[dreg:$0x9] =	wrdreg s2  }
0x29: {  	s1 =	simm.s32 $0x0;
	s5 =	rddreg [dreg:$0x6]  }
0x2a: {  	[tilespmem:s1], [sflag:$0x3] =	stream.linear.gather [hbm4b:s5+s1], $0x200, $0x38;
	[tilespmem:$0x14A00] =	vst v63  }
0x2b: {  	_ =	swait.ge [sflag:s3], $0x200  }
0x2c: {  	[sflag:s3] =	ssyncset.done $0x0  }
0x2d: {  	s6 =	rddreg [dreg:$0x5];
	[sflag:s3] =	ssyncadd.s32 $0xFFFFFE00  }
0x2e: {  	[tilespmem:s8], [sflag:$0x3] =	stream.linear.gather [hbm4b:s6+s1], $0x800, $0x38;
	[tilespmem:$0x14A00] =	vst v63  }
0x2f: {  	_ =	swait.ge [sflag:s3], $0x800  }
0x30: {  	[sflag:s3] =	ssyncset.done $0x0  }
0x31: {  	[sflag:s3] =	ssyncadd.s32 $0xFFFFF800  }
0x32: {  	v37 =	vld [tilespmem:$0x0];
	_ =	sdelay $0x4  }
0x33: {  	v37 =	vshra.s32 v37, $0x7  }
0x34: {  	(v2sf) =	vpush v37, $0x0;
	_ =	sdelay $0x6  }
0x35: {  	(v2sf) =	vpush v37, $0x1;
	_ =	sdelay $0x6  }
0x36: {  	(v2sf) =	vpush v37, $0x2  }
0x37: {  	s1 =	spop (v2sf)  }
0x38: {  	p0 =	slt.s32 s1, $0x1E83  }
0x39: {  	s1 =	simm.s32 @!p0 $0x1E83  }
0x3a: {  	s1 =	sshll.u32 s1, $0x7  }
0x3b: {  	s1 =	sand.u32 $0x1FFFFF80, s1  }
0x3c: {  	s1 =	sadd.s32 s0, s1  }
0x3d: {  	(v2sf) =	vpush v37, $0x3;
	[tilespmem:s12], [sflag:$0x1] =	stream.strided.gather [hbm4b:s1+s9], $0x1000, s11, s9, $0x38;
	[tilespmem:$0x14A00] =	vst v63  }
0x3e: {  	s1 =	spop (v2sf)  }
0x3f: {  	p0 =	slt.s32 s1, $0x1E83  }
0x40: {  	s1 =	simm.s32 @!p0 $0x1E83  }
0x41: {  	s1 =	sshll.u32 s1, $0x7  }
0x42: {  	s1 =	sand.u32 $0x1FFFFF80, s1  }
0x43: {  	s7 =	simm.s32 $0x1200;
	s1 =	sadd.s32 s0, s1  }
0x44: {  	(v2sf) =	vpush v37, $0x4;
	[tilespmem:s7], [sflag:$0x1] =	stream.strided.gather [hbm4b:s1+s9], $0x1000, s11, s9, $0x38;
	[tilespmem:$0x14A00] =	vst v63  }
0x45: {  	s1 =	spop (v2sf)  }
0x46: {  	p0 =	slt.s32 s1, $0x1E83  }
0x47: {  	(v2sf) =	vpush v37, $0x5;
	s1 =	simm.s32 @!p0 $0x1E83  }
0x48: {  	s1 =	sshll.u32 s1, $0x7  }
0x49: {  	s1 =	sand.u32 $0x1FFFFF80, s1  }
0x4a: {  	s10 =	simm.s32 $0x2200;
	s1 =	sadd.s32 s0, s1  }
0x4b: {  	[tilespmem:s10], [sflag:$0x1] =	stream.strided.gather [hbm4b:s1+s9], $0x1000, s11, s9, $0x38;
	[tilespmem:$0x14A00] =	vst v63  }
0x4c: {  	s1 =	spop (v2sf)  }
0x4d: {  	(v2sf) =	vpush v37, $0x6;
	p0 =	slt.s32 s1, $0x1E83  }
0x4e: {  	s1 =	simm.s32 @!p0 $0x1E83  }
0x4f: {  	s1 =	sshll.u32 s1, $0x7  }
0x50: {  	s1 =	sand.u32 $0x1FFFFF80, s1  }
0x51: {  	s13 =	simm.s32 $0x3200;
	s1 =	sadd.s32 s0, s1  }
0x52: {  	[tilespmem:s13], [sflag:$0x1] =	stream.strided.gather [hbm4b:s1+s9], $0x1000, s11, s9, $0x38;
	[tilespmem:$0x14A00] =	vst v63  }
0x53: {  	s1 =	spop (v2sf)  }
0x54: {  	p0 =	slt.s32 s1, $0x1E83  }
0x55: {  	(v2sf) =	vpush v37, $0x7;
	s1 =	simm.s32 @!p0 $0x1E83  }
0x56: {  	s1 =	sshll.u32 s1, $0x7;
	s2 =	spop (v2sf)  }
0x57: {  	s1 =	sand.u32 $0x1FFFFF80, s1;
	p0 =	slt.s32 s2, $0x1E83  }
0x58: {  	s14 =	simm.s32 $0x4200;
	s1 =	sadd.s32 s0, s1;
	s2 =	simm.s32 @!p0 $0x1E83  }
0x59: {  	[tilespmem:s14], [sflag:$0x1] =	stream.strided.gather [hbm4b:s1+s9], $0x1000, s11, s9, $0x38;
	[tilespmem:$0x14A00] =	vst v63  }
0x5a: {  	s15 =	sshll.u32 s2, $0x7  }
0x5b: {  	s1 =	sand.u32 $0x1FFFFF80, s15  }
0x5c: {  	s16 =	simm.s32 $0x5200;
	s1 =	sadd.s32 s0, s1;
	s2 =	spop (v2sf)  }
0x5d: {  	[tilespmem:s16], [sflag:$0x1] =	stream.strided.gather [hbm4b:s1+s9], $0x1000, s11, s9, $0x38;
	[tilespmem:$0x14A00] =	vst v63  }
0x5e: {  	p0 =	slt.s32 s2, $0x1E83  }
0x5f: {  	s2 =	simm.s32 @!p0 $0x1E83  }
0x60: {  	s17 =	sshll.u32 s2, $0x7  }
0x61: {  	s1 =	sand.u32 $0x1FFFFF80, s17  }
0x62: {  	s18 =	simm.s32 $0x6200;
	s1 =	sadd.s32 s0, s1  }
0x63: {  	[tilespmem:s18], [sflag:$0x1] =	stream.strided.gather [hbm4b:s1+s9], $0x1000, s11, s9, $0x38;
	[tilespmem:$0x14A00] =	vst v63  }
0x64: {  	s1 =	spop (v2sf)  }
0x65: {  	p0 =	slt.s32 s1, $0x1E83  }
.Ltmp2:
0x66: {  	s1 =	simm.s32 @!p0 $0x1E83;
	(pc) =	sbr.rel .LBB2_2-.Ltmp2, $4  }
0x67: {  	s1 =	sshll.u32 s1, $0x7  }
0x68: {  	s4 =	simm.s32 $0x1;
	s1 =	sand.u32 $0x1FFFFF80, s1  }
0x69: {  	s3 =	simm.s32 $0x0;
	s2 =	simm.s32 $0xF;
	s1 =	sadd.s32 s0, s1  }
0x6a: {  	[tilespmem:s19], [sflag:$0x1] =	stream.strided.gather [hbm4b:s1+s9], $0x1000, s11, s9, $0x38;
	[tilespmem:$0x14A00] =	vst v63  }
.LBB2_4:
0x6b: {  	s16 =	sadd.s32 $0xFFF0BE00, s15  }
0x6c: {  	p0 =	sgt.s32 s16, $0x0  }
0x6d: {  	s18 =	sand.u32 $0x7F, s15;
	s16 =	simm.s32 @!p0 $0x0  }
0x6e: {  	v38 =	vor.u32 s18, v21;
	s16 =	smin.u32 s16, $0x3F  }
0x6f: {  	v39 =	vor.u32 s18, v22;
	s16 =	sshll.u32 s16, $0x5  }
0x70: {  	v40 =	vor.u32 s16, v0  }
0x71: {  	s17 =	sadd.s32 $0xFFFFFFF9, s2;
	v41 =	vor.u32 s16, v3  }
0x72: {  	v42 =	vmov s17  }
0x73: {  	v43 =	vshll.u32 v42, $0x3;
	v38 =	vld.idx.msk [tilespmem:v38+s12+$0x0], $0xffff  }
0x74: {  	v42 =	vand.u32 $0x78, v42;
	v43 =	vand.u32 $0xC00, v43;
	v39 =	vld.idx.msk [tilespmem:v39+s12+$0x0], $0xffff  }
0x75: {  	s15 =	sadd.s32 $0xFFF0BE00, s14;
	v42 =	vor.u32 v42, v43;
	v40 =	vld.idx.msk [tilespmem:v40+s8+$0x0], $0xffff  }
0x76: {  	v54 =	vbroadcast v37, $0x8;
	p0 =	sgt.s32 s15, $0x0;
	v44 =	vor.u32 v5, v42;
	v41 =	vld.idx.msk [tilespmem:v41+s8+$0x0], $0xffff  }
0x77: {  	s18 =	sand.u32 $0x7F, s14;
	s15 =	simm.s32 @!p0 $0x0;
	v42 =	vor.u32 v6, v42  }
0x78: {  	v45 =	vor.u32 s18, v23;
	v43 =	vand.u32 $0x1, v54;
	s15 =	smin.u32 s15, $0x3F  }
0x79: {  	v55 =	vor.u32 s18, v24;
	vm0 =	veq.s32 v43, $0x1;
	s15 =	sshll.u32 s15, $0x5  }
0x7a: {  	v56 =	vor.u32 s15, v0;
	v38 =	vsel vm0, v40, v38  }
0x7b: {  	s16 =	sadd.s32 $0xFFFFFFFA, s2;
	v57 =	vor.u32 s15, v3;
	v39 =	vsel vm0, v41, v39;
	[tilespmem:v44+s30+$0x0] =	vst.idx.msk $0xffff, v38  }
0x7c: {  	v58 =	vmov s16;
	[tilespmem:v42+s30+$0x0] =	vst.idx.msk $0xffff, v39  }
0x7d: {  	v60 =	vshll.u32 v58, $0x3;
	v59 =	vld.idx.msk [tilespmem:v45+s12+$0x0], $0xffff  }
0x7e: {  	v39 =	vand.u32 $0x79, v58;
	v42 =	vand.u32 $0xC00, v60;
	v43 =	vld.idx.msk [tilespmem:v55+s12+$0x0], $0xffff  }
0x7f: {  	s14 =	sadd.s32 $0xFFF0BE00, s13;
	v40 =	vld.idx.msk [tilespmem:v56+s8+$0x0], $0xffff;
	v39 =	vor.u32 v39, v42  }
0x80: {  	v61 =	vbroadcast v37, $0x9;
	p0 =	sgt.s32 s14, $0x0;
	v38 =	vld.idx.msk [tilespmem:v57+s8+$0x0], $0xffff;
	v62 =	vor.u32 v5, v39  }
0x81: {  	s17 =	sand.u32 $0x7F, s13;
	s14 =	simm.s32 @!p0 $0x0;
	v39 =	vor.u32 v6, v39  }
0x82: {  	v63 =	vor.u32 s17, v25;
	s14 =	smin.u32 s14, $0x3F;
	v42 =	vand.u32 $0x1, v61  }
0x83: {  	v48 =	vor.u32 s17, v26;
	s18 =	sshll.u32 s14, $0x5;
	vm9 =	veq.s32 v42, $0x1  }
0x84: {  	v49 =	vor.u32 s18, v0;
	v40 =	vsel vm9, v40, v59  }
0x85: {  	s14 =	sadd.s32 $0xFFFFFFFB, s2;
	v50 =	vor.u32 s18, v3;
	v38 =	vsel vm9, v38, v43;
	[tilespmem:v62+s30+$0x0] =	vst.idx.msk $0xffff, v40  }
0x86: {  	v51 =	vmov s14;
	[tilespmem:v39+s30+$0x0] =	vst.idx.msk $0xffff, v38  }
0x87: {  	v52 =	vshll.u32 v51, $0x3;
	v39 =	vld.idx.msk [tilespmem:v63+s12+$0x0], $0xffff  }
0x88: {  	v43 =	vand.u32 $0xC00, v52;
	v38 =	vand.u32 $0x7A, v51;
	v42 =	vld.idx.msk [tilespmem:v48+s12+$0x0], $0xffff  }
0x89: {  	s13 =	sadd.s32 $0xFFF0BE00, s1;
	v41 =	vld.idx.msk [tilespmem:v49+s8+$0x0], $0xffff;
	v38 =	vor.u32 v38, v43  }
0x8a: {  	v53 =	vbroadcast v37, $0xA;
	p0 =	sgt.s32 s13, $0x0;
	v40 =	vld.idx.msk [tilespmem:v50+s8+$0x0], $0xffff;
	v54 =	vor.u32 v5, v38  }
0x8b: {  	s13 =	simm.s32 @!p0 $0x0;
	s15 =	sand.u32 $0x7F, s1;
	v38 =	vor.u32 v6, v38  }
0x8c: {  	s13 =	smin.u32 s13, $0x3F;
	v55 =	vor.u32 s15, v27;
	v43 =	vand.u32 $0x1, v53  }
0x8d: {  	s16 =	sshll.u32 s13, $0x5;
	v56 =	vor.u32 s15, v28;
	vm10 =	veq.s32 v43, $0x1  }
0x8e: {  	v57 =	vor.u32 s16, v0;
	v39 =	vsel vm10, v41, v39  }
0x8f: {  	s17 =	sadd.s32 $0xFFFFFFFC, s2;
	v58 =	vor.u32 s16, v3;
	v40 =	vsel vm10, v40, v42;
	[tilespmem:v54+s30+$0x0] =	vst.idx.msk $0xffff, v39  }
0x90: {  	v59 =	vmov s17;
	[tilespmem:v38+s30+$0x0] =	vst.idx.msk $0xffff, v40  }
0x91: {  	v60 =	vshll.u32 v59, $0x3;
	v40 =	vld.idx.msk [tilespmem:v55+s12+$0x0], $0xffff  }
0x92: {  	v42 =	vand.u32 $0xC00, v60;
	v38 =	vand.u32 $0x7B, v59;
	v43 =	vld.idx.msk [tilespmem:v56+s12+$0x0], $0xffff  }
0x93: {  	s1 =	sadd.s32 $0xFFF0BE00, s10;
	v41 =	vld.idx.msk [tilespmem:v57+s8+$0x0], $0xffff;
	v38 =	vor.u32 v38, v42  }
0x94: {  	p0 =	sgt.s32 s1, $0x0;
	v61 =	vbroadcast v37, $0xB;
	v39 =	vld.idx.msk [tilespmem:v58+s8+$0x0], $0xffff;
	v62 =	vor.u32 v5, v38  }
0x95: {  	s18 =	sand.u32 $0x7F, s10;
	s1 =	simm.s32 @!p0 $0x0;
	v38 =	vor.u32 v6, v38  }
0x96: {  	s1 =	smin.u32 s1, $0x3F;
	v63 =	vor.u32 s18, v29;
	v42 =	vand.u32 $0x1, v61  }
0x97: {  	s1 =	sshll.u32 s1, $0x5;
	v48 =	vor.u32 s18, v30;
	vm11 =	veq.s32 v42, $0x1  }
0x98: {  	v49 =	vor.u32 s1, v0;
	v40 =	vsel vm11, v41, v40  }
0x99: {  	s13 =	sadd.s32 $0xFFFFFFFD, s2;
	v50 =	vor.u32 s1, v3;
	v39 =	vsel vm11, v39, v43;
	[tilespmem:v62+s30+$0x0] =	vst.idx.msk $0xffff, v40  }
0x9a: {  	v51 =	vmov s13;
	[tilespmem:v38+s30+$0x0] =	vst.idx.msk $0xffff, v39  }
0x9b: {  	v52 =	vshll.u32 v51, $0x3;
	v39 =	vld.idx.msk [tilespmem:v63+s12+$0x0], $0xffff  }
0x9c: {  	v43 =	vand.u32 $0xC00, v52;
	v38 =	vand.u32 $0x7C, v51;
	v42 =	vld.idx.msk [tilespmem:v48+s12+$0x0], $0xffff  }
0x9d: {  	s1 =	sadd.s32 $0xFFF0BE00, s7;
	v41 =	vld.idx.msk [tilespmem:v49+s8+$0x0], $0xffff;
	v38 =	vor.u32 v38, v43  }
0x9e: {  	v53 =	vbroadcast v37, $0xC;
	p0 =	sgt.s32 s1, $0x0;
	v40 =	vld.idx.msk [tilespmem:v50+s8+$0x0], $0xffff;
	v54 =	vor.u32 v5, v38  }
0x9f: {  	s14 =	sand.u32 $0x7F, s7;
	s1 =	simm.s32 @!p0 $0x0;
	v38 =	vor.u32 v6, v38  }
0xa0: {  	s1 =	smin.u32 s1, $0x3F;
	v55 =	vor.u32 s14, v31;
	v43 =	vand.u32 $0x1, v53  }
0xa1: {  	s1 =	sshll.u32 s1, $0x5;
	v56 =	vor.u32 s14, v32;
	vm12 =	veq.s32 v43, $0x1  }
0xa2: {  	v57 =	vor.u32 s1, v0;
	v39 =	vsel vm12, v41, v39  }
0xa3: {  	s15 =	sadd.s32 $0xFFFFFFFE, s2;
	v58 =	vor.u32 s1, v3;
	v40 =	vsel vm12, v40, v42;
	[tilespmem:v54+s30+$0x0] =	vst.idx.msk $0xffff, v39  }
0xa4: {  	v59 =	vmov s15;
	[tilespmem:v38+s30+$0x0] =	vst.idx.msk $0xffff, v40  }
0xa5: {  	v60 =	vshll.u32 v59, $0x3;
	v40 =	vld.idx.msk [tilespmem:v55+s12+$0x0], $0xffff  }
0xa6: {  	v42 =	vand.u32 $0xC00, v60;
	v38 =	vand.u32 $0x7D, v59;
	v43 =	vld.idx.msk [tilespmem:v56+s12+$0x0], $0xffff  }
0xa7: {  	s1 =	sadd.s32 $0xFFF0BE00, s6;
	v41 =	vld.idx.msk [tilespmem:v57+s8+$0x0], $0xffff;
	v38 =	vor.u32 v38, v42  }
0xa8: {  	v61 =	vbroadcast v37, $0xD;
	p0 =	sgt.s32 s1, $0x0;
	v39 =	vld.idx.msk [tilespmem:v58+s8+$0x0], $0xffff;
	v62 =	vor.u32 v5, v38  }
0xa9: {  	s16 =	sand.u32 $0x7F, s6;
	s1 =	simm.s32 @!p0 $0x0;
	v38 =	vor.u32 v6, v38  }
0xaa: {  	s1 =	smin.u32 s1, $0x3F;
	v63 =	vor.u32 s16, v33;
	v42 =	vand.u32 $0x1, v61  }
0xab: {  	s1 =	sshll.u32 s1, $0x5;
	v48 =	vor.u32 s16, v34;
	vm13 =	veq.s32 v42, $0x1  }
0xac: {  	v49 =	vor.u32 s1, v0;
	v40 =	vsel vm13, v41, v40  }
0xad: {  	s17 =	sadd.s32 $0xFFFFFFFF, s2;
	v50 =	vor.u32 s1, v3;
	v39 =	vsel vm13, v39, v43;
	[tilespmem:v62+s30+$0x0] =	vst.idx.msk $0xffff, v40  }
0xae: {  	v51 =	vmov s17;
	[tilespmem:v38+s30+$0x0] =	vst.idx.msk $0xffff, v39  }
0xaf: {  	v52 =	vshll.u32 v51, $0x3;
	v39 =	vld.idx.msk [tilespmem:v63+s12+$0x0], $0xffff  }
0xb0: {  	v43 =	vand.u32 $0xC00, v52;
	v38 =	vand.u32 $0x7E, v51;
	v42 =	vld.idx.msk [tilespmem:v48+s12+$0x0], $0xffff  }
0xb1: {  	s1 =	sadd.s32 $0xFFF0BE00, s5;
	v41 =	vld.idx.msk [tilespmem:v49+s8+$0x0], $0xffff;
	v38 =	vor.u32 v38, v43  }
0xb2: {  	v53 =	vbroadcast v37, $0xE;
	p0 =	sgt.s32 s1, $0x0;
	v40 =	vld.idx.msk [tilespmem:v50+s8+$0x0], $0xffff;
	v54 =	vor.u32 v5, v38  }
0xb3: {  	s18 =	sand.u32 $0x7F, s5;
	s1 =	simm.s32 @!p0 $0x0;
	v38 =	vor.u32 v6, v38  }
0xb4: {  	s1 =	smin.u32 s1, $0x3F;
	v55 =	vor.u32 s18, v35;
	v43 =	vand.u32 $0x1, v53  }
0xb5: {  	s1 =	sshll.u32 s1, $0x5;
	v56 =	vor.u32 s18, v36;
	vm14 =	veq.s32 v43, $0x1  }
0xb6: {  	v57 =	vor.u32 s1, v0;
	v39 =	vsel vm14, v41, v39  }
0xb7: {  	v59 =	vor.u32 s1, v3;
	v58 =	vsel vm14, v40, v42;
	[tilespmem:v54+s30+$0x0] =	vst.idx.msk $0xffff, v39  }
0xb8: {  	v60 =	vmov s2;
	[tilespmem:v38+s30+$0x0] =	vst.idx.msk $0xffff, v58  }
0xb9: {  	v61 =	vshll.u32 v60, $0x3;
	v39 =	vld.idx.msk [tilespmem:v55+s12+$0x0], $0xffff  }
0xba: {  	v42 =	vand.u32 $0xC00, v61;
	v38 =	vand.u32 $0x7F, v60;
	v43 =	vld.idx.msk [tilespmem:v56+s12+$0x0], $0xffff  }
0xbb: {  	v41 =	vld.idx.msk [tilespmem:v57+s8+$0x0], $0xffff;
	v38 =	vor.u32 v38, v42  }
0xbc: {  	s2 =	sadd.s32 $0x10, s2;
	v62 =	vbroadcast v37, $0xF;
	v40 =	vld.idx.msk [tilespmem:v59+s8+$0x0], $0xffff;
	v42 =	vor.u32 v5, v38  }
0xbd: {  	p0 =	sne.s32 s2, $0x20F;
	v38 =	vor.u32 v6, v38  }
.Ltmp3:
0xbe: {  	v37 =	vand.u32 $0x1, v62;
	(pc) =	sbr.rel @!p0 .LBB2_5-.Ltmp3, $4  }
0xbf: {  	vm15 =	veq.s32 v37, $0x1  }
0xc0: {  	v37 =	vsel vm15, v41, v39  }
0xc1: {  	v63 =	vsel vm15, v40, v43;
	[tilespmem:v42+s30+$0x0] =	vst.idx.msk $0xffff, v37  }
0xc2: {  	s4 =	sadd.s32 $0x1, s4;
	s3 =	sadd.s32 $0x10, s3;
	[tilespmem:v38+s30+$0x0] =	vst.idx.msk $0xffff, v63  }
.LBB2_2:
0xc3: {  	s1 =	smin.u32 s4, $0x1F  }
0xc4: {  	v39 =	vld [tilespmem:s3+$0x0];
	s1 =	sshll.u32 s1, $0x4  }
0xc5: {  	v38 =	vld [tilespmem:s1+$0x0];
	_ =	swait.ge [sflag:s20], $0x1000  }
0xc6: {  	[sflag:s20] =	ssyncset.done $0x0  }
0xc7: {  	[sflag:s20] =	ssyncadd.s32 $0xFFFFF000  }
0xc8: {  	_ =	swait.ge [sflag:s20], $0x1000  }
0xc9: {  	[sflag:s20] =	ssyncset.done $0x0  }
0xca: {  	[sflag:s20] =	ssyncadd.s32 $0xFFFFF000  }
0xcb: {  	_ =	swait.ge [sflag:s20], $0x1000  }
0xcc: {  	[sflag:s20] =	ssyncset.done $0x0  }
0xcd: {  	[sflag:s20] =	ssyncadd.s32 $0xFFFFF000  }
0xce: {  	_ =	swait.ge [sflag:s20], $0x1000  }
0xcf: {  	[sflag:s20] =	ssyncset.done $0x0  }
0xd0: {  	[sflag:s20] =	ssyncadd.s32 $0xFFFFF000  }
0xd1: {  	_ =	swait.ge [sflag:s20], $0x1000  }
0xd2: {  	[sflag:s20] =	ssyncset.done $0x0  }
0xd3: {  	[sflag:s20] =	ssyncadd.s32 $0xFFFFF000  }
0xd4: {  	_ =	swait.ge [sflag:s20], $0x1000  }
0xd5: {  	[sflag:s20] =	ssyncset.done $0x0  }
0xd6: {  	[sflag:s20] =	ssyncadd.s32 $0xFFFFF000  }
0xd7: {  	_ =	swait.ge [sflag:s20], $0x1000  }
0xd8: {  	[sflag:s20] =	ssyncset.done $0x0  }
0xd9: {  	[sflag:s20] =	ssyncadd.s32 $0xFFFFF000  }
0xda: {  	_ =	swait.ge [sflag:s20], $0x1000  }
0xdb: {  	(v2sf) =	vpush v39, $0x8;
	_ =	sdelay $0x5  }
0xdc: {  	(v2sf) =	vpush v39, $0x9;
	_ =	sdelay $0x6  }
0xdd: {  	(v2sf) =	vpush v39, $0xA;
	_ =	sdelay $0x1  }
0xde: {  	s15 =	spop (v2sf)  }
0xdf: {  	s1 =	sshra.s32 s15, $0x7  }
0xe0: {  	p0 =	slt.s32 s1, $0x1E83  }
0xe1: {  	s1 =	simm.s32 @!p0 $0x1E83  }
0xe2: {  	s1 =	sshll.u32 s1, $0x7  }
0xe3: {  	[sflag:s20] =	ssyncset.done $0x0;
	(v2sf) =	vpush v39, $0xB;
	s1 =	sand.u32 $0x1FFFFF80, s1  }
0xe4: {  	[sflag:s20] =	ssyncadd.s32 $0xFFFFF000;
	s14 =	spop (v2sf);
	s1 =	sadd.s32 s0, s1  }
0xe5: {  	[tilespmem:s21], [sflag:$0x2] =	stream.strided.gather [hbm4b:s1+s9], $0x1000, s11, s9, $0x38;
	[tilespmem:$0x14A00] =	vst v63  }
0xe6: {  	s1 =	sshra.s32 s14, $0x7  }
0xe7: {  	p0 =	slt.s32 s1, $0x1E83  }
0xe8: {  	s1 =	simm.s32 @!p0 $0x1E83  }
0xe9: {  	s1 =	sshll.u32 s1, $0x7  }
0xea: {  	(v2sf) =	vpush v39, $0xC;
	s1 =	sand.u32 $0x1FFFFF80, s1  }
0xeb: {  	s13 =	spop (v2sf);
	s1 =	sadd.s32 s0, s1  }
0xec: {  	[tilespmem:s22], [sflag:$0x2] =	stream.strided.gather [hbm4b:s1+s9], $0x1000, s11, s9, $0x38;
	[tilespmem:$0x14A00] =	vst v63  }
0xed: {  	s1 =	sshra.s32 s13, $0x7  }
0xee: {  	p0 =	slt.s32 s1, $0x1E83  }
0xef: {  	s1 =	simm.s32 @!p0 $0x1E83  }
0xf0: {  	s1 =	sshll.u32 s1, $0x7  }
0xf1: {  	(v2sf) =	vpush v39, $0xD;
	s5 =	sand.u32 $0x1FFFFF80, s1  }
0xf2: {  	s1 =	spop (v2sf);
	s5 =	sadd.s32 s0, s5  }
0xf3: {  	[tilespmem:s23], [sflag:$0x2] =	stream.strided.gather [hbm4b:s5+s9], $0x1000, s11, s9, $0x38;
	[tilespmem:$0x14A00] =	vst v63  }
0xf4: {  	s5 =	sshra.s32 s1, $0x7  }
0xf5: {  	p0 =	slt.s32 s5, $0x1E83  }
0xf6: {  	s5 =	simm.s32 @!p0 $0x1E83  }
0xf7: {  	s5 =	sshll.u32 s5, $0x7  }
0xf8: {  	(v2sf) =	vpush v39, $0xE;
	s5 =	sand.u32 $0x1FFFFF80, s5  }
0xf9: {  	s10 =	spop (v2sf);
	s5 =	sadd.s32 s0, s5  }
0xfa: {  	[tilespmem:s24], [sflag:$0x2] =	stream.strided.gather [hbm4b:s5+s9], $0x1000, s11, s9, $0x38;
	[tilespmem:$0x14A00] =	vst v63  }
0xfb: {  	s5 =	sshra.s32 s10, $0x7  }
0xfc: {  	p0 =	slt.s32 s5, $0x1E83  }
0xfd: {  	s5 =	simm.s32 @!p0 $0x1E83  }
0xfe: {  	s5 =	sshll.u32 s5, $0x7  }
0xff: {  	(v2sf) =	vpush v39, $0xF;
	s5 =	sand.u32 $0x1FFFFF80, s5  }
0x100: {  	s7 =	spop (v2sf);
	s5 =	sadd.s32 s0, s5  }
0x101: {  	(v2sf) =	vpush v39, $0x0;
	[tilespmem:s25], [sflag:$0x2] =	stream.strided.gather [hbm4b:s5+s9], $0x1000, s11, s9, $0x38;
	[tilespmem:$0x14A00] =	vst v63  }
0x102: {  	s5 =	sshra.s32 s7, $0x7  }
0x103: {  	p0 =	slt.s32 s5, $0x1E83  }
0x104: {  	s5 =	simm.s32 @!p0 $0x1E83  }
0x105: {  	s5 =	sshll.u32 s5, $0x7  }
0x106: {  	s5 =	sand.u32 $0x1FFFFF80, s5  }
0x107: {  	s6 =	spop (v2sf);
	s5 =	sadd.s32 s0, s5  }
0x108: {  	[tilespmem:s26], [sflag:$0x2] =	stream.strided.gather [hbm4b:s5+s9], $0x1000, s11, s9, $0x38;
	[tilespmem:$0x14A00] =	vst v63  }
0x109: {  	s5 =	sshra.s32 s6, $0x7  }
0x10a: {  	p0 =	slt.s32 s5, $0x1E83  }
0x10b: {  	(v2sf) =	vpush v39, $0x1;
	s5 =	simm.s32 @!p0 $0x1E83  }
0x10c: {  	s5 =	sshll.u32 s5, $0x7  }
0x10d: {  	s16 =	sand.u32 $0x1FFFFF80, s5  }
0x10e: {  	s5 =	spop (v2sf);
	s16 =	sadd.s32 s0, s16  }
0x10f: {  	[tilespmem:s28], [sflag:$0x2] =	stream.strided.gather [hbm4b:s16+s9], $0x1000, s11, s9, $0x38;
	[tilespmem:$0x14A00] =	vst v63  }
0x110: {  	s16 =	spop (v2sf)  }
0x111: {  	s17 =	sadd.s32 $0xFFF0BE00, s16  }
0x112: {  	s18 =	sshra.s32 s5, $0x7;
	p0 =	sgt.s32 s17, $0x0  }
0x113: {  	s16 =	sand.u32 $0x7F, s16;
	s17 =	simm.s32 @!p0 $0x0;
	p0 =	slt.s32 s18, $0x1E83  }
0x114: {  	v37 =	vor.u32 s16, v1;
	s18 =	simm.s32 @!p0 $0x1E83;
	s17 =	smin.u32 s17, $0x3F  }
0x115: {  	(v2sf) =	vpush v39, $0x2;
	v40 =	vor.u32 s16, v2;
	s18 =	sshll.u32 s18, $0x7;
	s17 =	sshll.u32 s17, $0x5  }
0x116: {  	s16 =	sand.u32 $0x1FFFFF80, s18;
	v41 =	vor.u32 s17, v0  }
0x117: {  	v42 =	vor.u32 s17, v3;
	s18 =	sadd.s32 $0xFFFFFFF1, s2;
	s16 =	sadd.s32 s0, s16  }
0x118: {  	v43 =	vmov s18;
	[tilespmem:s29], [sflag:$0x2] =	stream.strided.gather [hbm4b:s16+s9], $0x1000, s11, s9, $0x38;
	[tilespmem:$0x14A00] =	vst v63  }
0x119: {  	v53 =	vshll.u32 v43, $0x3;
	v44 =	vld.idx.msk [tilespmem:v37+s12+$0x0], $0xffff  }
0x11a: {  	vm0 =	vgt.s32 v39, $0xF41FF;
	s18 =	spop (v2sf);
	v43 =	vand.u32 $0x70, v43;
	v40 =	vld.idx.msk [tilespmem:v40+s12+$0x0], $0xffff;
	v45 =	vand.u32 $0xC00, v53  }
0x11b: {  	s17 =	sadd.s32 $0xFFF0BE00, s18;
	v37 =	vsel vm0, $0x1, v4;
	v43 =	vor.u32 v43, v45;
	v41 =	vld.idx.msk [tilespmem:v41+s8+$0x0], $0xffff  }
0x11c: {  	p0 =	sgt.s32 s17, $0x0;
	v54 =	vbroadcast v37, $0x0;
	v42 =	vld.idx.msk [tilespmem:v42+s8+$0x0], $0xffff;
	v46 =	vor.u32 v5, v43  }
0x11d: {  	s16 =	sand.u32 $0x7F, s18;
	s17 =	simm.s32 @!p0 $0x0;
	v43 =	vor.u32 v6, v43  }
0x11e: {  	v47 =	vor.u32 s16, v7;
	s17 =	smin.u32 s17, $0x3F;
	v45 =	vand.u32 $0x1, v54  }
0x11f: {  	(v2sf) =	vpush v39, $0x3;
	v55 =	vor.u32 s16, v8;
	s18 =	sshll.u32 s17, $0x5;
	vm8 =	veq.s32 v45, $0x1  }
0x120: {  	v56 =	vor.u32 s18, v0;
	v41 =	vsel vm8, v41, v44  }
0x121: {  	s17 =	sadd.s32 $0xFFFFFFF2, s2;
	v57 =	vor.u32 s18, v3;
	v40 =	vsel vm8, v42, v40;
	[tilespmem:v46+s30+$0x0] =	vst.idx.msk $0xffff, v41  }
0x122: {  	v58 =	vmov s17;
	[tilespmem:v43+s30+$0x0] =	vst.idx.msk $0xffff, v40  }
0x123: {  	v60 =	vshll.u32 v58, $0x3;
	v59 =	vld.idx.msk [tilespmem:v47+s12+$0x0], $0xffff  }
0x124: {  	s18 =	spop (v2sf);
	v40 =	vand.u32 $0x71, v58;
	v43 =	vand.u32 $0xC00, v60;
	v45 =	vld.idx.msk [tilespmem:v55+s12+$0x0], $0xffff  }
0x125: {  	s17 =	sadd.s32 $0xFFF0BE00, s18;
	v44 =	vld.idx.msk [tilespmem:v56+s8+$0x0], $0xffff;
	v40 =	vor.u32 v40, v43  }
0x126: {  	v61 =	vbroadcast v37, $0x1;
	p0 =	sgt.s32 s17, $0x0;
	v41 =	vld.idx.msk [tilespmem:v57+s8+$0x0], $0xffff;
	v62 =	vor.u32 v5, v40  }
0x127: {  	s16 =	sand.u32 $0x7F, s18;
	s17 =	simm.s32 @!p0 $0x0;
	v40 =	vor.u32 v6, v40  }
0x128: {  	v63 =	vor.u32 s16, v9;
	s17 =	smin.u32 s17, $0x3F;
	v43 =	vand.u32 $0x1, v61  }
0x129: {  	(v2sf) =	vpush v39, $0x4;
	v48 =	vor.u32 s16, v10;
	s18 =	sshll.u32 s17, $0x5;
	vm9 =	veq.s32 v43, $0x1  }
0x12a: {  	v49 =	vor.u32 s18, v0;
	v42 =	vsel vm9, v44, v59  }
0x12b: {  	s17 =	sadd.s32 $0xFFFFFFF3, s2;
	v50 =	vor.u32 s18, v3;
	v41 =	vsel vm9, v41, v45;
	[tilespmem:v62+s30+$0x0] =	vst.idx.msk $0xffff, v42  }
0x12c: {  	v51 =	vmov s17;
	[tilespmem:v40+s30+$0x0] =	vst.idx.msk $0xffff, v41  }
0x12d: {  	v52 =	vshll.u32 v51, $0x3;
	v41 =	vld.idx.msk [tilespmem:v63+s12+$0x0], $0xffff  }
0x12e: {  	s18 =	spop (v2sf);
	v45 =	vand.u32 $0xC00, v52;
	v40 =	vand.u32 $0x72, v51;
	v43 =	vld.idx.msk [tilespmem:v48+s12+$0x0], $0xffff  }
0x12f: {  	s17 =	sadd.s32 $0xFFF0BE00, s18;
	v44 =	vld.idx.msk [tilespmem:v49+s8+$0x0], $0xffff;
	v40 =	vor.u32 v40, v45  }
0x130: {  	v53 =	vbroadcast v37, $0x2;
	p0 =	sgt.s32 s17, $0x0;
	v42 =	vld.idx.msk [tilespmem:v50+s8+$0x0], $0xffff;
	v54 =	vor.u32 v5, v40  }
0x131: {  	s16 =	sand.u32 $0x7F, s18;
	s17 =	simm.s32 @!p0 $0x0;
	v40 =	vor.u32 v6, v40  }
0x132: {  	v55 =	vor.u32 s16, v11;
	s17 =	smin.u32 s17, $0x3F;
	v45 =	vand.u32 $0x1, v53  }
0x133: {  	(v2sf) =	vpush v39, $0x5;
	v56 =	vor.u32 s16, v12;
	s18 =	sshll.u32 s17, $0x5;
	vm10 =	veq.s32 v45, $0x1  }
0x134: {  	v57 =	vor.u32 s18, v0;
	v41 =	vsel vm10, v44, v41  }
0x135: {  	s17 =	sadd.s32 $0xFFFFFFF4, s2;
	v58 =	vor.u32 s18, v3;
	v42 =	vsel vm10, v42, v43;
	[tilespmem:v54+s30+$0x0] =	vst.idx.msk $0xffff, v41  }
0x136: {  	v59 =	vmov s17;
	[tilespmem:v40+s30+$0x0] =	vst.idx.msk $0xffff, v42  }
0x137: {  	v60 =	vshll.u32 v59, $0x3;
	v42 =	vld.idx.msk [tilespmem:v55+s12+$0x0], $0xffff  }
0x138: {  	s18 =	spop (v2sf);
	v43 =	vand.u32 $0xC00, v60;
	v40 =	vand.u32 $0x73, v59;
	v45 =	vld.idx.msk [tilespmem:v56+s12+$0x0], $0xffff  }
0x139: {  	s17 =	sadd.s32 $0xFFF0BE00, s18;
	v44 =	vld.idx.msk [tilespmem:v57+s8+$0x0], $0xffff;
	v40 =	vor.u32 v40, v43  }
0x13a: {  	v61 =	vbroadcast v37, $0x3;
	p0 =	sgt.s32 s17, $0x0;
	v41 =	vld.idx.msk [tilespmem:v58+s8+$0x0], $0xffff;
	v62 =	vor.u32 v5, v40  }
0x13b: {  	s16 =	sand.u32 $0x7F, s18;
	s17 =	simm.s32 @!p0 $0x0;
	v40 =	vor.u32 v6, v40  }
0x13c: {  	v63 =	vor.u32 s16, v13;
	s17 =	smin.u32 s17, $0x3F;
	v43 =	vand.u32 $0x1, v61  }
0x13d: {  	(v2sf) =	vpush v39, $0x6;
	v48 =	vor.u32 s16, v14;
	s18 =	sshll.u32 s17, $0x5;
	vm11 =	veq.s32 v43, $0x1  }
0x13e: {  	v49 =	vor.u32 s18, v0;
	v42 =	vsel vm11, v44, v42  }
0x13f: {  	s17 =	sadd.s32 $0xFFFFFFF5, s2;
	v50 =	vor.u32 s18, v3;
	v41 =	vsel vm11, v41, v45;
	[tilespmem:v62+s30+$0x0] =	vst.idx.msk $0xffff, v42  }
0x140: {  	v51 =	vmov s17;
	[tilespmem:v40+s30+$0x0] =	vst.idx.msk $0xffff, v41  }
0x141: {  	v52 =	vshll.u32 v51, $0x3;
	v41 =	vld.idx.msk [tilespmem:v63+s12+$0x0], $0xffff  }
0x142: {  	s18 =	spop (v2sf);
	v45 =	vand.u32 $0xC00, v52;
	v40 =	vand.u32 $0x74, v51;
	v43 =	vld.idx.msk [tilespmem:v48+s12+$0x0], $0xffff  }
0x143: {  	s17 =	sadd.s32 $0xFFF0BE00, s18;
	v44 =	vld.idx.msk [tilespmem:v49+s8+$0x0], $0xffff;
	v40 =	vor.u32 v40, v45  }
0x144: {  	v53 =	vbroadcast v37, $0x4;
	p0 =	sgt.s32 s17, $0x0;
	v42 =	vld.idx.msk [tilespmem:v50+s8+$0x0], $0xffff;
	v54 =	vor.u32 v5, v40  }
0x145: {  	s16 =	sand.u32 $0x7F, s18;
	s17 =	simm.s32 @!p0 $0x0;
	v40 =	vor.u32 v6, v40  }
0x146: {  	v55 =	vor.u32 s16, v15;
	s17 =	smin.u32 s17, $0x3F;
	v45 =	vand.u32 $0x1, v53  }
0x147: {  	(v2sf) =	vpush v39, $0x7;
	v56 =	vor.u32 s16, v16;
	s18 =	sshll.u32 s17, $0x5;
	vm12 =	veq.s32 v45, $0x1  }
0x148: {  	v57 =	vor.u32 s18, v0;
	v41 =	vsel vm12, v44, v41  }
0x149: {  	s17 =	sadd.s32 $0xFFFFFFF6, s2;
	v58 =	vor.u32 s18, v3;
	v42 =	vsel vm12, v42, v43;
	[tilespmem:v54+s30+$0x0] =	vst.idx.msk $0xffff, v41  }
0x14a: {  	v59 =	vmov s17;
	[tilespmem:v40+s30+$0x0] =	vst.idx.msk $0xffff, v42  }
0x14b: {  	v60 =	vshll.u32 v59, $0x3;
	v42 =	vld.idx.msk [tilespmem:v55+s12+$0x0], $0xffff  }
0x14c: {  	s18 =	spop (v2sf);
	v43 =	vand.u32 $0xC00, v60;
	v40 =	vand.u32 $0x75, v59;
	v39 =	vld.idx.msk [tilespmem:v56+s12+$0x0], $0xffff  }
0x14d: {  	s17 =	sadd.s32 $0xFFF0BE00, s18;
	v44 =	vld.idx.msk [tilespmem:v57+s8+$0x0], $0xffff;
	v40 =	vor.u32 v40, v43  }
0x14e: {  	v61 =	vbroadcast v37, $0x5;
	p0 =	sgt.s32 s17, $0x0;
	v41 =	vld.idx.msk [tilespmem:v58+s8+$0x0], $0xffff;
	v62 =	vor.u32 v5, v40  }
0x14f: {  	s16 =	sand.u32 $0x7F, s18;
	s17 =	simm.s32 @!p0 $0x0;
	v40 =	vor.u32 v6, v40  }
0x150: {  	v63 =	vor.u32 s16, v17;
	s17 =	smin.u32 s17, $0x3F;
	v43 =	vand.u32 $0x1, v61  }
0x151: {  	v48 =	vor.u32 s16, v18;
	s18 =	sshll.u32 s17, $0x5;
	vm13 =	veq.s32 v43, $0x1  }
0x152: {  	v49 =	vor.u32 s18, v0;
	v42 =	vsel vm13, v44, v42  }
0x153: {  	s17 =	sadd.s32 $0xFFFFFFF7, s2;
	v50 =	vor.u32 s18, v3;
	v39 =	vsel vm13, v41, v39;
	[tilespmem:v62+s30+$0x0] =	vst.idx.msk $0xffff, v42  }
0x154: {  	v51 =	vmov s17;
	[tilespmem:v40+s30+$0x0] =	vst.idx.msk $0xffff, v39  }
0x155: {  	v52 =	vshll.u32 v51, $0x3;
	v40 =	vld.idx.msk [tilespmem:v63+s12+$0x0], $0xffff  }
0x156: {  	s18 =	spop (v2sf);
	v42 =	vand.u32 $0xC00, v52;
	v39 =	vand.u32 $0x76, v51;
	v43 =	vld.idx.msk [tilespmem:v48+s12+$0x0], $0xffff  }
0x157: {  	s17 =	sadd.s32 $0xFFF0BE00, s18;
	v44 =	vld.idx.msk [tilespmem:v49+s8+$0x0], $0xffff;
	v39 =	vor.u32 v39, v42  }
0x158: {  	v53 =	vbroadcast v37, $0x6;
	p0 =	sgt.s32 s17, $0x0;
	v41 =	vld.idx.msk [tilespmem:v50+s8+$0x0], $0xffff;
	v54 =	vor.u32 v5, v39  }
0x159: {  	s16 =	sand.u32 $0x7F, s18;
	s17 =	simm.s32 @!p0 $0x0;
	v39 =	vor.u32 v6, v39  }
0x15a: {  	v55 =	vor.u32 s16, v19;
	s17 =	smin.u32 s17, $0x3F;
	v42 =	vand.u32 $0x1, v53  }
0x15b: {  	v56 =	vor.u32 s16, v20;
	s17 =	sshll.u32 s17, $0x5;
	vm14 =	veq.s32 v42, $0x1  }
0x15c: {  	v57 =	vor.u32 s17, v0;
	v40 =	vsel vm14, v44, v40  }
0x15d: {  	s18 =	sadd.s32 $0xFFFFFFF8, s2;
	v58 =	vor.u32 s17, v3;
	v41 =	vsel vm14, v41, v43;
	[tilespmem:v54+s30+$0x0] =	vst.idx.msk $0xffff, v40  }
0x15e: {  	v59 =	vmov s18;
	[tilespmem:v39+s30+$0x0] =	vst.idx.msk $0xffff, v41  }
0x15f: {  	v60 =	vshll.u32 v59, $0x3;
	v39 =	vld.idx.msk [tilespmem:v55+s12+$0x0], $0xffff  }
0x160: {  	v43 =	vand.u32 $0x77, v59;
	v41 =	vand.u32 $0xC00, v60;
	v61 =	vld.idx.msk [tilespmem:v56+s12+$0x0], $0xffff  }
0x161: {  	v42 =	vld.idx.msk [tilespmem:v57+s8+$0x0], $0xffff;
	v41 =	vor.u32 v43, v41  }
0x162: {  	v62 =	vbroadcast v37, $0x7;
	v40 =	vld.idx.msk [tilespmem:v58+s8+$0x0], $0xffff;
	v63 =	vor.u32 v5, v41  }
0x163: {  	v41 =	vor.u32 v6, v41  }
0x164: {  	v43 =	vand.u32 $0x1, v62  }
0x165: {  	vm15 =	veq.s32 v43, $0x1  }
0x166: {  	v39 =	vsel vm15, v42, v39  }
0x167: {  	v40 =	vsel vm15, v40, v61;
	[tilespmem:v63+s30+$0x0] =	vst.idx.msk $0xffff, v39  }
0x168: {  	[tilespmem:v41+s30+$0x0] =	vst.idx.msk $0xffff, v40  }
0x169: {  	_ =	swait.ge [sflag:s31], $0x1000  }
0x16a: {  	[sflag:s31] =	ssyncset.done $0x0  }
0x16b: {  	[sflag:s31] =	ssyncadd.s32 $0xFFFFF000  }
0x16c: {  	_ =	swait.ge [sflag:s31], $0x1000  }
0x16d: {  	[sflag:s31] =	ssyncset.done $0x0  }
0x16e: {  	[sflag:s31] =	ssyncadd.s32 $0xFFFFF000  }
0x16f: {  	_ =	swait.ge [sflag:s31], $0x1000  }
0x170: {  	[sflag:s31] =	ssyncset.done $0x0  }
0x171: {  	[sflag:s31] =	ssyncadd.s32 $0xFFFFF000  }
0x172: {  	_ =	swait.ge [sflag:s31], $0x1000  }
0x173: {  	[sflag:s31] =	ssyncset.done $0x0  }
0x174: {  	[sflag:s31] =	ssyncadd.s32 $0xFFFFF000  }
0x175: {  	_ =	swait.ge [sflag:s31], $0x1000  }
0x176: {  	[sflag:s31] =	ssyncset.done $0x0  }
0x177: {  	[sflag:s31] =	ssyncadd.s32 $0xFFFFF000  }
0x178: {  	_ =	swait.ge [sflag:s31], $0x1000  }
0x179: {  	[sflag:s31] =	ssyncset.done $0x0  }
0x17a: {  	[sflag:s31] =	ssyncadd.s32 $0xFFFFF000  }
0x17b: {  	p0 =	seq.s32 s2, $0x1FF;
	_ =	swait.ge [sflag:s31], $0x1000  }
.Ltmp4:
0x17c: {  	[sflag:s31] =	ssyncset.done $0x0;
	(pc) =	sbr.rel @p0 .LBB2_4-.Ltmp4, $4  }
0x17d: {  	[sflag:s31] =	ssyncadd.s32 $0xFFFFF000  }
0x17e: {  	_ =	swait.ge [sflag:s31], $0x1000  }
0x17f: {  	[sflag:s31] =	ssyncset.done $0x0  }
0x180: {  	[sflag:s31] =	ssyncadd.s32 $0xFFFFF000  }
0x181: {  	v38 =	vshra.s32 v38, $0x7  }
0x182: {  	(v2sf) =	vpush v38, $0x0;
	_ =	sdelay $0x6  }
0x183: {  	(v2sf) =	vpush v38, $0x1;
	_ =	sdelay $0x6  }
0x184: {  	(v2sf) =	vpush v38, $0x2  }
0x185: {  	s16 =	spop (v2sf)  }
0x186: {  	p0 =	slt.s32 s16, $0x1E83  }
0x187: {  	s16 =	simm.s32 @!p0 $0x1E83  }
0x188: {  	s16 =	sshll.u32 s16, $0x7  }
0x189: {  	s16 =	sand.u32 $0x1FFFFF80, s16  }
0x18a: {  	s16 =	sadd.s32 s0, s16  }
0x18b: {  	(v2sf) =	vpush v38, $0x3;
	[tilespmem:s12], [sflag:$0x1] =	stream.strided.gather [hbm4b:s16+s9], $0x1000, s11, s9, $0x38;
	[tilespmem:$0x14A00] =	vst v63  }
0x18c: {  	s16 =	spop (v2sf)  }
0x18d: {  	p0 =	slt.s32 s16, $0x1E83  }
0x18e: {  	s16 =	simm.s32 @!p0 $0x1E83  }
0x18f: {  	s16 =	sshll.u32 s16, $0x7  }
0x190: {  	s16 =	sand.u32 $0x1FFFFF80, s16  }
0x191: {  	s17 =	simm.s32 $0x1200;
	s16 =	sadd.s32 s0, s16  }
0x192: {  	(v2sf) =	vpush v38, $0x4;
	[tilespmem:s17], [sflag:$0x1] =	stream.strided.gather [hbm4b:s16+s9], $0x1000, s11, s9, $0x38;
	[tilespmem:$0x14A00] =	vst v63  }
0x193: {  	s16 =	spop (v2sf)  }
0x194: {  	p0 =	slt.s32 s16, $0x1E83  }
0x195: {  	s16 =	simm.s32 @!p0 $0x1E83  }
0x196: {  	s16 =	sshll.u32 s16, $0x7  }
0x197: {  	s16 =	sand.u32 $0x1FFFFF80, s16  }
0x198: {  	s18 =	simm.s32 $0x2200;
	s16 =	sadd.s32 s0, s16  }
0x199: {  	(v2sf) =	vpush v38, $0x5;
	[tilespmem:s18], [sflag:$0x1] =	stream.strided.gather [hbm4b:s16+s9], $0x1000, s11, s9, $0x38;
	[tilespmem:$0x14A00] =	vst v63  }
0x19a: {  	s16 =	spop (v2sf)  }
0x19b: {  	p0 =	slt.s32 s16, $0x1E83  }
0x19c: {  	s16 =	simm.s32 @!p0 $0x1E83  }
0x19d: {  	s16 =	sshll.u32 s16, $0x7  }
0x19e: {  	s16 =	sand.u32 $0x1FFFFF80, s16  }
0x19f: {  	s18 =	simm.s32 $0x3200;
	s16 =	sadd.s32 s0, s16  }
0x1a0: {  	(v2sf) =	vpush v38, $0x6;
	[tilespmem:s18], [sflag:$0x1] =	stream.strided.gather [hbm4b:s16+s9], $0x1000, s11, s9, $0x38;
	[tilespmem:$0x14A00] =	vst v63  }
0x1a1: {  	s16 =	spop (v2sf)  }
0x1a2: {  	p0 =	slt.s32 s16, $0x1E83  }
0x1a3: {  	s16 =	simm.s32 @!p0 $0x1E83  }
0x1a4: {  	s16 =	sshll.u32 s16, $0x7  }
0x1a5: {  	s16 =	sand.u32 $0x1FFFFF80, s16  }
0x1a6: {  	s18 =	simm.s32 $0x4200;
	s16 =	sadd.s32 s0, s16  }
0x1a7: {  	(v2sf) =	vpush v38, $0x7;
	[tilespmem:s18], [sflag:$0x1] =	stream.strided.gather [hbm4b:s16+s9], $0x1000, s11, s9, $0x38;
	[tilespmem:$0x14A00] =	vst v63  }
0x1a8: {  	s16 =	spop (v2sf)  }
0x1a9: {  	p0 =	slt.s32 s16, $0x1E83  }
0x1aa: {  	s16 =	simm.s32 @!p0 $0x1E83  }
0x1ab: {  	s16 =	sshll.u32 s16, $0x7  }
0x1ac: {  	s16 =	sand.u32 $0x1FFFFF80, s16  }
0x1ad: {  	s18 =	simm.s32 $0x5200;
	s16 =	sadd.s32 s0, s16  }
0x1ae: {  	[tilespmem:s18], [sflag:$0x1] =	stream.strided.gather [hbm4b:s16+s9], $0x1000, s11, s9, $0x38;
	[tilespmem:$0x14A00] =	vst v63  }
0x1af: {  	s16 =	spop (v2sf)  }
0x1b0: {  	p0 =	slt.s32 s16, $0x1E83  }
0x1b1: {  	s16 =	simm.s32 @!p0 $0x1E83  }
0x1b2: {  	s16 =	sshll.u32 s16, $0x7  }
0x1b3: {  	s16 =	sand.u32 $0x1FFFFF80, s16  }
0x1b4: {  	s18 =	simm.s32 $0x6200;
	s16 =	sadd.s32 s0, s16  }
0x1b5: {  	[tilespmem:s18], [sflag:$0x1] =	stream.strided.gather [hbm4b:s16+s9], $0x1000, s11, s9, $0x38;
	[tilespmem:$0x14A00] =	vst v63  }
0x1b6: {  	s16 =	spop (v2sf)  }
0x1b7: {  	p0 =	slt.s32 s16, $0x1E83  }
.Ltmp5:
0x1b8: {  	s16 =	simm.s32 @!p0 $0x1E83;
	(pc) =	sbr.rel .LBB2_4-.Ltmp5, $4  }
0x1b9: {  	s16 =	sshll.u32 s16, $0x7  }
0x1ba: {  	s16 =	sand.u32 $0x1FFFFF80, s16  }
0x1bb: {  	s16 =	sadd.s32 s0, s16  }
0x1bc: {  	[tilespmem:s19], [sflag:$0x1] =	stream.strided.gather [hbm4b:s16+s9], $0x1000, s11, s9, $0x38;
	[tilespmem:$0x14A00] =	vst v63  }
.LBB2_6:
0x1bd: {  	_ =	sfence.sel $0x180000  }
0x1be: {  	[bflag:$0x0] =	sbarrier.arrive $0xFFFF  }
0x1bf: {  	_ =	strace $0x90000047  }
0x1c0: {  	s0 =	stileid.u32;
	[bflag:$0x2] =	sbarrier.arrive $0xFFFF  }
0x1c1: {  	p0 =	sne.s32 s0, $0x0;
	s0 =	rddreg [dreg:$0x4]  }
0x1c2: {  	s0 =	sadd.s32 @!p0 $0x100000, s0  }
0x1c3: {  	[sflag:s0] =	ssyncadd.tile.s32 @!p0 $0x1;
	_ =	shalt  }
.Lfunc_end2:
_tile_overlayer_lowered:
.L_overlay_start_2:
0x1c4: {  	(tag) =	ssettag $0x2  }
0x1c5: {  	s0 =	rddreg [dreg:$0x0];
	s2 =	stileid.u32  }
0x1c6: {  	s1 =	rddreg [dreg:$0x1];
	p0 =	sne.s32 s2, $0x0  }
0x1c7: {  	s3 =	rddreg [dreg:$0x2];
	[bflag:$0x3] =	sbarrier.arrive $0xFFFF;
	s2 =	simm.s32 @!p0 $0x1C03  }
0x1c8: {  	[timem:s3], [sflag:s2] =	dma.local @!p0 [hbm:s0], s1  }
0x1c9: {  	s0 =	simm.s32 @!p0 $0x3  }
0x1ca: {  	_ =	swait.ge @!p0 [sflag:s0], s1  }
0x1cb: {  	s1 =	ssub.s32 @!p0 $0x0, s1;
	[sflag:s0] =	ssyncset.done @!p0 $0x0  }
0x1cc: {  	[sflag:s0] =	ssyncadd.s32 @!p0 s1  }
0x1cd: {  	[bflag:$0x3] =	sbarrier.arrive $0xFFFF  }
0x1ce: {  	_ =	shalt  }

</sc_bundles>
